<compile_context>
chip_gen: v7x
topology: tpu7x:2x2x1
jax: 0.10.2.dev20260603
libtpu: 0.0.44.dev20260713+nightly
codegen_flags: <defaults>
</compile_context>

<pallas_src>
import numpy as np
import jax
import jax.numpy as jnp
from jax import lax
from jax.experimental import pallas as pl
from jax.experimental.pallas import tpu as pltpu
from jax.experimental.pallas import tpu_sc as plsc

N = 65536
D = 64
K = int(N * 0.1)

NUM_CORES = 2
NUM_SUBCORES = 16
LANES = 16
NWORKERS = NUM_CORES * NUM_SUBCORES
COLS_PER_W = D // NWORKERS

NVEC = N // LANES
MIN32 = np.int32(-(2**31))


NSEG = 4
SEG = N // NSEG


def _sc_select_body(bits_hbm, out_hbm, colbuf, hist, persum, rowbuf,
                    sem0, sem1, sem2, sem3):
  wid = lax.axis_index("s") * NUM_CORES + lax.axis_index("c")
  lane = lax.iota(jnp.int32, LANES)
  ones = jnp.ones((LANES,), jnp.int32)
  zeros16 = jnp.zeros((LANES,), jnp.int32)

  def extract(vec, idx):
    return jnp.sum(jnp.where(lane == idx, vec, 0))

  def desc_scan(get, n16, r):
    def body(jj, c):
      acc, idx, rn, cnt, done = c
      j = n16 - 1 - jj
      vec = get(j)
      rv = lax.rev(vec, (0,))
      cs = jnp.cumsum(rv)
      cond = (acc + cs) >= r
      lam = jnp.sum(jnp.where(cond, 0, 1))
      hit = jnp.logical_and(lam < LANES, done == 0)
      csl = extract(cs, lam)
      rvl = extract(rv, lam)
      idx = jnp.where(hit, j * LANES + (LANES - 1) - lam, idx)
      rn = jnp.where(hit, r - (acc + csl - rvl), rn)
      cnt = jnp.where(hit, rvl, cnt)
      done = jnp.where(hit, 1, done)
      return acc + jnp.sum(vec), idx, rn, cnt, done
    z = jnp.int32(0)
    _, idx, rn, cnt, _ = lax.fori_loop(0, n16, body, (z, z, z, z, z))
    return idx, rn, cnt

  def asc_scan(get, n16, r):
    def body(j, c):
      acc, idx, rn, cnt, done = c
      vec = get(j)
      cs = jnp.cumsum(vec)
      cond = (acc + cs) >= r
      lam = jnp.sum(jnp.where(cond, 0, 1))
      hit = jnp.logical_and(lam < LANES, done == 0)
      csl = extract(cs, lam)
      vl = extract(vec, lam)
      idx = jnp.where(hit, j * LANES + lam, idx)
      rn = jnp.where(hit, r - (acc + csl - vl), rn)
      cnt = jnp.where(hit, vl, cnt)
      done = jnp.where(hit, 1, done)
      return acc + jnp.sum(vec), idx, rn, cnt, done
    z = jnp.int32(0)
    _, idx, rn, cnt, _ = lax.fori_loop(0, n16, body, (z, z, z, z, z))
    return idx, rn, cnt

  def build_persum(nbins):
    @plsc.parallel_loop(0, nbins // LANES, unroll=8)
    def _(j):
      s = jnp.sum(hist[pl.ds(j * LANES, LANES)])
      plsc.store_scatter(persum, [jnp.full((LANES,), j, jnp.int32)],
                         jnp.full((LANES,), s, jnp.int32), mask=lane == 0)

  def clear_hist(nwords):
    @plsc.parallel_loop(0, nwords // LANES, unroll=8)
    def _(j):
      hist[pl.ds(j * LANES, LANES)] = zeros16

  def walk_desc(off, nbins, psoff, r):
    nch = nbins // LANES
    c, rc, _ = desc_scan(
        lambda j: persum[pl.ds(psoff + j * LANES, LANES)], nch // LANES, r)
    b, rn, cnt = desc_scan(
        lambda j: hist[pl.ds(off + c * LANES, LANES)], 1, rc)
    return c * LANES + b, rn, cnt

  def walk_asc(off, nbins, psoff, r):
    nch = nbins // LANES
    c, rc, _ = asc_scan(
        lambda j: persum[pl.ds(psoff + j * LANES, LANES)], nch // LANES, r)
    b, rn, cnt = asc_scan(
        lambda j: hist[pl.ds(off + c * LANES, LANES)], 1, rc)
    return c * LANES + b, rn, cnt

  def per_column(jcol, carry):
    col = wid * COLS_PER_W + jcol
    sems = [sem0, sem1, sem2, sem3]
    copies = [
        pltpu.async_copy(bits_hbm.at[col, pl.ds(g * SEG, SEG)],
                         colbuf.at[pl.ds(g * SEG, SEG)], sems[g])
        for g in range(NSEG)
    ]
    clear_hist(8192)

    for g in range(NSEG):
      copies[g].wait()

      @plsc.parallel_loop(g * (NVEC // NSEG), (g + 1) * (NVEC // NSEG),
                          unroll=8)
      def _(i):
        sl = pl.ds(i * LANES, LANES)
        b = colbuf[sl]
        s = lax.shift_right_arithmetic(b, 31)
        u = b ^ (s | MIN32)
        colbuf[sl] = u
        plsc.addupdate_scatter(hist, [lax.shift_right_logical(u, 19)], ones)

    build_persum(8192)
    p1t, r1t, _ = walk_desc(0, 8192, 0, jnp.int32(K))
    p1b, r1b, _ = walk_asc(0, 8192, 0, jnp.int32(K))
    clear_hist(4096)

    @plsc.parallel_loop(0, NVEC, unroll=8)
    def _(i):
      u = colbuf[pl.ds(i * LANES, LANES)]
      pref = lax.shift_right_logical(u, 19)
      bb = lax.shift_right_logical(u, 8) & 2047
      plsc.addupdate_scatter(hist, [bb], ones, mask=pref == p1t)
      plsc.addupdate_scatter(hist, [bb + 2048], ones, mask=pref == p1b)

    build_persum(4096)
    bt, r2t, _ = walk_desc(0, 2048, 0, r1t)
    bb_, r2b, _ = walk_asc(2048, 2048, 128, r1b)
    p2t = p1t * 2048 + bt
    p2b = p1b * 2048 + bb_
    clear_hist(512)

    @plsc.parallel_loop(0, NVEC, unroll=8)
    def _(i):
      u = colbuf[pl.ds(i * LANES, LANES)]
      pref = lax.shift_right_logical(u, 8)
      bb = u & 255
      plsc.addupdate_scatter(hist, [bb], ones, mask=pref == p2t)
      plsc.addupdate_scatter(hist, [bb + 256], ones, mask=pref == p2b)

    build_persum(512)
    bt, r3t, n_t = walk_desc(0, 256, 0, r2t)
    bb_, r3b, n_b = walk_asc(256, 256, 16, r2b)
    ut = lax.shift_left(p2t, 8) | bt
    ub = lax.shift_left(p2b, 8) | bb_

    a_t = jnp.full((LANES,), r3t, jnp.int32).astype(jnp.float32) / \
        jnp.full((LANES,), n_t, jnp.int32).astype(jnp.float32)
    a_b = jnp.full((LANES,), r3b, jnp.int32).astype(jnp.float32) / \
        jnp.full((LANES,), n_b, jnp.int32).astype(jnp.float32)

    row = jnp.where(lane == 0, ut ^ MIN32, jnp.where(lane == 1, ub ^ MIN32, 0))
    row = jnp.where(lane == 2, plsc.bitcast(a_t, jnp.int32), row)
    row = jnp.where(lane == 3, plsc.bitcast(a_b, jnp.int32), row)
    rowbuf[...] = row
    pltpu.sync_copy(rowbuf, out_hbm.at[col])
    return carry

  lax.fori_loop(0, COLS_PER_W, per_column, 0)


def _sc_select(bits_t):
  mesh = plsc.VectorSubcoreMesh(core_axis_name="c", subcore_axis_name="s")
  return pl.kernel(
      _sc_select_body,
      out_type=jax.ShapeDtypeStruct((D, LANES), jnp.int32),
      mesh=mesh,
      compiler_params=pltpu.CompilerParams(needs_layout_passes=False),
      scratch_types=[
          pltpu.VMEM((N,), jnp.int32),
          pltpu.VMEM((8192,), jnp.int32),
          pltpu.VMEM((512,), jnp.int32),
          pltpu.VMEM((LANES,), jnp.int32),
          pltpu.SemaphoreType.DMA,
          pltpu.SemaphoreType.DMA,
          pltpu.SemaphoreType.DMA,
          pltpu.SemaphoreType.DMA,
      ],
  )(bits_t)


CHUNK = 8192
NBLK = N // CHUNK


def _tc_reduce_body(thr_ref, b_ref, t_ref, o_ref, acc_ref):
  i = pl.program_id(0)

  @pl.when(i == 0)
  def _():
    acc_ref[...] = jnp.zeros((D, CHUNK), jnp.float32)

  b = b_ref[...]
  m = lax.shift_right_logical(lax.shift_right_arithmetic(b, 31), 1)
  v = b ^ m
  tgt = t_ref[...]
  t_t = thr_ref[:, 0:1]
  t_b = thr_ref[:, 1:2]
  a_t = lax.bitcast_convert_type(thr_ref[:, 2:3], jnp.float32)
  a_b = lax.bitcast_convert_type(thr_ref[:, 3:4], jnp.float32)
  w = jnp.where(v > t_t, 1.0, jnp.where(v == t_t, a_t, 0.0)) - \
      jnp.where(v < t_b, 1.0, jnp.where(v == t_b, a_b, 0.0))
  acc_ref[...] += w * tgt

  @pl.when(i == NBLK - 1)
  def _():
    s = jnp.sum(acc_ref[...], axis=1, keepdims=True) * jnp.float32(1.0 / K)
    o_ref[...] = jnp.concatenate(
        [s, jnp.zeros((D, 7), jnp.float32)], axis=1)


def _tc_reduce(thr, bits_t, targets_t):
  return pl.pallas_call(
      _tc_reduce_body,
      grid=(NBLK,),
      in_specs=[
          pl.BlockSpec((D, 16), lambda i: (0, 0)),
          pl.BlockSpec((D, CHUNK), lambda i: (0, i)),
          pl.BlockSpec((D, CHUNK), lambda i: (0, i)),
      ],
      out_specs=pl.BlockSpec((D, 8), lambda i: (0, 0)),
      out_shape=jax.ShapeDtypeStruct((D, 8), jnp.float32),
      scratch_shapes=[pltpu.VMEM((D, CHUNK), jnp.float32)],
  )(thr, bits_t, targets_t)


@jax.jit
def kernel(preds, targets):
  bits_t = lax.bitcast_convert_type(preds, jnp.int32).T
  thr = _sc_select(bits_t)
  out = _tc_reduce(thr, bits_t, targets.T)
  return out[:, 0]

# --- scband reference (transcript-rebuilt; emitter-appended) ---
"""Pipeline reference for scband-tiered-returns-11330123727497 (READ-ONLY COPY).

The authoritative reference and input builder live on the scoring server;
editing this copy changes nothing except your own understanding.
"""

import jax, jax.numpy as jnp
import numpy as np

TOP_RATIO = 0.1


def setup_inputs(seed: int = 0) -> dict:
    key = jax.random.key(seed)
    k1, k2 = jax.random.split(key)
    preds = jax.random.normal(k1, (65536, 64), dtype=jnp.float32)
    targets = jax.random.normal(k2, (65536, 64), dtype=jnp.float32)
    return {"preds": preds, "targets": targets}


def reference(preds, targets):
    # mode='spread': TopK% mean target minus BottomK% mean target, per column
    N = preds.shape[0]
    k = int(N * TOP_RATIO)
    pt = preds.T   # [D, N] -- lax.top_k works on last axis
    tt = targets.T # [D, N]
    _, top_idx = jax.lax.top_k(pt, k)            # [D, k]
    top_ret = jnp.take_along_axis(tt, top_idx, axis=1).mean(axis=1)  # [D]
    _, bot_idx = jax.lax.top_k(-pt, k)           # bottom-k via negation
    bot_ret = jnp.take_along_axis(tt, bot_idx, axis=1).mean(axis=1)  # [D]
    ret = top_ret - bot_ret                      # [D]
    # ret.ndim == 1, so return directly (matches torch: ret.mean(dim=0) only if dim>1)
    return ret

if __name__ == "__main__":
    import jax
    _d = setup_inputs()
    print(jax.jit(kernel)(*tuple(_d.values())))

</pallas_src>

<mosaic_0001>
#map = affine_map<(d0, d1) -> (0, 0)>
module attributes {stable_mosaic.version = 14 : i64} {
  func.func @_sc_select_body(%arg0: i32, %arg1: i32, %arg2: memref<64x65536xi32, #tpu.memory_space<hbm>>, %arg3: memref<64x16xi32, #tpu.memory_space<hbm>>, %arg4: memref<65536xi32, #tpu.memory_space<vmem>>, %arg5: memref<8192xi32, #tpu.memory_space<vmem>>, %arg6: memref<512xi32, #tpu.memory_space<vmem>>, %arg7: memref<16xi32, #tpu.memory_space<vmem>>, %arg8: memref<!tpu.dma_semaphore, #tpu.memory_space<semaphore_mem>>, %arg9: memref<!tpu.dma_semaphore, #tpu.memory_space<semaphore_mem>>, %arg10: memref<!tpu.dma_semaphore, #tpu.memory_space<semaphore_mem>>, %arg11: memref<!tpu.dma_semaphore, #tpu.memory_space<semaphore_mem>>) attributes {dimension_semantics = [#tpu.dimension_semantics<core_parallel>, #tpu.dimension_semantics<subcore_parallel>], iteration_bounds = array<i64: 2, 16>, scalar_prefetch = 0 : i64, scratch_operands = 8 : i64, tpu.core_type = #tpu.core_type<sc_vector_subcore>, window_params = [{transform_indices = #map}, {transform_indices = #map}]} {
    %mul3A = arith.constant 2 : i32
    %mul3A_0 = arith.muli %arg1, %mul3A : i32
    %add3A = arith.addi %mul3A_0, %arg0 : i32
    %iota3A = tpu.iota {dimensions = array<i32: 0>} : vector<16xi32>
    %broadcast_in_dim3A = arith.constant 1 : i32
    %broadcast_in_dim3A_1 = vector.broadcast %broadcast_in_dim3A : i32 to vector<16xi32>
    %broadcast_in_dim3A_2 = arith.constant 0 : i32
    %broadcast_in_dim3A_3 = vector.broadcast %broadcast_in_dim3A_2 : i32 to vector<16xi32>
    %scan3A = arith.constant 0 : i32
    %scan3A_4 = arith.constant 0 : i32
    %scan3A_5 = arith.constant 2 : i32
    %scan3A_6 = arith.addi %scan3A_4, %scan3A_5 : i32
    %scan3A_7 = arith.constant 1 : i32
    scf.for %scan3A_9 = %scan3A_4 to %scan3A_6 step %scan3A_7  : i32 {
      %mul3A_10 = arith.constant 2 : i32
      %mul3A_11 = arith.muli %add3A, %mul3A_10 : i32
      %add3A_12 = arith.addi %mul3A_11, %scan3A_9 : i32
      %dma_start3A = arith.constant 0 : i32
      %dma_start3A_13 = tpu.memref_slice %arg4[%dma_start3A] : memref<65536xi32, #tpu.memory_space<vmem>> -> memref<16384xi32, #tpu.memory_space<vmem>>
      %dma_start3A_14 = arith.constant 0 : i32
      %dma_start3A_15 = tpu.memref_slice %arg2[%add3A_12, %dma_start3A_14] : memref<64x65536xi32, #tpu.memory_space<hbm>> -> memref<1x16384xi32, #tpu.memory_space<hbm>>
      %dma_start3A_16 = tpu.memref_squeeze %dma_start3A_15 : memref<1x16384xi32, #tpu.memory_space<hbm>> -> memref<16384xi32, #tpu.memory_space<hbm>>
      %dma_start3A_17 = arith.constant 0 : i32
      %dma_start3A_18 = tpu.memref_slice %arg4[%dma_start3A_17] : memref<65536xi32, #tpu.memory_space<vmem>> -> memref<16384xi32, #tpu.memory_space<vmem>>
      %dma_start3A_19 = arith.constant 0 : i32
      %dma_start3A_20 = tpu.memref_slice %arg2[%add3A_12, %dma_start3A_19] : memref<64x65536xi32, #tpu.memory_space<hbm>> -> memref<1x16384xi32, #tpu.memory_space<hbm>>
      %dma_start3A_21 = tpu.memref_squeeze %dma_start3A_20 : memref<1x16384xi32, #tpu.memory_space<hbm>> -> memref<16384xi32, #tpu.memory_space<hbm>>
      tpu.enqueue_dma source(%dma_start3A_21 : memref<16384xi32, #tpu.memory_space<hbm>>) target(%dma_start3A_18 : memref<16384xi32, #tpu.memory_space<vmem>>) target_semaphore(%arg8 : memref<!tpu.dma_semaphore, #tpu.memory_space<semaphore_mem>>)
      %dma_start3A_22 = arith.constant 16384 : i32
      %dma_start3A_23 = tpu.memref_slice %arg4[%dma_start3A_22] : memref<65536xi32, #tpu.memory_space<vmem>> -> memref<16384xi32, #tpu.memory_space<vmem>>
      %dma_start3A_24 = arith.constant 16384 : i32
      %dma_start3A_25 = tpu.memref_slice %arg2[%add3A_12, %dma_start3A_24] : memref<64x65536xi32, #tpu.memory_space<hbm>> -> memref<1x16384xi32, #tpu.memory_space<hbm>>
      %dma_start3A_26 = tpu.memref_squeeze %dma_start3A_25 : memref<1x16384xi32, #tpu.memory_space<hbm>> -> memref<16384xi32, #tpu.memory_space<hbm>>
      %dma_start3A_27 = arith.constant 16384 : i32
      %dma_start3A_28 = tpu.memref_slice %arg4[%dma_start3A_27] : memref<65536xi32, #tpu.memory_space<vmem>> -> memref<16384xi32, #tpu.memory_space<vmem>>
      %dma_start3A_29 = arith.constant 16384 : i32
      %dma_start3A_30 = tpu.memref_slice %arg2[%add3A_12, %dma_start3A_29] : memref<64x65536xi32, #tpu.memory_space<hbm>> -> memref<1x16384xi32, #tpu.memory_space<hbm>>
      %dma_start3A_31 = tpu.memref_squeeze %dma_start3A_30 : memref<1x16384xi32, #tpu.memory_space<hbm>> -> memref<16384xi32, #tpu.memory_space<hbm>>
      tpu.enqueue_dma source(%dma_start3A_31 : memref<16384xi32, #tpu.memory_space<hbm>>) target(%dma_start3A_28 : memref<16384xi32, #tpu.memory_space<vmem>>) target_semaphore(%arg9 : memref<!tpu.dma_semaphore, #tpu.memory_space<semaphore_mem>>)
      %dma_start3A_32 = arith.constant 32768 : i32
      %dma_start3A_33 = tpu.memref_slice %arg4[%dma_start3A_32] : memref<65536xi32, #tpu.memory_space<vmem>> -> memref<16384xi32, #tpu.memory_space<vmem>>
      %dma_start3A_34 = arith.constant 32768 : i32
      %dma_start3A_35 = tpu.memref_slice %arg2[%add3A_12, %dma_start3A_34] : memref<64x65536xi32, #tpu.memory_space<hbm>> -> memref<1x16384xi32, #tpu.memory_space<hbm>>
      %dma_start3A_36 = tpu.memref_squeeze %dma_start3A_35 : memref<1x16384xi32, #tpu.memory_space<hbm>> -> memref<16384xi32, #tpu.memory_space<hbm>>
      %dma_start3A_37 = arith.constant 32768 : i32
      %dma_start3A_38 = tpu.memref_slice %arg4[%dma_start3A_37] : memref<65536xi32, #tpu.memory_space<vmem>> -> memref<16384xi32, #tpu.memory_space<vmem>>
      %dma_start3A_39 = arith.constant 32768 : i32
      %dma_start3A_40 = tpu.memref_slice %arg2[%add3A_12, %dma_start3A_39] : memref<64x65536xi32, #tpu.memory_space<hbm>> -> memref<1x16384xi32, #tpu.memory_space<hbm>>
      %dma_start3A_41 = tpu.memref_squeeze %dma_start3A_40 : memref<1x16384xi32, #tpu.memory_space<hbm>> -> memref<16384xi32, #tpu.memory_space<hbm>>
      tpu.enqueue_dma source(%dma_start3A_41 : memref<16384xi32, #tpu.memory_space<hbm>>) target(%dma_start3A_38 : memref<16384xi32, #tpu.memory_space<vmem>>) target_semaphore(%arg10 : memref<!tpu.dma_semaphore, #tpu.memory_space<semaphore_mem>>)
      %dma_start3A_42 = arith.constant 49152 : i32
      %dma_start3A_43 = tpu.memref_slice %arg4[%dma_start3A_42] : memref<65536xi32, #tpu.memory_space<vmem>> -> memref<16384xi32, #tpu.memory_space<vmem>>
      %dma_start3A_44 = arith.constant 49152 : i32
      %dma_start3A_45 = tpu.memref_slice %arg2[%add3A_12, %dma_start3A_44] : memref<64x65536xi32, #tpu.memory_space<hbm>> -> memref<1x16384xi32, #tpu.memory_space<hbm>>
      %dma_start3A_46 = tpu.memref_squeeze %dma_start3A_45 : memref<1x16384xi32, #tpu.memory_space<hbm>> -> memref<16384xi32, #tpu.memory_space<hbm>>
      %dma_start3A_47 = arith.constant 49152 : i32
      %dma_start3A_48 = tpu.memref_slice %arg4[%dma_start3A_47] : memref<65536xi32, #tpu.memory_space<vmem>> -> memref<16384xi32, #tpu.memory_space<vmem>>
      %dma_start3A_49 = arith.constant 49152 : i32
      %dma_start3A_50 = tpu.memref_slice %arg2[%add3A_12, %dma_start3A_49] : memref<64x65536xi32, #tpu.memory_space<hbm>> -> memref<1x16384xi32, #tpu.memory_space<hbm>>
      %dma_start3A_51 = tpu.memref_squeeze %dma_start3A_50 : memref<1x16384xi32, #tpu.memory_space<hbm>> -> memref<16384xi32, #tpu.memory_space<hbm>>
      tpu.enqueue_dma source(%dma_start3A_51 : memref<16384xi32, #tpu.memory_space<hbm>>) target(%dma_start3A_48 : memref<16384xi32, #tpu.memory_space<vmem>>) target_semaphore(%arg11 : memref<!tpu.dma_semaphore, #tpu.memory_space<semaphore_mem>>)
      %parallel_loop3A = arith.constant 0 : i32
      %parallel_loop3A_52 = arith.constant 512 : i32
      %parallel_loop3A_53 = arith.constant 1 : i32
      scf.for %parallel_loop3A_802 = %parallel_loop3A to %parallel_loop3A_52 step %parallel_loop3A_53  : i32 {
        %parallel_loop3A_803 = arith.constant 16 : i32
        %parallel_loop3A_804 = arith.muli %parallel_loop3A_802, %parallel_loop3A_803 : i32
        %parallel_loop3A_805 = arith.index_cast %parallel_loop3A_804 : i32 to index
        %parallel_loop3A_806 = tpu.vector_load %arg5[%parallel_loop3A_805] {strides = array<i32>} : memref<8192xi32, #tpu.memory_space<vmem>>, vector<16xi32>,
        tpu.vector_store %arg5[%parallel_loop3A_805], %broadcast_in_dim3A_3 {strides = array<i32>} : memref<8192xi32, #tpu.memory_space<vmem>>, vector<16xi32>,
      } {sc.loop_unroll_factor = 8 : i64, sc.parallel_access}
      %dma_wait3A = arith.constant 0 : i32
      %dma_wait3A_54 = tpu.memref_slice %arg4[%dma_wait3A] : memref<65536xi32, #tpu.memory_space<vmem>> -> memref<16384xi32, #tpu.memory_space<vmem>>
      %dma_wait3A_55 = arith.constant 0 : i32
      %dma_wait3A_56 = tpu.memref_slice %arg2[%add3A_12, %dma_wait3A_55] : memref<64x65536xi32, #tpu.memory_space<hbm>> -> memref<1x16384xi32, #tpu.memory_space<hbm>>
      %dma_wait3A_57 = tpu.memref_squeeze %dma_wait3A_56 : memref<1x16384xi32, #tpu.memory_space<hbm>> -> memref<16384xi32, #tpu.memory_space<hbm>>
      %dma_wait3A_58 = arith.constant 0 : i32
      %dma_wait3A_59 = tpu.memref_slice %arg4[%dma_wait3A_58] : memref<65536xi32, #tpu.memory_space<vmem>> -> memref<16384xi32, #tpu.memory_space<vmem>>
      %dma_wait3A_60 = arith.constant 0 : i32
      %dma_wait3A_61 = tpu.memref_slice %arg2[%add3A_12, %dma_wait3A_60] : memref<64x65536xi32, #tpu.memory_space<hbm>> -> memref<1x16384xi32, #tpu.memory_space<hbm>>
      %dma_wait3A_62 = tpu.memref_squeeze %dma_wait3A_61 : memref<1x16384xi32, #tpu.memory_space<hbm>> -> memref<16384xi32, #tpu.memory_space<hbm>>
      tpu.wait_dma2 semaphore(%arg8 : memref<!tpu.dma_semaphore, #tpu.memory_space<semaphore_mem>>) src(%dma_wait3A_62 : memref<16384xi32, #tpu.memory_space<hbm>>) dst(%dma_wait3A_59 : memref<16384xi32, #tpu.memory_space<vmem>>)
      %parallel_loop3A_63 = arith.constant 0 : i32
      %parallel_loop3A_64 = arith.constant 1024 : i32
      %parallel_loop3A_65 = arith.constant 1 : i32
      scf.for %parallel_loop3A_802 = %parallel_loop3A_63 to %parallel_loop3A_64 step %parallel_loop3A_65  : i32 {
        %parallel_loop3A_803 = arith.constant 16 : i32
        %parallel_loop3A_804 = arith.muli %parallel_loop3A_802, %parallel_loop3A_803 : i32
        %parallel_loop3A_805 = arith.index_cast %parallel_loop3A_804 : i32 to index
        %parallel_loop3A_806 = tpu.vector_load %arg4[%parallel_loop3A_805] {strides = array<i32>} : memref<65536xi32, #tpu.memory_space<vmem>>, vector<16xi32>,
        %parallel_loop3A_807 = arith.constant 31 : i32
        %parallel_loop3A_808 = vector.broadcast %parallel_loop3A_807 : i32 to vector<16xi32>
        %parallel_loop3A_809 = arith.shrsi %parallel_loop3A_806, %parallel_loop3A_808 : vector<16xi32>
        %parallel_loop3A_810 = arith.constant -2147483648 : i32
        %parallel_loop3A_811 = vector.broadcast %parallel_loop3A_810 : i32 to vector<16xi32>
        %parallel_loop3A_812 = arith.ori %parallel_loop3A_809, %parallel_loop3A_811 : vector<16xi32>
        %parallel_loop3A_813 = arith.xori %parallel_loop3A_806, %parallel_loop3A_812 : vector<16xi32>
        %parallel_loop3A_814 = arith.index_cast %parallel_loop3A_804 : i32 to index
        %parallel_loop3A_815 = tpu.vector_load %arg4[%parallel_loop3A_814] {strides = array<i32>} : memref<65536xi32, #tpu.memory_space<vmem>>, vector<16xi32>,
        tpu.vector_store %arg4[%parallel_loop3A_814], %parallel_loop3A_813 {strides = array<i32>} : memref<65536xi32, #tpu.memory_space<vmem>>, vector<16xi32>,
        %parallel_loop3A_816 = arith.constant 19 : i32
        %parallel_loop3A_817 = vector.broadcast %parallel_loop3A_816 : i32 to vector<16xi32>
        %parallel_loop3A_818 = arith.shrui %parallel_loop3A_813, %parallel_loop3A_817 : vector<16xi32>
        tpu.vector_store_idx %arg5[%parallel_loop3A_818], %broadcast_in_dim3A_1 {add = true} : memref<8192xi32, #tpu.memory_space<vmem>>[vector<16xi32>], vector<16xi32>,
      } {sc.loop_unroll_factor = 8 : i64, sc.parallel_access}
      %dma_wait3A_66 = arith.constant 16384 : i32
      %dma_wait3A_67 = tpu.memref_slice %arg4[%dma_wait3A_66] : memref<65536xi32, #tpu.memory_space<vmem>> -> memref<16384xi32, #tpu.memory_space<vmem>>
      %dma_wait3A_68 = arith.constant 16384 : i32
      %dma_wait3A_69 = tpu.memref_slice %arg2[%add3A_12, %dma_wait3A_68] : memref<64x65536xi32, #tpu.memory_space<hbm>> -> memref<1x16384xi32, #tpu.memory_space<hbm>>
      %dma_wait3A_70 = tpu.memref_squeeze %dma_wait3A_69 : memref<1x16384xi32, #tpu.memory_space<hbm>> -> memref<16384xi32, #tpu.memory_space<hbm>>
      %dma_wait3A_71 = arith.constant 16384 : i32
      %dma_wait3A_72 = tpu.memref_slice %arg4[%dma_wait3A_71] : memref<65536xi32, #tpu.memory_space<vmem>> -> memref<16384xi32, #tpu.memory_space<vmem>>
      %dma_wait3A_73 = arith.constant 16384 : i32
      %dma_wait3A_74 = tpu.memref_slice %arg2[%add3A_12, %dma_wait3A_73] : memref<64x65536xi32, #tpu.memory_space<hbm>> -> memref<1x16384xi32, #tpu.memory_space<hbm>>
      %dma_wait3A_75 = tpu.memref_squeeze %dma_wait3A_74 : memref<1x16384xi32, #tpu.memory_space<hbm>> -> memref<16384xi32, #tpu.memory_space<hbm>>
      tpu.wait_dma2 semaphore(%arg9 : memref<!tpu.dma_semaphore, #tpu.memory_space<semaphore_mem>>) src(%dma_wait3A_75 : memref<16384xi32, #tpu.memory_space<hbm>>) dst(%dma_wait3A_72 : memref<16384xi32, #tpu.memory_space<vmem>>)
      %parallel_loop3A_76 = arith.constant 1024 : i32
      %parallel_loop3A_77 = arith.constant 2048 : i32
      %parallel_loop3A_78 = arith.constant 1 : i32
      scf.for %parallel_loop3A_802 = %parallel_loop3A_76 to %parallel_loop3A_77 step %parallel_loop3A_78  : i32 {
        %parallel_loop3A_803 = arith.constant 16 : i32
        %parallel_loop3A_804 = arith.muli %parallel_loop3A_802, %parallel_loop3A_803 : i32
        %parallel_loop3A_805 = arith.index_cast %parallel_loop3A_804 : i32 to index
        %parallel_loop3A_806 = tpu.vector_load %arg4[%parallel_loop3A_805] {strides = array<i32>} : memref<65536xi32, #tpu.memory_space<vmem>>, vector<16xi32>,
        %parallel_loop3A_807 = arith.constant 31 : i32
        %parallel_loop3A_808 = vector.broadcast %parallel_loop3A_807 : i32 to vector<16xi32>
        %parallel_loop3A_809 = arith.shrsi %parallel_loop3A_806, %parallel_loop3A_808 : vector<16xi32>
        %parallel_loop3A_810 = arith.constant -2147483648 : i32
        %parallel_loop3A_811 = vector.broadcast %parallel_loop3A_810 : i32 to vector<16xi32>
        %parallel_loop3A_812 = arith.ori %parallel_loop3A_809, %parallel_loop3A_811 : vector<16xi32>
        %parallel_loop3A_813 = arith.xori %parallel_loop3A_806, %parallel_loop3A_812 : vector<16xi32>
        %parallel_loop3A_814 = arith.index_cast %parallel_loop3A_804 : i32 to index
        %parallel_loop3A_815 = tpu.vector_load %arg4[%parallel_loop3A_814] {strides = array<i32>} : memref<65536xi32, #tpu.memory_space<vmem>>, vector<16xi32>,
        tpu.vector_store %arg4[%parallel_loop3A_814], %parallel_loop3A_813 {strides = array<i32>} : memref<65536xi32, #tpu.memory_space<vmem>>, vector<16xi32>,
        %parallel_loop3A_816 = arith.constant 19 : i32
        %parallel_loop3A_817 = vector.broadcast %parallel_loop3A_816 : i32 to vector<16xi32>
        %parallel_loop3A_818 = arith.shrui %parallel_loop3A_813, %parallel_loop3A_817 : vector<16xi32>
        tpu.vector_store_idx %arg5[%parallel_loop3A_818], %broadcast_in_dim3A_1 {add = true} : memref<8192xi32, #tpu.memory_space<vmem>>[vector<16xi32>], vector<16xi32>,
      } {sc.loop_unroll_factor = 8 : i64, sc.parallel_access}
      %dma_wait3A_79 = arith.constant 32768 : i32
      %dma_wait3A_80 = tpu.memref_slice %arg4[%dma_wait3A_79] : memref<65536xi32, #tpu.memory_space<vmem>> -> memref<16384xi32, #tpu.memory_space<vmem>>
      %dma_wait3A_81 = arith.constant 32768 : i32
      %dma_wait3A_82 = tpu.memref_slice %arg2[%add3A_12, %dma_wait3A_81] : memref<64x65536xi32, #tpu.memory_space<hbm>> -> memref<1x16384xi32, #tpu.memory_space<hbm>>
      %dma_wait3A_83 = tpu.memref_squeeze %dma_wait3A_82 : memref<1x16384xi32, #tpu.memory_space<hbm>> -> memref<16384xi32, #tpu.memory_space<hbm>>
      %dma_wait3A_84 = arith.constant 32768 : i32
      %dma_wait3A_85 = tpu.memref_slice %arg4[%dma_wait3A_84] : memref<65536xi32, #tpu.memory_space<vmem>> -> memref<16384xi32, #tpu.memory_space<vmem>>
      %dma_wait3A_86 = arith.constant 32768 : i32
      %dma_wait3A_87 = tpu.memref_slice %arg2[%add3A_12, %dma_wait3A_86] : memref<64x65536xi32, #tpu.memory_space<hbm>> -> memref<1x16384xi32, #tpu.memory_space<hbm>>
      %dma_wait3A_88 = tpu.memref_squeeze %dma_wait3A_87 : memref<1x16384xi32, #tpu.memory_space<hbm>> -> memref<16384xi32, #tpu.memory_space<hbm>>
      tpu.wait_dma2 semaphore(%arg10 : memref<!tpu.dma_semaphore, #tpu.memory_space<semaphore_mem>>) src(%dma_wait3A_88 : memref<16384xi32, #tpu.memory_space<hbm>>) dst(%dma_wait3A_85 : memref<16384xi32, #tpu.memory_space<vmem>>)
      %parallel_loop3A_89 = arith.constant 2048 : i32
      %parallel_loop3A_90 = arith.constant 3072 : i32
      %parallel_loop3A_91 = arith.constant 1 : i32
      scf.for %parallel_loop3A_802 = %parallel_loop3A_89 to %parallel_loop3A_90 step %parallel_loop3A_91  : i32 {
        %parallel_loop3A_803 = arith.constant 16 : i32
        %parallel_loop3A_804 = arith.muli %parallel_loop3A_802, %parallel_loop3A_803 : i32
        %parallel_loop3A_805 = arith.index_cast %parallel_loop3A_804 : i32 to index
        %parallel_loop3A_806 = tpu.vector_load %arg4[%parallel_loop3A_805] {strides = array<i32>} : memref<65536xi32, #tpu.memory_space<vmem>>, vector<16xi32>,
        %parallel_loop3A_807 = arith.constant 31 : i32
        %parallel_loop3A_808 = vector.broadcast %parallel_loop3A_807 : i32 to vector<16xi32>
        %parallel_loop3A_809 = arith.shrsi %parallel_loop3A_806, %parallel_loop3A_808 : vector<16xi32>
        %parallel_loop3A_810 = arith.constant -2147483648 : i32
        %parallel_loop3A_811 = vector.broadcast %parallel_loop3A_810 : i32 to vector<16xi32>
        %parallel_loop3A_812 = arith.ori %parallel_loop3A_809, %parallel_loop3A_811 : vector<16xi32>
        %parallel_loop3A_813 = arith.xori %parallel_loop3A_806, %parallel_loop3A_812 : vector<16xi32>
        %parallel_loop3A_814 = arith.index_cast %parallel_loop3A_804 : i32 to index
        %parallel_loop3A_815 = tpu.vector_load %arg4[%parallel_loop3A_814] {strides = array<i32>} : memref<65536xi32, #tpu.memory_space<vmem>>, vector<16xi32>,
        tpu.vector_store %arg4[%parallel_loop3A_814], %parallel_loop3A_813 {strides = array<i32>} : memref<65536xi32, #tpu.memory_space<vmem>>, vector<16xi32>,
        %parallel_loop3A_816 = arith.constant 19 : i32
        %parallel_loop3A_817 = vector.broadcast %parallel_loop3A_816 : i32 to vector<16xi32>
        %parallel_loop3A_818 = arith.shrui %parallel_loop3A_813, %parallel_loop3A_817 : vector<16xi32>
        tpu.vector_store_idx %arg5[%parallel_loop3A_818], %broadcast_in_dim3A_1 {add = true} : memref<8192xi32, #tpu.memory_space<vmem>>[vector<16xi32>], vector<16xi32>,
      } {sc.loop_unroll_factor = 8 : i64, sc.parallel_access}
      %dma_wait3A_92 = arith.constant 49152 : i32
      %dma_wait3A_93 = tpu.memref_slice %arg4[%dma_wait3A_92] : memref<65536xi32, #tpu.memory_space<vmem>> -> memref<16384xi32, #tpu.memory_space<vmem>>
      %dma_wait3A_94 = arith.constant 49152 : i32
      %dma_wait3A_95 = tpu.memref_slice %arg2[%add3A_12, %dma_wait3A_94] : memref<64x65536xi32, #tpu.memory_space<hbm>> -> memref<1x16384xi32, #tpu.memory_space<hbm>>
      %dma_wait3A_96 = tpu.memref_squeeze %dma_wait3A_95 : memref<1x16384xi32, #tpu.memory_space<hbm>> -> memref<16384xi32, #tpu.memory_space<hbm>>
      %dma_wait3A_97 = arith.constant 49152 : i32
      %dma_wait3A_98 = tpu.memref_slice %arg4[%dma_wait3A_97] : memref<65536xi32, #tpu.memory_space<vmem>> -> memref<16384xi32, #tpu.memory_space<vmem>>
      %dma_wait3A_99 = arith.constant 49152 : i32
      %dma_wait3A_100 = tpu.memref_slice %arg2[%add3A_12, %dma_wait3A_99] : memref<64x65536xi32, #tpu.memory_space<hbm>> -> memref<1x16384xi32, #tpu.memory_space<hbm>>
      %dma_wait3A_101 = tpu.memref_squeeze %dma_wait3A_100 : memref<1x16384xi32, #tpu.memory_space<hbm>> -> memref<16384xi32, #tpu.memory_space<hbm>>
      tpu.wait_dma2 semaphore(%arg11 : memref<!tpu.dma_semaphore, #tpu.memory_space<semaphore_mem>>) src(%dma_wait3A_101 : memref<16384xi32, #tpu.memory_space<hbm>>) dst(%dma_wait3A_98 : memref<16384xi32, #tpu.memory_space<vmem>>)
      %parallel_loop3A_102 = arith.constant 3072 : i32
      %parallel_loop3A_103 = arith.constant 4096 : i32
      %parallel_loop3A_104 = arith.constant 1 : i32
      scf.for %parallel_loop3A_802 = %parallel_loop3A_102 to %parallel_loop3A_103 step %parallel_loop3A_104  : i32 {
        %parallel_loop3A_803 = arith.constant 16 : i32
        %parallel_loop3A_804 = arith.muli %parallel_loop3A_802, %parallel_loop3A_803 : i32
        %parallel_loop3A_805 = arith.index_cast %parallel_loop3A_804 : i32 to index
        %parallel_loop3A_806 = tpu.vector_load %arg4[%parallel_loop3A_805] {strides = array<i32>} : memref<65536xi32, #tpu.memory_space<vmem>>, vector<16xi32>,
        %parallel_loop3A_807 = arith.constant 31 : i32
        %parallel_loop3A_808 = vector.broadcast %parallel_loop3A_807 : i32 to vector<16xi32>
        %parallel_loop3A_809 = arith.shrsi %parallel_loop3A_806, %parallel_loop3A_808 : vector<16xi32>
        %parallel_loop3A_810 = arith.constant -2147483648 : i32
        %parallel_loop3A_811 = vector.broadcast %parallel_loop3A_810 : i32 to vector<16xi32>
        %parallel_loop3A_812 = arith.ori %parallel_loop3A_809, %parallel_loop3A_811 : vector<16xi32>
        %parallel_loop3A_813 = arith.xori %parallel_loop3A_806, %parallel_loop3A_812 : vector<16xi32>
        %parallel_loop3A_814 = arith.index_cast %parallel_loop3A_804 : i32 to index
        %parallel_loop3A_815 = tpu.vector_load %arg4[%parallel_loop3A_814] {strides = array<i32>} : memref<65536xi32, #tpu.memory_space<vmem>>, vector<16xi32>,
        tpu.vector_store %arg4[%parallel_loop3A_814], %parallel_loop3A_813 {strides = array<i32>} : memref<65536xi32, #tpu.memory_space<vmem>>, vector<16xi32>,
        %parallel_loop3A_816 = arith.constant 19 : i32
        %parallel_loop3A_817 = vector.broadcast %parallel_loop3A_816 : i32 to vector<16xi32>
        %parallel_loop3A_818 = arith.shrui %parallel_loop3A_813, %parallel_loop3A_817 : vector<16xi32>
        tpu.vector_store_idx %arg5[%parallel_loop3A_818], %broadcast_in_dim3A_1 {add = true} : memref<8192xi32, #tpu.memory_space<vmem>>[vector<16xi32>], vector<16xi32>,
      } {sc.loop_unroll_factor = 8 : i64, sc.parallel_access}
      %parallel_loop3A_105 = arith.constant 0 : i32
      %parallel_loop3A_106 = arith.constant 512 : i32
      %parallel_loop3A_107 = arith.constant 1 : i32
      scf.for %parallel_loop3A_802 = %parallel_loop3A_105 to %parallel_loop3A_106 step %parallel_loop3A_107  : i32 {
        %parallel_loop3A_803 = arith.constant 16 : i32
        %parallel_loop3A_804 = arith.muli %parallel_loop3A_802, %parallel_loop3A_803 : i32
        %parallel_loop3A_805 = arith.index_cast %parallel_loop3A_804 : i32 to index
        %parallel_loop3A_806 = tpu.vector_load %arg5[%parallel_loop3A_805] {strides = array<i32>} : memref<8192xi32, #tpu.memory_space<vmem>>, vector<16xi32>,
        %parallel_loop3A_807 = arith.constant true
        %parallel_loop3A_808 = vector.broadcast %parallel_loop3A_807 : i1 to vector<16xi1>
        %parallel_loop3A_809 = tpu.scan <sum>, %parallel_loop3A_806 masked %parallel_loop3A_808 : vector<16xi32>, vector<16xi1> -> vector<16xi32>
        %parallel_loop3A_810 = vector.extract %parallel_loop3A_809[15] : i32 from vector<16xi32>
        %parallel_loop3A_811 = vector.broadcast %parallel_loop3A_802 : i32 to vector<16xi32>
        %parallel_loop3A_812 = vector.broadcast %parallel_loop3A_810 : i32 to vector<16xi32>
        %parallel_loop3A_813 = arith.constant 0 : i32
        %parallel_loop3A_814 = vector.broadcast %parallel_loop3A_813 : i32 to vector<16xi32>
        %parallel_loop3A_815 = arith.cmpi eq, %iota3A, %parallel_loop3A_814 : vector<16xi32>
        tpu.vector_store_idx %arg6[%parallel_loop3A_811], %parallel_loop3A_812 masked %parallel_loop3A_815 : memref<512xi32, #tpu.memory_space<vmem>>[vector<16xi32>], vector<16xi32>, vector<16xi1>
      } {sc.loop_unroll_factor = 8 : i64, sc.parallel_access}
      %scan3A_108 = arith.constant 6553 : i32
      %scan3A_109 = arith.constant 0 : i32
      %scan3A_110 = arith.constant 0 : i32
      %scan3A_111 = arith.constant 0 : i32
      %scan3A_112 = arith.constant 0 : i32
      %scan3A_113 = arith.constant 0 : i32
      %scan3A_114 = arith.constant 0 : i32
      %scan3A_115 = arith.constant 32 : i32
      %scan3A_116 = arith.addi %scan3A_114, %scan3A_115 : i32
      %scan3A_117 = arith.constant 1 : i32
      %scan3A_118:5 = scf.for %scan3A_802 = %scan3A_114 to %scan3A_116 step %scan3A_117 iter_args(%scan3A_803 = %scan3A_109, %scan3A_804 = %scan3A_110, %scan3A_805 = %scan3A_111, %scan3A_806 = %scan3A_112, %scan3A_807 = %scan3A_113) -> (i32, i32, i32, i32, i32)  : i32 {
        %sub3A_808 = arith.constant 31 : i32
        %sub3A_809 = arith.subi %sub3A_808, %scan3A_802 : i32
        %mul3A_810 = arith.constant 16 : i32
        %mul3A_811 = arith.muli %sub3A_809, %mul3A_810 : i32
        %add3A_812 = arith.constant 0 : i32
        %add3A_813 = arith.addi %add3A_812, %mul3A_811 : i32
        %get3A_814 = arith.index_cast %add3A_813 : i32 to index
        %get3A_815 = tpu.vector_load %arg6[%get3A_814] {strides = array<i32>} : memref<512xi32, #tpu.memory_space<vmem>>, vector<16xi32>,
        %rev3A_816 = arith.constant 15 : i32
        %rev3A_817 = vector.broadcast %rev3A_816 : i32 to vector<16xi32>
        %rev3A_818 = tpu.iota {dimensions = array<i32: 0>} : vector<16xi32>
        %rev3A_819 = arith.subi %rev3A_817, %rev3A_818 : vector<16xi32>
        %rev3A_820 = tpu.dynamic_gather %get3A_815[%rev3A_819] in [0] : vector<16xi32>, vector<16xi32> -> vector<16xi32>
        %cumsum3A_821 = arith.constant true
        %cumsum3A_822 = vector.broadcast %cumsum3A_821 : i1 to vector<16xi1>
        %cumsum3A_823 = tpu.scan <sum>, %rev3A_820 masked %cumsum3A_822 : vector<16xi32>, vector<16xi1> -> vector<16xi32>
        %add3A_824 = vector.broadcast %scan3A_803 : i32 to vector<16xi32>
        %add3A_825 = arith.addi %add3A_824, %cumsum3A_823 : vector<16xi32>
        %ge3A_826 = vector.broadcast %scan3A_108 : i32 to vector<16xi32>
        %ge3A_827 = arith.cmpi sge, %add3A_825, %ge3A_826 : vector<16xi32>
        %jit3A_828 = arith.constant 0 : i32
        %jit3A_829 = arith.constant 1 : i32
        %broadcast_in_dim3A_830 = vector.broadcast %jit3A_828 : i32 to vector<16xi32>
        %broadcast_in_dim3A_831 = vector.broadcast %jit3A_829 : i32 to vector<16xi32>
        %select_n3A_832 = arith.select %ge3A_827, %broadcast_in_dim3A_830, %broadcast_in_dim3A_831 : vector<16xi1>, vector<16xi32>
        %reduce_sum3A_833 = arith.constant true
        %reduce_sum3A_834 = vector.broadcast %reduce_sum3A_833 : i1 to vector<16xi1>
        %reduce_sum3A_835 = tpu.scan <sum>, %select_n3A_832 masked %reduce_sum3A_834 : vector<16xi32>, vector<16xi1> -> vector<16xi32>
        %reduce_sum3A_836 = vector.extract %reduce_sum3A_835[15] : i32 from vector<16xi32>
        %lt3A_837 = arith.constant 16 : i32
        %lt3A_838 = arith.cmpi slt, %reduce_sum3A_836, %lt3A_837 : i32
        %eq3A_839 = arith.constant 0 : i32
        %eq3A_840 = arith.cmpi eq, %scan3A_807, %eq3A_839 : i32
        %and3A_841 = arith.andi %lt3A_838, %eq3A_840 : i1
        %eq3A_842 = vector.broadcast %reduce_sum3A_836 : i32 to vector<16xi32>
        %eq3A_843 = arith.cmpi eq, %iota3A, %eq3A_842 : vector<16xi32>
        %jit3A_844 = arith.constant 0 : i32
        %broadcast_in_dim3A_845 = vector.broadcast %jit3A_844 : i32 to vector<16xi32>
        %select_n3A_846 = arith.select %eq3A_843, %cumsum3A_823, %broadcast_in_dim3A_845 : vector<16xi1>, vector<16xi32>
        %reduce_sum3A_847 = arith.constant true
        %reduce_sum3A_848 = vector.broadcast %reduce_sum3A_847 : i1 to vector<16xi1>
        %reduce_sum3A_849 = tpu.scan <sum>, %select_n3A_846 masked %reduce_sum3A_848 : vector<16xi32>, vector<16xi1> -> vector<16xi32>
        %reduce_sum3A_850 = vector.extract %reduce_sum3A_849[15] : i32 from vector<16xi32>
        %eq3A_851 = vector.broadcast %reduce_sum3A_836 : i32 to vector<16xi32>
        %eq3A_852 = arith.cmpi eq, %iota3A, %eq3A_851 : vector<16xi32>
        %jit3A_853 = arith.constant 0 : i32
        %broadcast_in_dim3A_854 = vector.broadcast %jit3A_853 : i32 to vector<16xi32>
        %select_n3A_855 = arith.select %eq3A_852, %rev3A_820, %broadcast_in_dim3A_854 : vector<16xi1>, vector<16xi32>
        %reduce_sum3A_856 = arith.constant true
        %reduce_sum3A_857 = vector.broadcast %reduce_sum3A_856 : i1 to vector<16xi1>
        %reduce_sum3A_858 = tpu.scan <sum>, %select_n3A_855 masked %reduce_sum3A_857 : vector<16xi32>, vector<16xi1> -> vector<16xi32>
        %reduce_sum3A_859 = vector.extract %reduce_sum3A_858[15] : i32 from vector<16xi32>
        %mul3A_860 = arith.constant 16 : i32
        %mul3A_861 = arith.muli %sub3A_809, %mul3A_860 : i32
        %add3A_862 = arith.constant 15 : i32
        %add3A_863 = arith.addi %mul3A_861, %add3A_862 : i32
        %sub3A_864 = arith.subi %add3A_863, %reduce_sum3A_836 : i32
        %select_n3A_865 = arith.select %and3A_841, %sub3A_864, %scan3A_804 : i32
        %add3A_866 = arith.addi %scan3A_803, %reduce_sum3A_850 : i32
        %sub3A_867 = arith.subi %add3A_866, %reduce_sum3A_859 : i32
        %sub3A_868 = arith.subi %scan3A_108, %sub3A_867 : i32
        %select_n3A_869 = arith.select %and3A_841, %sub3A_868, %scan3A_805 : i32
        %select_n3A_870 = arith.select %and3A_841, %reduce_sum3A_859, %scan3A_806 : i32
        %jit3A_871 = arith.constant 1 : i32
        %select_n3A_872 = arith.select %and3A_841, %jit3A_871, %scan3A_807 : i32
        %reduce_sum3A_873 = arith.constant true
        %reduce_sum3A_874 = vector.broadcast %reduce_sum3A_873 : i1 to vector<16xi1>
        %reduce_sum3A_875 = tpu.scan <sum>, %get3A_815 masked %reduce_sum3A_874 : vector<16xi32>, vector<16xi1> -> vector<16xi32>
        %reduce_sum3A_876 = vector.extract %reduce_sum3A_875[15] : i32 from vector<16xi32>
        %add3A_877 = arith.addi %scan3A_803, %reduce_sum3A_876 : i32
        scf.yield %add3A_877, %select_n3A_865, %select_n3A_869, %select_n3A_870, %select_n3A_872 : i32, i32, i32, i32, i32
      }
      %scan3A_119 = arith.constant 32 : i32
      %scan3A_120 = arith.constant 0 : i32
      %scan3A_121 = arith.constant 0 : i32
      %scan3A_122 = arith.constant 0 : i32
      %scan3A_123 = arith.constant 0 : i32
      %scan3A_124 = arith.constant 0 : i32
      %scan3A_125 = arith.constant 0 : i32
      %sub3A = arith.constant 0 : i32
      %sub3A_126 = arith.subi %sub3A, %scan3A_125 : i32
      %mul3A_127 = arith.constant 16 : i32
      %mul3A_128 = arith.muli %scan3A_118#1, %mul3A_127 : i32
      %add3A_129 = arith.constant 0 : i32
      %add3A_130 = arith.addi %add3A_129, %mul3A_128 : i32
      %get3A = arith.index_cast %add3A_130 : i32 to index
      %get3A_131 = tpu.vector_load %arg5[%get3A] {strides = array<i32>} : memref<8192xi32, #tpu.memory_space<vmem>>, vector<16xi32>,
      %rev3A = arith.constant 15 : i32
      %rev3A_132 = vector.broadcast %rev3A : i32 to vector<16xi32>
      %rev3A_133 = tpu.iota {dimensions = array<i32: 0>} : vector<16xi32>
      %rev3A_134 = arith.subi %rev3A_132, %rev3A_133 : vector<16xi32>
      %rev3A_135 = tpu.dynamic_gather %get3A_131[%rev3A_134] in [0] : vector<16xi32>, vector<16xi32> -> vector<16xi32>
      %cumsum3A = arith.constant true
      %cumsum3A_136 = vector.broadcast %cumsum3A : i1 to vector<16xi1>
      %cumsum3A_137 = tpu.scan <sum>, %rev3A_135 masked %cumsum3A_136 : vector<16xi32>, vector<16xi1> -> vector<16xi32>
      %add3A_138 = vector.broadcast %scan3A_120 : i32 to vector<16xi32>
      %add3A_139 = arith.addi %add3A_138, %cumsum3A_137 : vector<16xi32>
      %ge3A = vector.broadcast %scan3A_118#2 : i32 to vector<16xi32>
      %ge3A_140 = arith.cmpi sge, %add3A_139, %ge3A : vector<16xi32>
      %jit3A = arith.constant 0 : i32
      %jit3A_141 = arith.constant 1 : i32
      %broadcast_in_dim3A_142 = vector.broadcast %jit3A : i32 to vector<16xi32>
      %broadcast_in_dim3A_143 = vector.broadcast %jit3A_141 : i32 to vector<16xi32>
      %select_n3A = arith.select %ge3A_140, %broadcast_in_dim3A_142, %broadcast_in_dim3A_143 : vector<16xi1>, vector<16xi32>
      %reduce_sum3A = arith.constant true
      %reduce_sum3A_144 = vector.broadcast %reduce_sum3A : i1 to vector<16xi1>
      %reduce_sum3A_145 = tpu.scan <sum>, %select_n3A masked %reduce_sum3A_144 : vector<16xi32>, vector<16xi1> -> vector<16xi32>
      %reduce_sum3A_146 = vector.extract %reduce_sum3A_145[15] : i32 from vector<16xi32>
      %lt3A = arith.constant 16 : i32
      %lt3A_147 = arith.cmpi slt, %reduce_sum3A_146, %lt3A : i32
      %eq3A = arith.constant 0 : i32
      %eq3A_148 = arith.cmpi eq, %scan3A_124, %eq3A : i32
      %and3A = arith.andi %lt3A_147, %eq3A_148 : i1
      %eq3A_149 = vector.broadcast %reduce_sum3A_146 : i32 to vector<16xi32>
      %eq3A_150 = arith.cmpi eq, %iota3A, %eq3A_149 : vector<16xi32>
      %jit3A_151 = arith.constant 0 : i32
      %broadcast_in_dim3A_152 = vector.broadcast %jit3A_151 : i32 to vector<16xi32>
      %select_n3A_153 = arith.select %eq3A_150, %cumsum3A_137, %broadcast_in_dim3A_152 : vector<16xi1>, vector<16xi32>
      %reduce_sum3A_154 = arith.constant true
      %reduce_sum3A_155 = vector.broadcast %reduce_sum3A_154 : i1 to vector<16xi1>
      %reduce_sum3A_156 = tpu.scan <sum>, %select_n3A_153 masked %reduce_sum3A_155 : vector<16xi32>, vector<16xi1> -> vector<16xi32>
      %reduce_sum3A_157 = vector.extract %reduce_sum3A_156[15] : i32 from vector<16xi32>
      %eq3A_158 = vector.broadcast %reduce_sum3A_146 : i32 to vector<16xi32>
      %eq3A_159 = arith.cmpi eq, %iota3A, %eq3A_158 : vector<16xi32>
      %jit3A_160 = arith.constant 0 : i32
      %broadcast_in_dim3A_161 = vector.broadcast %jit3A_160 : i32 to vector<16xi32>
      %select_n3A_162 = arith.select %eq3A_159, %rev3A_135, %broadcast_in_dim3A_161 : vector<16xi1>, vector<16xi32>
      %reduce_sum3A_163 = arith.constant true
      %reduce_sum3A_164 = vector.broadcast %reduce_sum3A_163 : i1 to vector<16xi1>
      %reduce_sum3A_165 = tpu.scan <sum>, %select_n3A_162 masked %reduce_sum3A_164 : vector<16xi32>, vector<16xi1> -> vector<16xi32>
      %reduce_sum3A_166 = vector.extract %reduce_sum3A_165[15] : i32 from vector<16xi32>
      %mul3A_167 = arith.constant 16 : i32
      %mul3A_168 = arith.muli %sub3A_126, %mul3A_167 : i32
      %add3A_169 = arith.constant 15 : i32
      %add3A_170 = arith.addi %mul3A_168, %add3A_169 : i32
      %sub3A_171 = arith.subi %add3A_170, %reduce_sum3A_146 : i32
      %select_n3A_172 = arith.select %and3A, %sub3A_171, %scan3A_121 : i32
      %add3A_173 = arith.addi %scan3A_120, %reduce_sum3A_157 : i32
      %sub3A_174 = arith.subi %add3A_173, %reduce_sum3A_166 : i32
      %sub3A_175 = arith.subi %scan3A_118#2, %sub3A_174 : i32
      %select_n3A_176 = arith.select %and3A, %sub3A_175, %scan3A_122 : i32
      %select_n3A_177 = arith.select %and3A, %reduce_sum3A_166, %scan3A_123 : i32
      %jit3A_178 = arith.constant 1 : i32
      %select_n3A_179 = arith.select %and3A, %jit3A_178, %scan3A_124 : i32
      %reduce_sum3A_180 = arith.constant true
      %reduce_sum3A_181 = vector.broadcast %reduce_sum3A_180 : i1 to vector<16xi1>
      %reduce_sum3A_182 = tpu.scan <sum>, %get3A_131 masked %reduce_sum3A_181 : vector<16xi32>, vector<16xi1> -> vector<16xi32>
      %reduce_sum3A_183 = vector.extract %reduce_sum3A_182[15] : i32 from vector<16xi32>
      %add3A_184 = arith.addi %scan3A_120, %reduce_sum3A_183 : i32
      %scan3A_185 = arith.constant 1 : i32
      %mul3A_186 = arith.constant 16 : i32
      %mul3A_187 = arith.muli %scan3A_118#1, %mul3A_186 : i32
      %add3A_188 = arith.addi %mul3A_187, %select_n3A_172 : i32
      %scan3A_189 = arith.constant 6553 : i32
      %scan3A_190 = arith.constant 0 : i32
      %scan3A_191 = arith.constant 0 : i32
      %scan3A_192 = arith.constant 0 : i32
      %scan3A_193 = arith.constant 0 : i32
      %scan3A_194 = arith.constant 0 : i32
      %scan3A_195 = arith.constant 0 : i32
      %scan3A_196 = arith.constant 32 : i32
      %scan3A_197 = arith.addi %scan3A_195, %scan3A_196 : i32
      %scan3A_198 = arith.constant 1 : i32
      %scan3A_199:5 = scf.for %scan3A_802 = %scan3A_195 to %scan3A_197 step %scan3A_198 iter_args(%scan3A_803 = %scan3A_190, %scan3A_804 = %scan3A_191, %scan3A_805 = %scan3A_192, %scan3A_806 = %scan3A_193, %scan3A_807 = %scan3A_194) -> (i32, i32, i32, i32, i32)  : i32 {
        %mul3A_808 = arith.constant 16 : i32
        %mul3A_809 = arith.muli %scan3A_802, %mul3A_808 : i32
        %add3A_810 = arith.constant 0 : i32
        %add3A_811 = arith.addi %add3A_810, %mul3A_809 : i32
        %get3A_812 = arith.index_cast %add3A_811 : i32 to index
        %get3A_813 = tpu.vector_load %arg6[%get3A_812] {strides = array<i32>} : memref<512xi32, #tpu.memory_space<vmem>>, vector<16xi32>,
        %cumsum3A_814 = arith.constant true
        %cumsum3A_815 = vector.broadcast %cumsum3A_814 : i1 to vector<16xi1>
        %cumsum3A_816 = tpu.scan <sum>, %get3A_813 masked %cumsum3A_815 : vector<16xi32>, vector<16xi1> -> vector<16xi32>
        %add3A_817 = vector.broadcast %scan3A_803 : i32 to vector<16xi32>
        %add3A_818 = arith.addi %add3A_817, %cumsum3A_816 : vector<16xi32>
        %ge3A_819 = vector.broadcast %scan3A_189 : i32 to vector<16xi32>
        %ge3A_820 = arith.cmpi sge, %add3A_818, %ge3A_819 : vector<16xi32>
        %jit3A_821 = arith.constant 0 : i32
        %jit3A_822 = arith.constant 1 : i32
        %broadcast_in_dim3A_823 = vector.broadcast %jit3A_821 : i32 to vector<16xi32>
        %broadcast_in_dim3A_824 = vector.broadcast %jit3A_822 : i32 to vector<16xi32>
        %select_n3A_825 = arith.select %ge3A_820, %broadcast_in_dim3A_823, %broadcast_in_dim3A_824 : vector<16xi1>, vector<16xi32>
        %reduce_sum3A_826 = arith.constant true
        %reduce_sum3A_827 = vector.broadcast %reduce_sum3A_826 : i1 to vector<16xi1>
        %reduce_sum3A_828 = tpu.scan <sum>, %select_n3A_825 masked %reduce_sum3A_827 : vector<16xi32>, vector<16xi1> -> vector<16xi32>
        %reduce_sum3A_829 = vector.extract %reduce_sum3A_828[15] : i32 from vector<16xi32>
        %lt3A_830 = arith.constant 16 : i32
        %lt3A_831 = arith.cmpi slt, %reduce_sum3A_829, %lt3A_830 : i32
        %eq3A_832 = arith.constant 0 : i32
        %eq3A_833 = arith.cmpi eq, %scan3A_807, %eq3A_832 : i32
        %and3A_834 = arith.andi %lt3A_831, %eq3A_833 : i1
        %eq3A_835 = vector.broadcast %reduce_sum3A_829 : i32 to vector<16xi32>
        %eq3A_836 = arith.cmpi eq, %iota3A, %eq3A_835 : vector<16xi32>
        %jit3A_837 = arith.constant 0 : i32
        %broadcast_in_dim3A_838 = vector.broadcast %jit3A_837 : i32 to vector<16xi32>
        %select_n3A_839 = arith.select %eq3A_836, %cumsum3A_816, %broadcast_in_dim3A_838 : vector<16xi1>, vector<16xi32>
        %reduce_sum3A_840 = arith.constant true
        %reduce_sum3A_841 = vector.broadcast %reduce_sum3A_840 : i1 to vector<16xi1>
        %reduce_sum3A_842 = tpu.scan <sum>, %select_n3A_839 masked %reduce_sum3A_841 : vector<16xi32>, vector<16xi1> -> vector<16xi32>
        %reduce_sum3A_843 = vector.extract %reduce_sum3A_842[15] : i32 from vector<16xi32>
        %eq3A_844 = vector.broadcast %reduce_sum3A_829 : i32 to vector<16xi32>
        %eq3A_845 = arith.cmpi eq, %iota3A, %eq3A_844 : vector<16xi32>
        %jit3A_846 = arith.constant 0 : i32
        %broadcast_in_dim3A_847 = vector.broadcast %jit3A_846 : i32 to vector<16xi32>
        %select_n3A_848 = arith.select %eq3A_845, %get3A_813, %broadcast_in_dim3A_847 : vector<16xi1>, vector<16xi32>
        %reduce_sum3A_849 = arith.constant true
        %reduce_sum3A_850 = vector.broadcast %reduce_sum3A_849 : i1 to vector<16xi1>
        %reduce_sum3A_851 = tpu.scan <sum>, %select_n3A_848 masked %reduce_sum3A_850 : vector<16xi32>, vector<16xi1> -> vector<16xi32>
        %reduce_sum3A_852 = vector.extract %reduce_sum3A_851[15] : i32 from vector<16xi32>
        %mul3A_853 = arith.constant 16 : i32
        %mul3A_854 = arith.muli %scan3A_802, %mul3A_853 : i32
        %add3A_855 = arith.addi %mul3A_854, %reduce_sum3A_829 : i32
        %select_n3A_856 = arith.select %and3A_834, %add3A_855, %scan3A_804 : i32
        %add3A_857 = arith.addi %scan3A_803, %reduce_sum3A_843 : i32
        %sub3A_858 = arith.subi %add3A_857, %reduce_sum3A_852 : i32
        %sub3A_859 = arith.subi %scan3A_189, %sub3A_858 : i32
        %select_n3A_860 = arith.select %and3A_834, %sub3A_859, %scan3A_805 : i32
        %select_n3A_861 = arith.select %and3A_834, %reduce_sum3A_852, %scan3A_806 : i32
        %jit3A_862 = arith.constant 1 : i32
        %select_n3A_863 = arith.select %and3A_834, %jit3A_862, %scan3A_807 : i32
        %reduce_sum3A_864 = arith.constant true
        %reduce_sum3A_865 = vector.broadcast %reduce_sum3A_864 : i1 to vector<16xi1>
        %reduce_sum3A_866 = tpu.scan <sum>, %get3A_813 masked %reduce_sum3A_865 : vector<16xi32>, vector<16xi1> -> vector<16xi32>
        %reduce_sum3A_867 = vector.extract %reduce_sum3A_866[15] : i32 from vector<16xi32>
        %add3A_868 = arith.addi %scan3A_803, %reduce_sum3A_867 : i32
        scf.yield %add3A_868, %select_n3A_856, %select_n3A_860, %select_n3A_861, %select_n3A_863 : i32, i32, i32, i32, i32
      }
      %scan3A_200 = arith.constant 32 : i32
      %scan3A_201 = arith.constant 0 : i32
      %scan3A_202 = arith.constant 0 : i32
      %scan3A_203 = arith.constant 0 : i32
      %scan3A_204 = arith.constant 0 : i32
      %scan3A_205 = arith.constant 0 : i32
      %scan3A_206 = arith.constant 0 : i32
      %mul3A_207 = arith.constant 16 : i32
      %mul3A_208 = arith.muli %scan3A_199#1, %mul3A_207 : i32
      %add3A_209 = arith.constant 0 : i32
      %add3A_210 = arith.addi %add3A_209, %mul3A_208 : i32
      %get3A_211 = arith.index_cast %add3A_210 : i32 to index
      %get3A_212 = tpu.vector_load %arg5[%get3A_211] {strides = array<i32>} : memref<8192xi32, #tpu.memory_space<vmem>>, vector<16xi32>,
      %cumsum3A_213 = arith.constant true
      %cumsum3A_214 = vector.broadcast %cumsum3A_213 : i1 to vector<16xi1>
      %cumsum3A_215 = tpu.scan <sum>, %get3A_212 masked %cumsum3A_214 : vector<16xi32>, vector<16xi1> -> vector<16xi32>
      %add3A_216 = vector.broadcast %scan3A_201 : i32 to vector<16xi32>
      %add3A_217 = arith.addi %add3A_216, %cumsum3A_215 : vector<16xi32>
      %ge3A_218 = vector.broadcast %scan3A_199#2 : i32 to vector<16xi32>
      %ge3A_219 = arith.cmpi sge, %add3A_217, %ge3A_218 : vector<16xi32>
      %jit3A_220 = arith.constant 0 : i32
      %jit3A_221 = arith.constant 1 : i32
      %broadcast_in_dim3A_222 = vector.broadcast %jit3A_220 : i32 to vector<16xi32>
      %broadcast_in_dim3A_223 = vector.broadcast %jit3A_221 : i32 to vector<16xi32>
      %select_n3A_224 = arith.select %ge3A_219, %broadcast_in_dim3A_222, %broadcast_in_dim3A_223 : vector<16xi1>, vector<16xi32>
      %reduce_sum3A_225 = arith.constant true
      %reduce_sum3A_226 = vector.broadcast %reduce_sum3A_225 : i1 to vector<16xi1>
      %reduce_sum3A_227 = tpu.scan <sum>, %select_n3A_224 masked %reduce_sum3A_226 : vector<16xi32>, vector<16xi1> -> vector<16xi32>
      %reduce_sum3A_228 = vector.extract %reduce_sum3A_227[15] : i32 from vector<16xi32>
      %lt3A_229 = arith.constant 16 : i32
      %lt3A_230 = arith.cmpi slt, %reduce_sum3A_228, %lt3A_229 : i32
      %eq3A_231 = arith.constant 0 : i32
      %eq3A_232 = arith.cmpi eq, %scan3A_205, %eq3A_231 : i32
      %and3A_233 = arith.andi %lt3A_230, %eq3A_232 : i1
      %eq3A_234 = vector.broadcast %reduce_sum3A_228 : i32 to vector<16xi32>
      %eq3A_235 = arith.cmpi eq, %iota3A, %eq3A_234 : vector<16xi32>
      %jit3A_236 = arith.constant 0 : i32
      %broadcast_in_dim3A_237 = vector.broadcast %jit3A_236 : i32 to vector<16xi32>
      %select_n3A_238 = arith.select %eq3A_235, %cumsum3A_215, %broadcast_in_dim3A_237 : vector<16xi1>, vector<16xi32>
      %reduce_sum3A_239 = arith.constant true
      %reduce_sum3A_240 = vector.broadcast %reduce_sum3A_239 : i1 to vector<16xi1>
      %reduce_sum3A_241 = tpu.scan <sum>, %select_n3A_238 masked %reduce_sum3A_240 : vector<16xi32>, vector<16xi1> -> vector<16xi32>
      %reduce_sum3A_242 = vector.extract %reduce_sum3A_241[15] : i32 from vector<16xi32>
      %eq3A_243 = vector.broadcast %reduce_sum3A_228 : i32 to vector<16xi32>
      %eq3A_244 = arith.cmpi eq, %iota3A, %eq3A_243 : vector<16xi32>
      %jit3A_245 = arith.constant 0 : i32
      %broadcast_in_dim3A_246 = vector.broadcast %jit3A_245 : i32 to vector<16xi32>
      %select_n3A_247 = arith.select %eq3A_244, %get3A_212, %broadcast_in_dim3A_246 : vector<16xi1>, vector<16xi32>
      %reduce_sum3A_248 = arith.constant true
      %reduce_sum3A_249 = vector.broadcast %reduce_sum3A_248 : i1 to vector<16xi1>
      %reduce_sum3A_250 = tpu.scan <sum>, %select_n3A_247 masked %reduce_sum3A_249 : vector<16xi32>, vector<16xi1> -> vector<16xi32>
      %reduce_sum3A_251 = vector.extract %reduce_sum3A_250[15] : i32 from vector<16xi32>
      %mul3A_252 = arith.constant 16 : i32
      %mul3A_253 = arith.muli %scan3A_206, %mul3A_252 : i32
      %add3A_254 = arith.addi %mul3A_253, %reduce_sum3A_228 : i32
      %select_n3A_255 = arith.select %and3A_233, %add3A_254, %scan3A_202 : i32
      %add3A_256 = arith.addi %scan3A_201, %reduce_sum3A_242 : i32
      %sub3A_257 = arith.subi %add3A_256, %reduce_sum3A_251 : i32
      %sub3A_258 = arith.subi %scan3A_199#2, %sub3A_257 : i32
      %select_n3A_259 = arith.select %and3A_233, %sub3A_258, %scan3A_203 : i32
      %select_n3A_260 = arith.select %and3A_233, %reduce_sum3A_251, %scan3A_204 : i32
      %jit3A_261 = arith.constant 1 : i32
      %select_n3A_262 = arith.select %and3A_233, %jit3A_261, %scan3A_205 : i32
      %reduce_sum3A_263 = arith.constant true
      %reduce_sum3A_264 = vector.broadcast %reduce_sum3A_263 : i1 to vector<16xi1>
      %reduce_sum3A_265 = tpu.scan <sum>, %get3A_212 masked %reduce_sum3A_264 : vector<16xi32>, vector<16xi1> -> vector<16xi32>
      %reduce_sum3A_266 = vector.extract %reduce_sum3A_265[15] : i32 from vector<16xi32>
      %add3A_267 = arith.addi %scan3A_201, %reduce_sum3A_266 : i32
      %scan3A_268 = arith.constant 1 : i32
      %mul3A_269 = arith.constant 16 : i32
      %mul3A_270 = arith.muli %scan3A_199#1, %mul3A_269 : i32
      %add3A_271 = arith.addi %mul3A_270, %select_n3A_255 : i32
      %parallel_loop3A_272 = arith.constant 0 : i32
      %parallel_loop3A_273 = arith.constant 256 : i32
      %parallel_loop3A_274 = arith.constant 1 : i32
      scf.for %parallel_loop3A_802 = %parallel_loop3A_272 to %parallel_loop3A_273 step %parallel_loop3A_274  : i32 {
        %parallel_loop3A_803 = arith.constant 16 : i32
        %parallel_loop3A_804 = arith.muli %parallel_loop3A_802, %parallel_loop3A_803 : i32
        %parallel_loop3A_805 = arith.index_cast %parallel_loop3A_804 : i32 to index
        %parallel_loop3A_806 = tpu.vector_load %arg5[%parallel_loop3A_805] {strides = array<i32>} : memref<8192xi32, #tpu.memory_space<vmem>>, vector<16xi32>,
        tpu.vector_store %arg5[%parallel_loop3A_805], %broadcast_in_dim3A_3 {strides = array<i32>} : memref<8192xi32, #tpu.memory_space<vmem>>, vector<16xi32>,
      } {sc.loop_unroll_factor = 8 : i64, sc.parallel_access}
      %parallel_loop3A_275 = arith.constant 0 : i32
      %parallel_loop3A_276 = arith.constant 4096 : i32
      %parallel_loop3A_277 = arith.constant 1 : i32
      scf.for %parallel_loop3A_802 = %parallel_loop3A_275 to %parallel_loop3A_276 step %parallel_loop3A_277  : i32 {
        %parallel_loop3A_803 = arith.constant 16 : i32
        %parallel_loop3A_804 = arith.muli %parallel_loop3A_802, %parallel_loop3A_803 : i32
        %parallel_loop3A_805 = arith.index_cast %parallel_loop3A_804 : i32 to index
        %parallel_loop3A_806 = tpu.vector_load %arg4[%parallel_loop3A_805] {strides = array<i32>} : memref<65536xi32, #tpu.memory_space<vmem>>, vector<16xi32>,
        %parallel_loop3A_807 = arith.constant 19 : i32
        %parallel_loop3A_808 = vector.broadcast %parallel_loop3A_807 : i32 to vector<16xi32>
        %parallel_loop3A_809 = arith.shrui %parallel_loop3A_806, %parallel_loop3A_808 : vector<16xi32>
        %parallel_loop3A_810 = arith.constant 8 : i32
        %parallel_loop3A_811 = vector.broadcast %parallel_loop3A_810 : i32 to vector<16xi32>
        %parallel_loop3A_812 = arith.shrui %parallel_loop3A_806, %parallel_loop3A_811 : vector<16xi32>
        %parallel_loop3A_813 = arith.constant 2047 : i32
        %parallel_loop3A_814 = vector.broadcast %parallel_loop3A_813 : i32 to vector<16xi32>
        %parallel_loop3A_815 = arith.andi %parallel_loop3A_812, %parallel_loop3A_814 : vector<16xi32>
        %parallel_loop3A_816 = vector.broadcast %add3A_188 : i32 to vector<16xi32>
        %parallel_loop3A_817 = arith.cmpi eq, %parallel_loop3A_809, %parallel_loop3A_816 : vector<16xi32>
        tpu.vector_store_idx %arg5[%parallel_loop3A_815], %broadcast_in_dim3A_1 masked %parallel_loop3A_817 {add = true} : memref<8192xi32, #tpu.memory_space<vmem>>[vector<16xi32>], vector<16xi32>, vector<16xi1>
        %parallel_loop3A_818 = arith.constant 2048 : i32
        %parallel_loop3A_819 = vector.broadcast %parallel_loop3A_818 : i32 to vector<16xi32>
        %parallel_loop3A_820 = arith.addi %parallel_loop3A_815, %parallel_loop3A_819 : vector<16xi32>
        %parallel_loop3A_821 = vector.broadcast %add3A_271 : i32 to vector<16xi32>
        %parallel_loop3A_822 = arith.cmpi eq, %parallel_loop3A_809, %parallel_loop3A_821 : vector<16xi32>
        tpu.vector_store_idx %arg5[%parallel_loop3A_820], %broadcast_in_dim3A_1 masked %parallel_loop3A_822 {add = true} : memref<8192xi32, #tpu.memory_space<vmem>>[vector<16xi32>], vector<16xi32>, vector<16xi1>
      } {sc.loop_unroll_factor = 8 : i64, sc.parallel_access}
      %parallel_loop3A_278 = arith.constant 0 : i32
      %parallel_loop3A_279 = arith.constant 256 : i32
      %parallel_loop3A_280 = arith.constant 1 : i32
      scf.for %parallel_loop3A_802 = %parallel_loop3A_278 to %parallel_loop3A_279 step %parallel_loop3A_280  : i32 {
        %parallel_loop3A_803 = arith.constant 16 : i32
        %parallel_loop3A_804 = arith.muli %parallel_loop3A_802, %parallel_loop3A_803 : i32
        %parallel_loop3A_805 = arith.index_cast %parallel_loop3A_804 : i32 to index
        %parallel_loop3A_806 = tpu.vector_load %arg5[%parallel_loop3A_805] {strides = array<i32>} : memref<8192xi32, #tpu.memory_space<vmem>>, vector<16xi32>,
        %parallel_loop3A_807 = arith.constant true
        %parallel_loop3A_808 = vector.broadcast %parallel_loop3A_807 : i1 to vector<16xi1>
        %parallel_loop3A_809 = tpu.scan <sum>, %parallel_loop3A_806 masked %parallel_loop3A_808 : vector<16xi32>, vector<16xi1> -> vector<16xi32>
        %parallel_loop3A_810 = vector.extract %parallel_loop3A_809[15] : i32 from vector<16xi32>
        %parallel_loop3A_811 = vector.broadcast %parallel_loop3A_802 : i32 to vector<16xi32>
        %parallel_loop3A_812 = vector.broadcast %parallel_loop3A_810 : i32 to vector<16xi32>
        %parallel_loop3A_813 = arith.constant 0 : i32
        %parallel_loop3A_814 = vector.broadcast %parallel_loop3A_813 : i32 to vector<16xi32>
        %parallel_loop3A_815 = arith.cmpi eq, %iota3A, %parallel_loop3A_814 : vector<16xi32>
        tpu.vector_store_idx %arg6[%parallel_loop3A_811], %parallel_loop3A_812 masked %parallel_loop3A_815 : memref<512xi32, #tpu.memory_space<vmem>>[vector<16xi32>], vector<16xi32>, vector<16xi1>
      } {sc.loop_unroll_factor = 8 : i64, sc.parallel_access}
      %scan3A_281 = arith.constant 0 : i32
      %scan3A_282 = arith.constant 0 : i32
      %scan3A_283 = arith.constant 0 : i32
      %scan3A_284 = arith.constant 0 : i32
      %scan3A_285 = arith.constant 0 : i32
      %scan3A_286 = arith.constant 0 : i32
      %scan3A_287 = arith.constant 8 : i32
      %scan3A_288 = arith.addi %scan3A_286, %scan3A_287 : i32
      %scan3A_289 = arith.constant 1 : i32
      %scan3A_290:5 = scf.for %scan3A_802 = %scan3A_286 to %scan3A_288 step %scan3A_289 iter_args(%scan3A_803 = %scan3A_281, %scan3A_804 = %scan3A_282, %scan3A_805 = %scan3A_283, %scan3A_806 = %scan3A_284, %scan3A_807 = %scan3A_285) -> (i32, i32, i32, i32, i32)  : i32 {
        %sub3A_808 = arith.constant 7 : i32
        %sub3A_809 = arith.subi %sub3A_808, %scan3A_802 : i32
        %mul3A_810 = arith.constant 16 : i32
        %mul3A_811 = arith.muli %sub3A_809, %mul3A_810 : i32
        %add3A_812 = arith.constant 0 : i32
        %add3A_813 = arith.addi %add3A_812, %mul3A_811 : i32
        %get3A_814 = arith.index_cast %add3A_813 : i32 to index
        %get3A_815 = tpu.vector_load %arg6[%get3A_814] {strides = array<i32>} : memref<512xi32, #tpu.memory_space<vmem>>, vector<16xi32>,
        %rev3A_816 = arith.constant 15 : i32
        %rev3A_817 = vector.broadcast %rev3A_816 : i32 to vector<16xi32>
        %rev3A_818 = tpu.iota {dimensions = array<i32: 0>} : vector<16xi32>
        %rev3A_819 = arith.subi %rev3A_817, %rev3A_818 : vector<16xi32>
        %rev3A_820 = tpu.dynamic_gather %get3A_815[%rev3A_819] in [0] : vector<16xi32>, vector<16xi32> -> vector<16xi32>
        %cumsum3A_821 = arith.constant true
        %cumsum3A_822 = vector.broadcast %cumsum3A_821 : i1 to vector<16xi1>
        %cumsum3A_823 = tpu.scan <sum>, %rev3A_820 masked %cumsum3A_822 : vector<16xi32>, vector<16xi1> -> vector<16xi32>
        %add3A_824 = vector.broadcast %scan3A_803 : i32 to vector<16xi32>
        %add3A_825 = arith.addi %add3A_824, %cumsum3A_823 : vector<16xi32>
        %ge3A_826 = vector.broadcast %select_n3A_176 : i32 to vector<16xi32>
        %ge3A_827 = arith.cmpi sge, %add3A_825, %ge3A_826 : vector<16xi32>
        %jit3A_828 = arith.constant 0 : i32
        %jit3A_829 = arith.constant 1 : i32
        %broadcast_in_dim3A_830 = vector.broadcast %jit3A_828 : i32 to vector<16xi32>
        %broadcast_in_dim3A_831 = vector.broadcast %jit3A_829 : i32 to vector<16xi32>
        %select_n3A_832 = arith.select %ge3A_827, %broadcast_in_dim3A_830, %broadcast_in_dim3A_831 : vector<16xi1>, vector<16xi32>
        %reduce_sum3A_833 = arith.constant true
        %reduce_sum3A_834 = vector.broadcast %reduce_sum3A_833 : i1 to vector<16xi1>
        %reduce_sum3A_835 = tpu.scan <sum>, %select_n3A_832 masked %reduce_sum3A_834 : vector<16xi32>, vector<16xi1> -> vector<16xi32>
        %reduce_sum3A_836 = vector.extract %reduce_sum3A_835[15] : i32 from vector<16xi32>
        %lt3A_837 = arith.constant 16 : i32
        %lt3A_838 = arith.cmpi slt, %reduce_sum3A_836, %lt3A_837 : i32
        %eq3A_839 = arith.constant 0 : i32
        %eq3A_840 = arith.cmpi eq, %scan3A_807, %eq3A_839 : i32
        %and3A_841 = arith.andi %lt3A_838, %eq3A_840 : i1
        %eq3A_842 = vector.broadcast %reduce_sum3A_836 : i32 to vector<16xi32>
        %eq3A_843 = arith.cmpi eq, %iota3A, %eq3A_842 : vector<16xi32>
        %jit3A_844 = arith.constant 0 : i32
        %broadcast_in_dim3A_845 = vector.broadcast %jit3A_844 : i32 to vector<16xi32>
        %select_n3A_846 = arith.select %eq3A_843, %cumsum3A_823, %broadcast_in_dim3A_845 : vector<16xi1>, vector<16xi32>
        %reduce_sum3A_847 = arith.constant true
        %reduce_sum3A_848 = vector.broadcast %reduce_sum3A_847 : i1 to vector<16xi1>
        %reduce_sum3A_849 = tpu.scan <sum>, %select_n3A_846 masked %reduce_sum3A_848 : vector<16xi32>, vector<16xi1> -> vector<16xi32>
        %reduce_sum3A_850 = vector.extract %reduce_sum3A_849[15] : i32 from vector<16xi32>
        %eq3A_851 = vector.broadcast %reduce_sum3A_836 : i32 to vector<16xi32>
        %eq3A_852 = arith.cmpi eq, %iota3A, %eq3A_851 : vector<16xi32>
        %jit3A_853 = arith.constant 0 : i32
        %broadcast_in_dim3A_854 = vector.broadcast %jit3A_853 : i32 to vector<16xi32>
        %select_n3A_855 = arith.select %eq3A_852, %rev3A_820, %broadcast_in_dim3A_854 : vector<16xi1>, vector<16xi32>
        %reduce_sum3A_856 = arith.constant true
        %reduce_sum3A_857 = vector.broadcast %reduce_sum3A_856 : i1 to vector<16xi1>
        %reduce_sum3A_858 = tpu.scan <sum>, %select_n3A_855 masked %reduce_sum3A_857 : vector<16xi32>, vector<16xi1> -> vector<16xi32>
        %reduce_sum3A_859 = vector.extract %reduce_sum3A_858[15] : i32 from vector<16xi32>
        %mul3A_860 = arith.constant 16 : i32
        %mul3A_861 = arith.muli %sub3A_809, %mul3A_860 : i32
        %add3A_862 = arith.constant 15 : i32
        %add3A_863 = arith.addi %mul3A_861, %add3A_862 : i32
        %sub3A_864 = arith.subi %add3A_863, %reduce_sum3A_836 : i32
        %select_n3A_865 = arith.select %and3A_841, %sub3A_864, %scan3A_804 : i32
        %add3A_866 = arith.addi %scan3A_803, %reduce_sum3A_850 : i32
        %sub3A_867 = arith.subi %add3A_866, %reduce_sum3A_859 : i32
        %sub3A_868 = arith.subi %select_n3A_176, %sub3A_867 : i32
        %select_n3A_869 = arith.select %and3A_841, %sub3A_868, %scan3A_805 : i32
        %select_n3A_870 = arith.select %and3A_841, %reduce_sum3A_859, %scan3A_806 : i32
        %jit3A_871 = arith.constant 1 : i32
        %select_n3A_872 = arith.select %and3A_841, %jit3A_871, %scan3A_807 : i32
        %reduce_sum3A_873 = arith.constant true
        %reduce_sum3A_874 = vector.broadcast %reduce_sum3A_873 : i1 to vector<16xi1>
        %reduce_sum3A_875 = tpu.scan <sum>, %get3A_815 masked %reduce_sum3A_874 : vector<16xi32>, vector<16xi1> -> vector<16xi32>
        %reduce_sum3A_876 = vector.extract %reduce_sum3A_875[15] : i32 from vector<16xi32>
        %add3A_877 = arith.addi %scan3A_803, %reduce_sum3A_876 : i32
        scf.yield %add3A_877, %select_n3A_865, %select_n3A_869, %select_n3A_870, %select_n3A_872 : i32, i32, i32, i32, i32
      }
      %scan3A_291 = arith.constant 8 : i32
      %scan3A_292 = arith.constant 0 : i32
      %scan3A_293 = arith.constant 0 : i32
      %scan3A_294 = arith.constant 0 : i32
      %scan3A_295 = arith.constant 0 : i32
      %scan3A_296 = arith.constant 0 : i32
      %scan3A_297 = arith.constant 0 : i32
      %sub3A_298 = arith.constant 0 : i32
      %sub3A_299 = arith.subi %sub3A_298, %scan3A_297 : i32
      %mul3A_300 = arith.constant 16 : i32
      %mul3A_301 = arith.muli %scan3A_290#1, %mul3A_300 : i32
      %add3A_302 = arith.constant 0 : i32
      %add3A_303 = arith.addi %add3A_302, %mul3A_301 : i32
      %get3A_304 = arith.index_cast %add3A_303 : i32 to index
      %get3A_305 = tpu.vector_load %arg5[%get3A_304] {strides = array<i32>} : memref<8192xi32, #tpu.memory_space<vmem>>, vector<16xi32>,
      %rev3A_306 = arith.constant 15 : i32
      %rev3A_307 = vector.broadcast %rev3A_306 : i32 to vector<16xi32>
      %rev3A_308 = tpu.iota {dimensions = array<i32: 0>} : vector<16xi32>
      %rev3A_309 = arith.subi %rev3A_307, %rev3A_308 : vector<16xi32>
      %rev3A_310 = tpu.dynamic_gather %get3A_305[%rev3A_309] in [0] : vector<16xi32>, vector<16xi32> -> vector<16xi32>
      %cumsum3A_311 = arith.constant true
      %cumsum3A_312 = vector.broadcast %cumsum3A_311 : i1 to vector<16xi1>
      %cumsum3A_313 = tpu.scan <sum>, %rev3A_310 masked %cumsum3A_312 : vector<16xi32>, vector<16xi1> -> vector<16xi32>
      %add3A_314 = vector.broadcast %scan3A_292 : i32 to vector<16xi32>
      %add3A_315 = arith.addi %add3A_314, %cumsum3A_313 : vector<16xi32>
      %ge3A_316 = vector.broadcast %scan3A_290#2 : i32 to vector<16xi32>
      %ge3A_317 = arith.cmpi sge, %add3A_315, %ge3A_316 : vector<16xi32>
      %jit3A_318 = arith.constant 0 : i32
      %jit3A_319 = arith.constant 1 : i32
      %broadcast_in_dim3A_320 = vector.broadcast %jit3A_318 : i32 to vector<16xi32>
      %broadcast_in_dim3A_321 = vector.broadcast %jit3A_319 : i32 to vector<16xi32>
      %select_n3A_322 = arith.select %ge3A_317, %broadcast_in_dim3A_320, %broadcast_in_dim3A_321 : vector<16xi1>, vector<16xi32>
      %reduce_sum3A_323 = arith.constant true
      %reduce_sum3A_324 = vector.broadcast %reduce_sum3A_323 : i1 to vector<16xi1>
      %reduce_sum3A_325 = tpu.scan <sum>, %select_n3A_322 masked %reduce_sum3A_324 : vector<16xi32>, vector<16xi1> -> vector<16xi32>
      %reduce_sum3A_326 = vector.extract %reduce_sum3A_325[15] : i32 from vector<16xi32>
      %lt3A_327 = arith.constant 16 : i32
      %lt3A_328 = arith.cmpi slt, %reduce_sum3A_326, %lt3A_327 : i32
      %eq3A_329 = arith.constant 0 : i32
      %eq3A_330 = arith.cmpi eq, %scan3A_296, %eq3A_329 : i32
      %and3A_331 = arith.andi %lt3A_328, %eq3A_330 : i1
      %eq3A_332 = vector.broadcast %reduce_sum3A_326 : i32 to vector<16xi32>
      %eq3A_333 = arith.cmpi eq, %iota3A, %eq3A_332 : vector<16xi32>
      %jit3A_334 = arith.constant 0 : i32
      %broadcast_in_dim3A_335 = vector.broadcast %jit3A_334 : i32 to vector<16xi32>
      %select_n3A_336 = arith.select %eq3A_333, %cumsum3A_313, %broadcast_in_dim3A_335 : vector<16xi1>, vector<16xi32>
      %reduce_sum3A_337 = arith.constant true
      %reduce_sum3A_338 = vector.broadcast %reduce_sum3A_337 : i1 to vector<16xi1>
      %reduce_sum3A_339 = tpu.scan <sum>, %select_n3A_336 masked %reduce_sum3A_338 : vector<16xi32>, vector<16xi1> -> vector<16xi32>
      %reduce_sum3A_340 = vector.extract %reduce_sum3A_339[15] : i32 from vector<16xi32>
      %eq3A_341 = vector.broadcast %reduce_sum3A_326 : i32 to vector<16xi32>
      %eq3A_342 = arith.cmpi eq, %iota3A, %eq3A_341 : vector<16xi32>
      %jit3A_343 = arith.constant 0 : i32
      %broadcast_in_dim3A_344 = vector.broadcast %jit3A_343 : i32 to vector<16xi32>
      %select_n3A_345 = arith.select %eq3A_342, %rev3A_310, %broadcast_in_dim3A_344 : vector<16xi1>, vector<16xi32>
      %reduce_sum3A_346 = arith.constant true
      %reduce_sum3A_347 = vector.broadcast %reduce_sum3A_346 : i1 to vector<16xi1>
      %reduce_sum3A_348 = tpu.scan <sum>, %select_n3A_345 masked %reduce_sum3A_347 : vector<16xi32>, vector<16xi1> -> vector<16xi32>
      %reduce_sum3A_349 = vector.extract %reduce_sum3A_348[15] : i32 from vector<16xi32>
      %mul3A_350 = arith.constant 16 : i32
      %mul3A_351 = arith.muli %sub3A_299, %mul3A_350 : i32
      %add3A_352 = arith.constant 15 : i32
      %add3A_353 = arith.addi %mul3A_351, %add3A_352 : i32
      %sub3A_354 = arith.subi %add3A_353, %reduce_sum3A_326 : i32
      %select_n3A_355 = arith.select %and3A_331, %sub3A_354, %scan3A_293 : i32
      %add3A_356 = arith.addi %scan3A_292, %reduce_sum3A_340 : i32
      %sub3A_357 = arith.subi %add3A_356, %reduce_sum3A_349 : i32
      %sub3A_358 = arith.subi %scan3A_290#2, %sub3A_357 : i32
      %select_n3A_359 = arith.select %and3A_331, %sub3A_358, %scan3A_294 : i32
      %select_n3A_360 = arith.select %and3A_331, %reduce_sum3A_349, %scan3A_295 : i32
      %jit3A_361 = arith.constant 1 : i32
      %select_n3A_362 = arith.select %and3A_331, %jit3A_361, %scan3A_296 : i32
      %reduce_sum3A_363 = arith.constant true
      %reduce_sum3A_364 = vector.broadcast %reduce_sum3A_363 : i1 to vector<16xi1>
      %reduce_sum3A_365 = tpu.scan <sum>, %get3A_305 masked %reduce_sum3A_364 : vector<16xi32>, vector<16xi1> -> vector<16xi32>
      %reduce_sum3A_366 = vector.extract %reduce_sum3A_365[15] : i32 from vector<16xi32>
      %add3A_367 = arith.addi %scan3A_292, %reduce_sum3A_366 : i32
      %scan3A_368 = arith.constant 1 : i32
      %mul3A_369 = arith.constant 16 : i32
      %mul3A_370 = arith.muli %scan3A_290#1, %mul3A_369 : i32
      %add3A_371 = arith.addi %mul3A_370, %select_n3A_355 : i32
      %scan3A_372 = arith.constant 0 : i32
      %scan3A_373 = arith.constant 0 : i32
      %scan3A_374 = arith.constant 0 : i32
      %scan3A_375 = arith.constant 0 : i32
      %scan3A_376 = arith.constant 0 : i32
      %scan3A_377 = arith.constant 0 : i32
      %scan3A_378 = arith.constant 8 : i32
      %scan3A_379 = arith.addi %scan3A_377, %scan3A_378 : i32
      %scan3A_380 = arith.constant 1 : i32
      %scan3A_381:5 = scf.for %scan3A_802 = %scan3A_377 to %scan3A_379 step %scan3A_380 iter_args(%scan3A_803 = %scan3A_372, %scan3A_804 = %scan3A_373, %scan3A_805 = %scan3A_374, %scan3A_806 = %scan3A_375, %scan3A_807 = %scan3A_376) -> (i32, i32, i32, i32, i32)  : i32 {
        %mul3A_808 = arith.constant 16 : i32
        %mul3A_809 = arith.muli %scan3A_802, %mul3A_808 : i32
        %add3A_810 = arith.constant 128 : i32
        %add3A_811 = arith.addi %add3A_810, %mul3A_809 : i32
        %get3A_812 = arith.index_cast %add3A_811 : i32 to index
        %get3A_813 = tpu.vector_load %arg6[%get3A_812] {strides = array<i32>} : memref<512xi32, #tpu.memory_space<vmem>>, vector<16xi32>,
        %cumsum3A_814 = arith.constant true
        %cumsum3A_815 = vector.broadcast %cumsum3A_814 : i1 to vector<16xi1>
        %cumsum3A_816 = tpu.scan <sum>, %get3A_813 masked %cumsum3A_815 : vector<16xi32>, vector<16xi1> -> vector<16xi32>
        %add3A_817 = vector.broadcast %scan3A_803 : i32 to vector<16xi32>
        %add3A_818 = arith.addi %add3A_817, %cumsum3A_816 : vector<16xi32>
        %ge3A_819 = vector.broadcast %select_n3A_259 : i32 to vector<16xi32>
        %ge3A_820 = arith.cmpi sge, %add3A_818, %ge3A_819 : vector<16xi32>
        %jit3A_821 = arith.constant 0 : i32
        %jit3A_822 = arith.constant 1 : i32
        %broadcast_in_dim3A_823 = vector.broadcast %jit3A_821 : i32 to vector<16xi32>
        %broadcast_in_dim3A_824 = vector.broadcast %jit3A_822 : i32 to vector<16xi32>
        %select_n3A_825 = arith.select %ge3A_820, %broadcast_in_dim3A_823, %broadcast_in_dim3A_824 : vector<16xi1>, vector<16xi32>
        %reduce_sum3A_826 = arith.constant true
        %reduce_sum3A_827 = vector.broadcast %reduce_sum3A_826 : i1 to vector<16xi1>
        %reduce_sum3A_828 = tpu.scan <sum>, %select_n3A_825 masked %reduce_sum3A_827 : vector<16xi32>, vector<16xi1> -> vector<16xi32>
        %reduce_sum3A_829 = vector.extract %reduce_sum3A_828[15] : i32 from vector<16xi32>
        %lt3A_830 = arith.constant 16 : i32
        %lt3A_831 = arith.cmpi slt, %reduce_sum3A_829, %lt3A_830 : i32
        %eq3A_832 = arith.constant 0 : i32
        %eq3A_833 = arith.cmpi eq, %scan3A_807, %eq3A_832 : i32
        %and3A_834 = arith.andi %lt3A_831, %eq3A_833 : i1
        %eq3A_835 = vector.broadcast %reduce_sum3A_829 : i32 to vector<16xi32>
        %eq3A_836 = arith.cmpi eq, %iota3A, %eq3A_835 : vector<16xi32>
        %jit3A_837 = arith.constant 0 : i32
        %broadcast_in_dim3A_838 = vector.broadcast %jit3A_837 : i32 to vector<16xi32>
        %select_n3A_839 = arith.select %eq3A_836, %cumsum3A_816, %broadcast_in_dim3A_838 : vector<16xi1>, vector<16xi32>
        %reduce_sum3A_840 = arith.constant true
        %reduce_sum3A_841 = vector.broadcast %reduce_sum3A_840 : i1 to vector<16xi1>
        %reduce_sum3A_842 = tpu.scan <sum>, %select_n3A_839 masked %reduce_sum3A_841 : vector<16xi32>, vector<16xi1> -> vector<16xi32>
        %reduce_sum3A_843 = vector.extract %reduce_sum3A_842[15] : i32 from vector<16xi32>
        %eq3A_844 = vector.broadcast %reduce_sum3A_829 : i32 to vector<16xi32>
        %eq3A_845 = arith.cmpi eq, %iota3A, %eq3A_844 : vector<16xi32>
        %jit3A_846 = arith.constant 0 : i32
        %broadcast_in_dim3A_847 = vector.broadcast %jit3A_846 : i32 to vector<16xi32>
        %select_n3A_848 = arith.select %eq3A_845, %get3A_813, %broadcast_in_dim3A_847 : vector<16xi1>, vector<16xi32>
        %reduce_sum3A_849 = arith.constant true
        %reduce_sum3A_850 = vector.broadcast %reduce_sum3A_849 : i1 to vector<16xi1>
        %reduce_sum3A_851 = tpu.scan <sum>, %select_n3A_848 masked %reduce_sum3A_850 : vector<16xi32>, vector<16xi1> -> vector<16xi32>
        %reduce_sum3A_852 = vector.extract %reduce_sum3A_851[15] : i32 from vector<16xi32>
        %mul3A_853 = arith.constant 16 : i32
        %mul3A_854 = arith.muli %scan3A_802, %mul3A_853 : i32
        %add3A_855 = arith.addi %mul3A_854, %reduce_sum3A_829 : i32
        %select_n3A_856 = arith.select %and3A_834, %add3A_855, %scan3A_804 : i32
        %add3A_857 = arith.addi %scan3A_803, %reduce_sum3A_843 : i32
        %sub3A_858 = arith.subi %add3A_857, %reduce_sum3A_852 : i32
        %sub3A_859 = arith.subi %select_n3A_259, %sub3A_858 : i32
        %select_n3A_860 = arith.select %and3A_834, %sub3A_859, %scan3A_805 : i32
        %select_n3A_861 = arith.select %and3A_834, %reduce_sum3A_852, %scan3A_806 : i32
        %jit3A_862 = arith.constant 1 : i32
        %select_n3A_863 = arith.select %and3A_834, %jit3A_862, %scan3A_807 : i32
        %reduce_sum3A_864 = arith.constant true
        %reduce_sum3A_865 = vector.broadcast %reduce_sum3A_864 : i1 to vector<16xi1>
        %reduce_sum3A_866 = tpu.scan <sum>, %get3A_813 masked %reduce_sum3A_865 : vector<16xi32>, vector<16xi1> -> vector<16xi32>
        %reduce_sum3A_867 = vector.extract %reduce_sum3A_866[15] : i32 from vector<16xi32>
        %add3A_868 = arith.addi %scan3A_803, %reduce_sum3A_867 : i32
        scf.yield %add3A_868, %select_n3A_856, %select_n3A_860, %select_n3A_861, %select_n3A_863 : i32, i32, i32, i32, i32
      }
      %scan3A_382 = arith.constant 8 : i32
      %scan3A_383 = arith.constant 0 : i32
      %scan3A_384 = arith.constant 0 : i32
      %scan3A_385 = arith.constant 0 : i32
      %scan3A_386 = arith.constant 0 : i32
      %scan3A_387 = arith.constant 0 : i32
      %scan3A_388 = arith.constant 0 : i32
      %mul3A_389 = arith.constant 16 : i32
      %mul3A_390 = arith.muli %scan3A_381#1, %mul3A_389 : i32
      %add3A_391 = arith.constant 2048 : i32
      %add3A_392 = arith.addi %add3A_391, %mul3A_390 : i32
      %get3A_393 = arith.index_cast %add3A_392 : i32 to index
      %get3A_394 = tpu.vector_load %arg5[%get3A_393] {strides = array<i32>} : memref<8192xi32, #tpu.memory_space<vmem>>, vector<16xi32>,
      %cumsum3A_395 = arith.constant true
      %cumsum3A_396 = vector.broadcast %cumsum3A_395 : i1 to vector<16xi1>
      %cumsum3A_397 = tpu.scan <sum>, %get3A_394 masked %cumsum3A_396 : vector<16xi32>, vector<16xi1> -> vector<16xi32>
      %add3A_398 = vector.broadcast %scan3A_383 : i32 to vector<16xi32>
      %add3A_399 = arith.addi %add3A_398, %cumsum3A_397 : vector<16xi32>
      %ge3A_400 = vector.broadcast %scan3A_381#2 : i32 to vector<16xi32>
      %ge3A_401 = arith.cmpi sge, %add3A_399, %ge3A_400 : vector<16xi32>
      %jit3A_402 = arith.constant 0 : i32
      %jit3A_403 = arith.constant 1 : i32
      %broadcast_in_dim3A_404 = vector.broadcast %jit3A_402 : i32 to vector<16xi32>
      %broadcast_in_dim3A_405 = vector.broadcast %jit3A_403 : i32 to vector<16xi32>
      %select_n3A_406 = arith.select %ge3A_401, %broadcast_in_dim3A_404, %broadcast_in_dim3A_405 : vector<16xi1>, vector<16xi32>
      %reduce_sum3A_407 = arith.constant true
      %reduce_sum3A_408 = vector.broadcast %reduce_sum3A_407 : i1 to vector<16xi1>
      %reduce_sum3A_409 = tpu.scan <sum>, %select_n3A_406 masked %reduce_sum3A_408 : vector<16xi32>, vector<16xi1> -> vector<16xi32>
      %reduce_sum3A_410 = vector.extract %reduce_sum3A_409[15] : i32 from vector<16xi32>
      %lt3A_411 = arith.constant 16 : i32
      %lt3A_412 = arith.cmpi slt, %reduce_sum3A_410, %lt3A_411 : i32
      %eq3A_413 = arith.constant 0 : i32
      %eq3A_414 = arith.cmpi eq, %scan3A_387, %eq3A_413 : i32
      %and3A_415 = arith.andi %lt3A_412, %eq3A_414 : i1
      %eq3A_416 = vector.broadcast %reduce_sum3A_410 : i32 to vector<16xi32>
      %eq3A_417 = arith.cmpi eq, %iota3A, %eq3A_416 : vector<16xi32>
      %jit3A_418 = arith.constant 0 : i32
      %broadcast_in_dim3A_419 = vector.broadcast %jit3A_418 : i32 to vector<16xi32>
      %select_n3A_420 = arith.select %eq3A_417, %cumsum3A_397, %broadcast_in_dim3A_419 : vector<16xi1>, vector<16xi32>
      %reduce_sum3A_421 = arith.constant true
      %reduce_sum3A_422 = vector.broadcast %reduce_sum3A_421 : i1 to vector<16xi1>
      %reduce_sum3A_423 = tpu.scan <sum>, %select_n3A_420 masked %reduce_sum3A_422 : vector<16xi32>, vector<16xi1> -> vector<16xi32>
      %reduce_sum3A_424 = vector.extract %reduce_sum3A_423[15] : i32 from vector<16xi32>
      %eq3A_425 = vector.broadcast %reduce_sum3A_410 : i32 to vector<16xi32>
      %eq3A_426 = arith.cmpi eq, %iota3A, %eq3A_425 : vector<16xi32>
      %jit3A_427 = arith.constant 0 : i32
      %broadcast_in_dim3A_428 = vector.broadcast %jit3A_427 : i32 to vector<16xi32>
      %select_n3A_429 = arith.select %eq3A_426, %get3A_394, %broadcast_in_dim3A_428 : vector<16xi1>, vector<16xi32>
      %reduce_sum3A_430 = arith.constant true
      %reduce_sum3A_431 = vector.broadcast %reduce_sum3A_430 : i1 to vector<16xi1>
      %reduce_sum3A_432 = tpu.scan <sum>, %select_n3A_429 masked %reduce_sum3A_431 : vector<16xi32>, vector<16xi1> -> vector<16xi32>
      %reduce_sum3A_433 = vector.extract %reduce_sum3A_432[15] : i32 from vector<16xi32>
      %mul3A_434 = arith.constant 16 : i32
      %mul3A_435 = arith.muli %scan3A_388, %mul3A_434 : i32
      %add3A_436 = arith.addi %mul3A_435, %reduce_sum3A_410 : i32
      %select_n3A_437 = arith.select %and3A_415, %add3A_436, %scan3A_384 : i32
      %add3A_438 = arith.addi %scan3A_383, %reduce_sum3A_424 : i32
      %sub3A_439 = arith.subi %add3A_438, %reduce_sum3A_433 : i32
      %sub3A_440 = arith.subi %scan3A_381#2, %sub3A_439 : i32
      %select_n3A_441 = arith.select %and3A_415, %sub3A_440, %scan3A_385 : i32
      %select_n3A_442 = arith.select %and3A_415, %reduce_sum3A_433, %scan3A_386 : i32
      %jit3A_443 = arith.constant 1 : i32
      %select_n3A_444 = arith.select %and3A_415, %jit3A_443, %scan3A_387 : i32
      %reduce_sum3A_445 = arith.constant true
      %reduce_sum3A_446 = vector.broadcast %reduce_sum3A_445 : i1 to vector<16xi1>
      %reduce_sum3A_447 = tpu.scan <sum>, %get3A_394 masked %reduce_sum3A_446 : vector<16xi32>, vector<16xi1> -> vector<16xi32>
      %reduce_sum3A_448 = vector.extract %reduce_sum3A_447[15] : i32 from vector<16xi32>
      %add3A_449 = arith.addi %scan3A_383, %reduce_sum3A_448 : i32
      %scan3A_450 = arith.constant 1 : i32
      %mul3A_451 = arith.constant 16 : i32
      %mul3A_452 = arith.muli %scan3A_381#1, %mul3A_451 : i32
      %add3A_453 = arith.addi %mul3A_452, %select_n3A_437 : i32
      %mul3A_454 = arith.constant 2048 : i32
      %mul3A_455 = arith.muli %add3A_188, %mul3A_454 : i32
      %add3A_456 = arith.addi %mul3A_455, %add3A_371 : i32
      %mul3A_457 = arith.constant 2048 : i32
      %mul3A_458 = arith.muli %add3A_271, %mul3A_457 : i32
      %add3A_459 = arith.addi %mul3A_458, %add3A_453 : i32
      %parallel_loop3A_460 = arith.constant 0 : i32
      %parallel_loop3A_461 = arith.constant 32 : i32
      %parallel_loop3A_462 = arith.constant 1 : i32
      scf.for %parallel_loop3A_802 = %parallel_loop3A_460 to %parallel_loop3A_461 step %parallel_loop3A_462  : i32 {
        %parallel_loop3A_803 = arith.constant 16 : i32
        %parallel_loop3A_804 = arith.muli %parallel_loop3A_802, %parallel_loop3A_803 : i32
        %parallel_loop3A_805 = arith.index_cast %parallel_loop3A_804 : i32 to index
        %parallel_loop3A_806 = tpu.vector_load %arg5[%parallel_loop3A_805] {strides = array<i32>} : memref<8192xi32, #tpu.memory_space<vmem>>, vector<16xi32>,
        tpu.vector_store %arg5[%parallel_loop3A_805], %broadcast_in_dim3A_3 {strides = array<i32>} : memref<8192xi32, #tpu.memory_space<vmem>>, vector<16xi32>,
      } {sc.loop_unroll_factor = 8 : i64, sc.parallel_access}
      %parallel_loop3A_463 = arith.constant 0 : i32
      %parallel_loop3A_464 = arith.constant 4096 : i32
      %parallel_loop3A_465 = arith.constant 1 : i32
      scf.for %parallel_loop3A_802 = %parallel_loop3A_463 to %parallel_loop3A_464 step %parallel_loop3A_465  : i32 {
        %parallel_loop3A_803 = arith.constant 16 : i32
        %parallel_loop3A_804 = arith.muli %parallel_loop3A_802, %parallel_loop3A_803 : i32
        %parallel_loop3A_805 = arith.index_cast %parallel_loop3A_804 : i32 to index
        %parallel_loop3A_806 = tpu.vector_load %arg4[%parallel_loop3A_805] {strides = array<i32>} : memref<65536xi32, #tpu.memory_space<vmem>>, vector<16xi32>,
        %parallel_loop3A_807 = arith.constant 8 : i32
        %parallel_loop3A_808 = vector.broadcast %parallel_loop3A_807 : i32 to vector<16xi32>
        %parallel_loop3A_809 = arith.shrui %parallel_loop3A_806, %parallel_loop3A_808 : vector<16xi32>
        %parallel_loop3A_810 = arith.constant 255 : i32
        %parallel_loop3A_811 = vector.broadcast %parallel_loop3A_810 : i32 to vector<16xi32>
        %parallel_loop3A_812 = arith.andi %parallel_loop3A_806, %parallel_loop3A_811 : vector<16xi32>
        %parallel_loop3A_813 = vector.broadcast %add3A_456 : i32 to vector<16xi32>
        %parallel_loop3A_814 = arith.cmpi eq, %parallel_loop3A_809, %parallel_loop3A_813 : vector<16xi32>
        tpu.vector_store_idx %arg5[%parallel_loop3A_812], %broadcast_in_dim3A_1 masked %parallel_loop3A_814 {add = true} : memref<8192xi32, #tpu.memory_space<vmem>>[vector<16xi32>], vector<16xi32>, vector<16xi1>
        %parallel_loop3A_815 = arith.constant 256 : i32
        %parallel_loop3A_816 = vector.broadcast %parallel_loop3A_815 : i32 to vector<16xi32>
        %parallel_loop3A_817 = arith.addi %parallel_loop3A_812, %parallel_loop3A_816 : vector<16xi32>
        %parallel_loop3A_818 = vector.broadcast %add3A_459 : i32 to vector<16xi32>
        %parallel_loop3A_819 = arith.cmpi eq, %parallel_loop3A_809, %parallel_loop3A_818 : vector<16xi32>
        tpu.vector_store_idx %arg5[%parallel_loop3A_817], %broadcast_in_dim3A_1 masked %parallel_loop3A_819 {add = true} : memref<8192xi32, #tpu.memory_space<vmem>>[vector<16xi32>], vector<16xi32>, vector<16xi1>
      } {sc.loop_unroll_factor = 8 : i64, sc.parallel_access}
      %parallel_loop3A_466 = arith.constant 0 : i32
      %parallel_loop3A_467 = arith.constant 32 : i32
      %parallel_loop3A_468 = arith.constant 1 : i32
      scf.for %parallel_loop3A_802 = %parallel_loop3A_466 to %parallel_loop3A_467 step %parallel_loop3A_468  : i32 {
        %parallel_loop3A_803 = arith.constant 16 : i32
        %parallel_loop3A_804 = arith.muli %parallel_loop3A_802, %parallel_loop3A_803 : i32
        %parallel_loop3A_805 = arith.index_cast %parallel_loop3A_804 : i32 to index
        %parallel_loop3A_806 = tpu.vector_load %arg5[%parallel_loop3A_805] {strides = array<i32>} : memref<8192xi32, #tpu.memory_space<vmem>>, vector<16xi32>,
        %parallel_loop3A_807 = arith.constant true
        %parallel_loop3A_808 = vector.broadcast %parallel_loop3A_807 : i1 to vector<16xi1>
        %parallel_loop3A_809 = tpu.scan <sum>, %parallel_loop3A_806 masked %parallel_loop3A_808 : vector<16xi32>, vector<16xi1> -> vector<16xi32>
        %parallel_loop3A_810 = vector.extract %parallel_loop3A_809[15] : i32 from vector<16xi32>
        %parallel_loop3A_811 = vector.broadcast %parallel_loop3A_802 : i32 to vector<16xi32>
        %parallel_loop3A_812 = vector.broadcast %parallel_loop3A_810 : i32 to vector<16xi32>
        %parallel_loop3A_813 = arith.constant 0 : i32
        %parallel_loop3A_814 = vector.broadcast %parallel_loop3A_813 : i32 to vector<16xi32>
        %parallel_loop3A_815 = arith.cmpi eq, %iota3A, %parallel_loop3A_814 : vector<16xi32>
        tpu.vector_store_idx %arg6[%parallel_loop3A_811], %parallel_loop3A_812 masked %parallel_loop3A_815 : memref<512xi32, #tpu.memory_space<vmem>>[vector<16xi32>], vector<16xi32>, vector<16xi1>
      } {sc.loop_unroll_factor = 8 : i64, sc.parallel_access}
      %scan3A_469 = arith.constant 0 : i32
      %scan3A_470 = arith.constant 0 : i32
      %scan3A_471 = arith.constant 0 : i32
      %scan3A_472 = arith.constant 0 : i32
      %scan3A_473 = arith.constant 0 : i32
      %scan3A_474 = arith.constant 0 : i32
      %sub3A_475 = arith.constant 0 : i32
      %sub3A_476 = arith.subi %sub3A_475, %scan3A_474 : i32
      %mul3A_477 = arith.constant 16 : i32
      %mul3A_478 = arith.muli %sub3A_476, %mul3A_477 : i32
      %add3A_479 = arith.constant 0 : i32
      %add3A_480 = arith.addi %add3A_479, %mul3A_478 : i32
      %get3A_481 = arith.index_cast %add3A_480 : i32 to index
      %get3A_482 = tpu.vector_load %arg6[%get3A_481] {strides = array<i32>} : memref<512xi32, #tpu.memory_space<vmem>>, vector<16xi32>,
      %rev3A_483 = arith.constant 15 : i32
      %rev3A_484 = vector.broadcast %rev3A_483 : i32 to vector<16xi32>
      %rev3A_485 = tpu.iota {dimensions = array<i32: 0>} : vector<16xi32>
      %rev3A_486 = arith.subi %rev3A_484, %rev3A_485 : vector<16xi32>
      %rev3A_487 = tpu.dynamic_gather %get3A_482[%rev3A_486] in [0] : vector<16xi32>, vector<16xi32> -> vector<16xi32>
      %cumsum3A_488 = arith.constant true
      %cumsum3A_489 = vector.broadcast %cumsum3A_488 : i1 to vector<16xi1>
      %cumsum3A_490 = tpu.scan <sum>, %rev3A_487 masked %cumsum3A_489 : vector<16xi32>, vector<16xi1> -> vector<16xi32>
      %add3A_491 = vector.broadcast %scan3A_469 : i32 to vector<16xi32>
      %add3A_492 = arith.addi %add3A_491, %cumsum3A_490 : vector<16xi32>
      %ge3A_493 = vector.broadcast %select_n3A_359 : i32 to vector<16xi32>
      %ge3A_494 = arith.cmpi sge, %add3A_492, %ge3A_493 : vector<16xi32>
      %jit3A_495 = arith.constant 0 : i32
      %jit3A_496 = arith.constant 1 : i32
      %broadcast_in_dim3A_497 = vector.broadcast %jit3A_495 : i32 to vector<16xi32>
      %broadcast_in_dim3A_498 = vector.broadcast %jit3A_496 : i32 to vector<16xi32>
      %select_n3A_499 = arith.select %ge3A_494, %broadcast_in_dim3A_497, %broadcast_in_dim3A_498 : vector<16xi1>, vector<16xi32>
      %reduce_sum3A_500 = arith.constant true
      %reduce_sum3A_501 = vector.broadcast %reduce_sum3A_500 : i1 to vector<16xi1>
      %reduce_sum3A_502 = tpu.scan <sum>, %select_n3A_499 masked %reduce_sum3A_501 : vector<16xi32>, vector<16xi1> -> vector<16xi32>
      %reduce_sum3A_503 = vector.extract %reduce_sum3A_502[15] : i32 from vector<16xi32>
      %lt3A_504 = arith.constant 16 : i32
      %lt3A_505 = arith.cmpi slt, %reduce_sum3A_503, %lt3A_504 : i32
      %eq3A_506 = arith.constant 0 : i32
      %eq3A_507 = arith.cmpi eq, %scan3A_473, %eq3A_506 : i32
      %and3A_508 = arith.andi %lt3A_505, %eq3A_507 : i1
      %eq3A_509 = vector.broadcast %reduce_sum3A_503 : i32 to vector<16xi32>
      %eq3A_510 = arith.cmpi eq, %iota3A, %eq3A_509 : vector<16xi32>
      %jit3A_511 = arith.constant 0 : i32
      %broadcast_in_dim3A_512 = vector.broadcast %jit3A_511 : i32 to vector<16xi32>
      %select_n3A_513 = arith.select %eq3A_510, %cumsum3A_490, %broadcast_in_dim3A_512 : vector<16xi1>, vector<16xi32>
      %reduce_sum3A_514 = arith.constant true
      %reduce_sum3A_515 = vector.broadcast %reduce_sum3A_514 : i1 to vector<16xi1>
      %reduce_sum3A_516 = tpu.scan <sum>, %select_n3A_513 masked %reduce_sum3A_515 : vector<16xi32>, vector<16xi1> -> vector<16xi32>
      %reduce_sum3A_517 = vector.extract %reduce_sum3A_516[15] : i32 from vector<16xi32>
      %eq3A_518 = vector.broadcast %reduce_sum3A_503 : i32 to vector<16xi32>
      %eq3A_519 = arith.cmpi eq, %iota3A, %eq3A_518 : vector<16xi32>
      %jit3A_520 = arith.constant 0 : i32
      %broadcast_in_dim3A_521 = vector.broadcast %jit3A_520 : i32 to vector<16xi32>
      %select_n3A_522 = arith.select %eq3A_519, %rev3A_487, %broadcast_in_dim3A_521 : vector<16xi1>, vector<16xi32>
      %reduce_sum3A_523 = arith.constant true
      %reduce_sum3A_524 = vector.broadcast %reduce_sum3A_523 : i1 to vector<16xi1>
      %reduce_sum3A_525 = tpu.scan <sum>, %select_n3A_522 masked %reduce_sum3A_524 : vector<16xi32>, vector<16xi1> -> vector<16xi32>
      %reduce_sum3A_526 = vector.extract %reduce_sum3A_525[15] : i32 from vector<16xi32>
      %mul3A_527 = arith.constant 16 : i32
      %mul3A_528 = arith.muli %sub3A_476, %mul3A_527 : i32
      %add3A_529 = arith.constant 15 : i32
      %add3A_530 = arith.addi %mul3A_528, %add3A_529 : i32
      %sub3A_531 = arith.subi %add3A_530, %reduce_sum3A_503 : i32
      %select_n3A_532 = arith.select %and3A_508, %sub3A_531, %scan3A_470 : i32
      %add3A_533 = arith.addi %scan3A_469, %reduce_sum3A_517 : i32
      %sub3A_534 = arith.subi %add3A_533, %reduce_sum3A_526 : i32
      %sub3A_535 = arith.subi %select_n3A_359, %sub3A_534 : i32
      %select_n3A_536 = arith.select %and3A_508, %sub3A_535, %scan3A_471 : i32
      %select_n3A_537 = arith.select %and3A_508, %reduce_sum3A_526, %scan3A_472 : i32
      %jit3A_538 = arith.constant 1 : i32
      %select_n3A_539 = arith.select %and3A_508, %jit3A_538, %scan3A_473 : i32
      %reduce_sum3A_540 = arith.constant true
      %reduce_sum3A_541 = vector.broadcast %reduce_sum3A_540 : i1 to vector<16xi1>
      %reduce_sum3A_542 = tpu.scan <sum>, %get3A_482 masked %reduce_sum3A_541 : vector<16xi32>, vector<16xi1> -> vector<16xi32>
      %reduce_sum3A_543 = vector.extract %reduce_sum3A_542[15] : i32 from vector<16xi32>
      %add3A_544 = arith.addi %scan3A_469, %reduce_sum3A_543 : i32
      %scan3A_545 = arith.constant 1 : i32
      %scan3A_546 = arith.constant 0 : i32
      %scan3A_547 = arith.constant 0 : i32
      %scan3A_548 = arith.constant 0 : i32
      %scan3A_549 = arith.constant 0 : i32
      %scan3A_550 = arith.constant 0 : i32
      %scan3A_551 = arith.constant 0 : i32
      %sub3A_552 = arith.constant 0 : i32
      %sub3A_553 = arith.subi %sub3A_552, %scan3A_551 : i32
      %mul3A_554 = arith.constant 16 : i32
      %mul3A_555 = arith.muli %select_n3A_532, %mul3A_554 : i32
      %add3A_556 = arith.constant 0 : i32
      %add3A_557 = arith.addi %add3A_556, %mul3A_555 : i32
      %get3A_558 = arith.index_cast %add3A_557 : i32 to index
      %get3A_559 = tpu.vector_load %arg5[%get3A_558] {strides = array<i32>} : memref<8192xi32, #tpu.memory_space<vmem>>, vector<16xi32>,
      %rev3A_560 = arith.constant 15 : i32
      %rev3A_561 = vector.broadcast %rev3A_560 : i32 to vector<16xi32>
      %rev3A_562 = tpu.iota {dimensions = array<i32: 0>} : vector<16xi32>
      %rev3A_563 = arith.subi %rev3A_561, %rev3A_562 : vector<16xi32>
      %rev3A_564 = tpu.dynamic_gather %get3A_559[%rev3A_563] in [0] : vector<16xi32>, vector<16xi32> -> vector<16xi32>
      %cumsum3A_565 = arith.constant true
      %cumsum3A_566 = vector.broadcast %cumsum3A_565 : i1 to vector<16xi1>
      %cumsum3A_567 = tpu.scan <sum>, %rev3A_564 masked %cumsum3A_566 : vector<16xi32>, vector<16xi1> -> vector<16xi32>
      %add3A_568 = vector.broadcast %scan3A_546 : i32 to vector<16xi32>
      %add3A_569 = arith.addi %add3A_568, %cumsum3A_567 : vector<16xi32>
      %ge3A_570 = vector.broadcast %select_n3A_536 : i32 to vector<16xi32>
      %ge3A_571 = arith.cmpi sge, %add3A_569, %ge3A_570 : vector<16xi32>
      %jit3A_572 = arith.constant 0 : i32
      %jit3A_573 = arith.constant 1 : i32
      %broadcast_in_dim3A_574 = vector.broadcast %jit3A_572 : i32 to vector<16xi32>
      %broadcast_in_dim3A_575 = vector.broadcast %jit3A_573 : i32 to vector<16xi32>
      %select_n3A_576 = arith.select %ge3A_571, %broadcast_in_dim3A_574, %broadcast_in_dim3A_575 : vector<16xi1>, vector<16xi32>
      %reduce_sum3A_577 = arith.constant true
      %reduce_sum3A_578 = vector.broadcast %reduce_sum3A_577 : i1 to vector<16xi1>
      %reduce_sum3A_579 = tpu.scan <sum>, %select_n3A_576 masked %reduce_sum3A_578 : vector<16xi32>, vector<16xi1> -> vector<16xi32>
      %reduce_sum3A_580 = vector.extract %reduce_sum3A_579[15] : i32 from vector<16xi32>
      %lt3A_581 = arith.constant 16 : i32
      %lt3A_582 = arith.cmpi slt, %reduce_sum3A_580, %lt3A_581 : i32
      %eq3A_583 = arith.constant 0 : i32
      %eq3A_584 = arith.cmpi eq, %scan3A_550, %eq3A_583 : i32
      %and3A_585 = arith.andi %lt3A_582, %eq3A_584 : i1
      %eq3A_586 = vector.broadcast %reduce_sum3A_580 : i32 to vector<16xi32>
      %eq3A_587 = arith.cmpi eq, %iota3A, %eq3A_586 : vector<16xi32>
      %jit3A_588 = arith.constant 0 : i32
      %broadcast_in_dim3A_589 = vector.broadcast %jit3A_588 : i32 to vector<16xi32>
      %select_n3A_590 = arith.select %eq3A_587, %cumsum3A_567, %broadcast_in_dim3A_589 : vector<16xi1>, vector<16xi32>
      %reduce_sum3A_591 = arith.constant true
      %reduce_sum3A_592 = vector.broadcast %reduce_sum3A_591 : i1 to vector<16xi1>
      %reduce_sum3A_593 = tpu.scan <sum>, %select_n3A_590 masked %reduce_sum3A_592 : vector<16xi32>, vector<16xi1> -> vector<16xi32>
      %reduce_sum3A_594 = vector.extract %reduce_sum3A_593[15] : i32 from vector<16xi32>
      %eq3A_595 = vector.broadcast %reduce_sum3A_580 : i32 to vector<16xi32>
      %eq3A_596 = arith.cmpi eq, %iota3A, %eq3A_595 : vector<16xi32>
      %jit3A_597 = arith.constant 0 : i32
      %broadcast_in_dim3A_598 = vector.broadcast %jit3A_597 : i32 to vector<16xi32>
      %select_n3A_599 = arith.select %eq3A_596, %rev3A_564, %broadcast_in_dim3A_598 : vector<16xi1>, vector<16xi32>
      %reduce_sum3A_600 = arith.constant true
      %reduce_sum3A_601 = vector.broadcast %reduce_sum3A_600 : i1 to vector<16xi1>
      %reduce_sum3A_602 = tpu.scan <sum>, %select_n3A_599 masked %reduce_sum3A_601 : vector<16xi32>, vector<16xi1> -> vector<16xi32>
      %reduce_sum3A_603 = vector.extract %reduce_sum3A_602[15] : i32 from vector<16xi32>
      %mul3A_604 = arith.constant 16 : i32
      %mul3A_605 = arith.muli %sub3A_553, %mul3A_604 : i32
      %add3A_606 = arith.constant 15 : i32
      %add3A_607 = arith.addi %mul3A_605, %add3A_606 : i32
      %sub3A_608 = arith.subi %add3A_607, %reduce_sum3A_580 : i32
      %select_n3A_609 = arith.select %and3A_585, %sub3A_608, %scan3A_547 : i32
      %add3A_610 = arith.addi %scan3A_546, %reduce_sum3A_594 : i32
      %sub3A_611 = arith.subi %add3A_610, %reduce_sum3A_603 : i32
      %sub3A_612 = arith.subi %select_n3A_536, %sub3A_611 : i32
      %select_n3A_613 = arith.select %and3A_585, %sub3A_612, %scan3A_548 : i32
      %select_n3A_614 = arith.select %and3A_585, %reduce_sum3A_603, %scan3A_549 : i32
      %jit3A_615 = arith.constant 1 : i32
      %select_n3A_616 = arith.select %and3A_585, %jit3A_615, %scan3A_550 : i32
      %reduce_sum3A_617 = arith.constant true
      %reduce_sum3A_618 = vector.broadcast %reduce_sum3A_617 : i1 to vector<16xi1>
      %reduce_sum3A_619 = tpu.scan <sum>, %get3A_559 masked %reduce_sum3A_618 : vector<16xi32>, vector<16xi1> -> vector<16xi32>
      %reduce_sum3A_620 = vector.extract %reduce_sum3A_619[15] : i32 from vector<16xi32>
      %add3A_621 = arith.addi %scan3A_546, %reduce_sum3A_620 : i32
      %scan3A_622 = arith.constant 1 : i32
      %mul3A_623 = arith.constant 16 : i32
      %mul3A_624 = arith.muli %select_n3A_532, %mul3A_623 : i32
      %add3A_625 = arith.addi %mul3A_624, %select_n3A_609 : i32
      %scan3A_626 = arith.constant 0 : i32
      %scan3A_627 = arith.constant 0 : i32
      %scan3A_628 = arith.constant 0 : i32
      %scan3A_629 = arith.constant 0 : i32
      %scan3A_630 = arith.constant 0 : i32
      %scan3A_631 = arith.constant 0 : i32
      %mul3A_632 = arith.constant 16 : i32
      %mul3A_633 = arith.muli %scan3A_631, %mul3A_632 : i32
      %add3A_634 = arith.constant 16 : i32
      %add3A_635 = arith.addi %add3A_634, %mul3A_633 : i32
      %get3A_636 = arith.index_cast %add3A_635 : i32 to index
      %get3A_637 = tpu.vector_load %arg6[%get3A_636] {strides = array<i32>} : memref<512xi32, #tpu.memory_space<vmem>>, vector<16xi32>,
      %cumsum3A_638 = arith.constant true
      %cumsum3A_639 = vector.broadcast %cumsum3A_638 : i1 to vector<16xi1>
      %cumsum3A_640 = tpu.scan <sum>, %get3A_637 masked %cumsum3A_639 : vector<16xi32>, vector<16xi1> -> vector<16xi32>
      %add3A_641 = vector.broadcast %scan3A_626 : i32 to vector<16xi32>
      %add3A_642 = arith.addi %add3A_641, %cumsum3A_640 : vector<16xi32>
      %ge3A_643 = vector.broadcast %select_n3A_441 : i32 to vector<16xi32>
      %ge3A_644 = arith.cmpi sge, %add3A_642, %ge3A_643 : vector<16xi32>
      %jit3A_645 = arith.constant 0 : i32
      %jit3A_646 = arith.constant 1 : i32
      %broadcast_in_dim3A_647 = vector.broadcast %jit3A_645 : i32 to vector<16xi32>
      %broadcast_in_dim3A_648 = vector.broadcast %jit3A_646 : i32 to vector<16xi32>
      %select_n3A_649 = arith.select %ge3A_644, %broadcast_in_dim3A_647, %broadcast_in_dim3A_648 : vector<16xi1>, vector<16xi32>
      %reduce_sum3A_650 = arith.constant true
      %reduce_sum3A_651 = vector.broadcast %reduce_sum3A_650 : i1 to vector<16xi1>
      %reduce_sum3A_652 = tpu.scan <sum>, %select_n3A_649 masked %reduce_sum3A_651 : vector<16xi32>, vector<16xi1> -> vector<16xi32>
      %reduce_sum3A_653 = vector.extract %reduce_sum3A_652[15] : i32 from vector<16xi32>
      %lt3A_654 = arith.constant 16 : i32
      %lt3A_655 = arith.cmpi slt, %reduce_sum3A_653, %lt3A_654 : i32
      %eq3A_656 = arith.constant 0 : i32
      %eq3A_657 = arith.cmpi eq, %scan3A_630, %eq3A_656 : i32
      %and3A_658 = arith.andi %lt3A_655, %eq3A_657 : i1
      %eq3A_659 = vector.broadcast %reduce_sum3A_653 : i32 to vector<16xi32>
      %eq3A_660 = arith.cmpi eq, %iota3A, %eq3A_659 : vector<16xi32>
      %jit3A_661 = arith.constant 0 : i32
      %broadcast_in_dim3A_662 = vector.broadcast %jit3A_661 : i32 to vector<16xi32>
      %select_n3A_663 = arith.select %eq3A_660, %cumsum3A_640, %broadcast_in_dim3A_662 : vector<16xi1>, vector<16xi32>
      %reduce_sum3A_664 = arith.constant true
      %reduce_sum3A_665 = vector.broadcast %reduce_sum3A_664 : i1 to vector<16xi1>
      %reduce_sum3A_666 = tpu.scan <sum>, %select_n3A_663 masked %reduce_sum3A_665 : vector<16xi32>, vector<16xi1> -> vector<16xi32>
      %reduce_sum3A_667 = vector.extract %reduce_sum3A_666[15] : i32 from vector<16xi32>
      %eq3A_668 = vector.broadcast %reduce_sum3A_653 : i32 to vector<16xi32>
      %eq3A_669 = arith.cmpi eq, %iota3A, %eq3A_668 : vector<16xi32>
      %jit3A_670 = arith.constant 0 : i32
      %broadcast_in_dim3A_671 = vector.broadcast %jit3A_670 : i32 to vector<16xi32>
      %select_n3A_672 = arith.select %eq3A_669, %get3A_637, %broadcast_in_dim3A_671 : vector<16xi1>, vector<16xi32>
      %reduce_sum3A_673 = arith.constant true
      %reduce_sum3A_674 = vector.broadcast %reduce_sum3A_673 : i1 to vector<16xi1>
      %reduce_sum3A_675 = tpu.scan <sum>, %select_n3A_672 masked %reduce_sum3A_674 : vector<16xi32>, vector<16xi1> -> vector<16xi32>
      %reduce_sum3A_676 = vector.extract %reduce_sum3A_675[15] : i32 from vector<16xi32>
      %mul3A_677 = arith.constant 16 : i32
      %mul3A_678 = arith.muli %scan3A_631, %mul3A_677 : i32
      %add3A_679 = arith.addi %mul3A_678, %reduce_sum3A_653 : i32
      %select_n3A_680 = arith.select %and3A_658, %add3A_679, %scan3A_627 : i32
      %add3A_681 = arith.addi %scan3A_626, %reduce_sum3A_667 : i32
      %sub3A_682 = arith.subi %add3A_681, %reduce_sum3A_676 : i32
      %sub3A_683 = arith.subi %select_n3A_441, %sub3A_682 : i32
      %select_n3A_684 = arith.select %and3A_658, %sub3A_683, %scan3A_628 : i32
      %select_n3A_685 = arith.select %and3A_658, %reduce_sum3A_676, %scan3A_629 : i32
      %jit3A_686 = arith.constant 1 : i32
      %select_n3A_687 = arith.select %and3A_658, %jit3A_686, %scan3A_630 : i32
      %reduce_sum3A_688 = arith.constant true
      %reduce_sum3A_689 = vector.broadcast %reduce_sum3A_688 : i1 to vector<16xi1>
      %reduce_sum3A_690 = tpu.scan <sum>, %get3A_637 masked %reduce_sum3A_689 : vector<16xi32>, vector<16xi1> -> vector<16xi32>
      %reduce_sum3A_691 = vector.extract %reduce_sum3A_690[15] : i32 from vector<16xi32>
      %add3A_692 = arith.addi %scan3A_626, %reduce_sum3A_691 : i32
      %scan3A_693 = arith.constant 1 : i32
      %scan3A_694 = arith.constant 0 : i32
      %scan3A_695 = arith.constant 0 : i32
      %scan3A_696 = arith.constant 0 : i32
      %scan3A_697 = arith.constant 0 : i32
      %scan3A_698 = arith.constant 0 : i32
      %scan3A_699 = arith.constant 0 : i32
      %mul3A_700 = arith.constant 16 : i32
      %mul3A_701 = arith.muli %select_n3A_680, %mul3A_700 : i32
      %add3A_702 = arith.constant 256 : i32
      %add3A_703 = arith.addi %add3A_702, %mul3A_701 : i32
      %get3A_704 = arith.index_cast %add3A_703 : i32 to index
      %get3A_705 = tpu.vector_load %arg5[%get3A_704] {strides = array<i32>} : memref<8192xi32, #tpu.memory_space<vmem>>, vector<16xi32>,
      %cumsum3A_706 = arith.constant true
      %cumsum3A_707 = vector.broadcast %cumsum3A_706 : i1 to vector<16xi1>
      %cumsum3A_708 = tpu.scan <sum>, %get3A_705 masked %cumsum3A_707 : vector<16xi32>, vector<16xi1> -> vector<16xi32>
      %add3A_709 = vector.broadcast %scan3A_694 : i32 to vector<16xi32>
      %add3A_710 = arith.addi %add3A_709, %cumsum3A_708 : vector<16xi32>
      %ge3A_711 = vector.broadcast %select_n3A_684 : i32 to vector<16xi32>
      %ge3A_712 = arith.cmpi sge, %add3A_710, %ge3A_711 : vector<16xi32>
      %jit3A_713 = arith.constant 0 : i32
      %jit3A_714 = arith.constant 1 : i32
      %broadcast_in_dim3A_715 = vector.broadcast %jit3A_713 : i32 to vector<16xi32>
      %broadcast_in_dim3A_716 = vector.broadcast %jit3A_714 : i32 to vector<16xi32>
      %select_n3A_717 = arith.select %ge3A_712, %broadcast_in_dim3A_715, %broadcast_in_dim3A_716 : vector<16xi1>, vector<16xi32>
      %reduce_sum3A_718 = arith.constant true
      %reduce_sum3A_719 = vector.broadcast %reduce_sum3A_718 : i1 to vector<16xi1>
      %reduce_sum3A_720 = tpu.scan <sum>, %select_n3A_717 masked %reduce_sum3A_719 : vector<16xi32>, vector<16xi1> -> vector<16xi32>
      %reduce_sum3A_721 = vector.extract %reduce_sum3A_720[15] : i32 from vector<16xi32>
      %lt3A_722 = arith.constant 16 : i32
      %lt3A_723 = arith.cmpi slt, %reduce_sum3A_721, %lt3A_722 : i32
      %eq3A_724 = arith.constant 0 : i32
      %eq3A_725 = arith.cmpi eq, %scan3A_698, %eq3A_724 : i32
      %and3A_726 = arith.andi %lt3A_723, %eq3A_725 : i1
      %eq3A_727 = vector.broadcast %reduce_sum3A_721 : i32 to vector<16xi32>
      %eq3A_728 = arith.cmpi eq, %iota3A, %eq3A_727 : vector<16xi32>
      %jit3A_729 = arith.constant 0 : i32
      %broadcast_in_dim3A_730 = vector.broadcast %jit3A_729 : i32 to vector<16xi32>
      %select_n3A_731 = arith.select %eq3A_728, %cumsum3A_708, %broadcast_in_dim3A_730 : vector<16xi1>, vector<16xi32>
      %reduce_sum3A_732 = arith.constant true
      %reduce_sum3A_733 = vector.broadcast %reduce_sum3A_732 : i1 to vector<16xi1>
      %reduce_sum3A_734 = tpu.scan <sum>, %select_n3A_731 masked %reduce_sum3A_733 : vector<16xi32>, vector<16xi1> -> vector<16xi32>
      %reduce_sum3A_735 = vector.extract %reduce_sum3A_734[15] : i32 from vector<16xi32>
      %eq3A_736 = vector.broadcast %reduce_sum3A_721 : i32 to vector<16xi32>
      %eq3A_737 = arith.cmpi eq, %iota3A, %eq3A_736 : vector<16xi32>
      %jit3A_738 = arith.constant 0 : i32
      %broadcast_in_dim3A_739 = vector.broadcast %jit3A_738 : i32 to vector<16xi32>
      %select_n3A_740 = arith.select %eq3A_737, %get3A_705, %broadcast_in_dim3A_739 : vector<16xi1>, vector<16xi32>
      %reduce_sum3A_741 = arith.constant true
      %reduce_sum3A_742 = vector.broadcast %reduce_sum3A_741 : i1 to vector<16xi1>
      %reduce_sum3A_743 = tpu.scan <sum>, %select_n3A_740 masked %reduce_sum3A_742 : vector<16xi32>, vector<16xi1> -> vector<16xi32>
      %reduce_sum3A_744 = vector.extract %reduce_sum3A_743[15] : i32 from vector<16xi32>
      %mul3A_745 = arith.constant 16 : i32
      %mul3A_746 = arith.muli %scan3A_699, %mul3A_745 : i32
      %add3A_747 = arith.addi %mul3A_746, %reduce_sum3A_721 : i32
      %select_n3A_748 = arith.select %and3A_726, %add3A_747, %scan3A_695 : i32
      %add3A_749 = arith.addi %scan3A_694, %reduce_sum3A_735 : i32
      %sub3A_750 = arith.subi %add3A_749, %reduce_sum3A_744 : i32
      %sub3A_751 = arith.subi %select_n3A_684, %sub3A_750 : i32
      %select_n3A_752 = arith.select %and3A_726, %sub3A_751, %scan3A_696 : i32
      %select_n3A_753 = arith.select %and3A_726, %reduce_sum3A_744, %scan3A_697 : i32
      %jit3A_754 = arith.constant 1 : i32
      %select_n3A_755 = arith.select %and3A_726, %jit3A_754, %scan3A_698 : i32
      %reduce_sum3A_756 = arith.constant true
      %reduce_sum3A_757 = vector.broadcast %reduce_sum3A_756 : i1 to vector<16xi1>
      %reduce_sum3A_758 = tpu.scan <sum>, %get3A_705 masked %reduce_sum3A_757 : vector<16xi32>, vector<16xi1> -> vector<16xi32>
      %reduce_sum3A_759 = vector.extract %reduce_sum3A_758[15] : i32 from vector<16xi32>
      %add3A_760 = arith.addi %scan3A_694, %reduce_sum3A_759 : i32
      %scan3A_761 = arith.constant 1 : i32
      %mul3A_762 = arith.constant 16 : i32
      %mul3A_763 = arith.muli %select_n3A_680, %mul3A_762 : i32
      %add3A_764 = arith.addi %mul3A_763, %select_n3A_748 : i32
      %shift_left3A = arith.constant 8 : i32
      %shift_left3A_765 = arith.shli %add3A_456, %shift_left3A : i32
      %or3A = arith.ori %shift_left3A_765, %add3A_625 : i32
      %shift_left3A_766 = arith.constant 8 : i32
      %shift_left3A_767 = arith.shli %add3A_459, %shift_left3A_766 : i32
      %or3A_768 = arith.ori %shift_left3A_767, %add3A_764 : i32
      %broadcast_in_dim3A_769 = vector.broadcast %select_n3A_613 : i32 to vector<16xi32>
      %convert_element_type3A = arith.sitofp %broadcast_in_dim3A_769 : vector<16xi32> to vector<16xf32>
      %broadcast_in_dim3A_770 = vector.broadcast %select_n3A_614 : i32 to vector<16xi32>
      %convert_element_type3A_771 = arith.sitofp %broadcast_in_dim3A_770 : vector<16xi32> to vector<16xf32>
      %div3A = arith.divf %convert_element_type3A, %convert_element_type3A_771 : vector<16xf32>
      %broadcast_in_dim3A_772 = vector.broadcast %select_n3A_752 : i32 to vector<16xi32>
      %convert_element_type3A_773 = arith.sitofp %broadcast_in_dim3A_772 : vector<16xi32> to vector<16xf32>
      %broadcast_in_dim3A_774 = vector.broadcast %select_n3A_753 : i32 to vector<16xi32>
      %convert_element_type3A_775 = arith.sitofp %broadcast_in_dim3A_774 : vector<16xi32> to vector<16xf32>
      %div3A_776 = arith.divf %convert_element_type3A_773, %convert_element_type3A_775 : vector<16xf32>
      %eq3A_777 = arith.constant 0 : i32
      %eq3A_778 = vector.broadcast %eq3A_777 : i32 to vector<16xi32>
      %eq3A_779 = arith.cmpi eq, %iota3A, %eq3A_778 : vector<16xi32>
      %xor3A = arith.constant -2147483648 : i32
      %xor3A_780 = arith.xori %or3A, %xor3A : i32
      %eq3A_781 = arith.constant 1 : i32
      %eq3A_782 = vector.broadcast %eq3A_781 : i32 to vector<16xi32>
      %eq3A_783 = arith.cmpi eq, %iota3A, %eq3A_782 : vector<16xi32>
      %xor3A_784 = arith.constant -2147483648 : i32
      %xor3A_785 = arith.xori %or3A_768, %xor3A_784 : i32
      %jit3A_786 = arith.constant 0 : i32
      %broadcast_in_dim3A_787 = vector.broadcast %xor3A_785 : i32 to vector<16xi32>
      %broadcast_in_dim3A_788 = vector.broadcast %jit3A_786 : i32 to vector<16xi32>
      %select_n3A_789 = arith.select %eq3A_783, %broadcast_in_dim3A_787, %broadcast_in_dim3A_788 : vector<16xi1>, vector<16xi32>
      %broadcast_in_dim3A_790 = vector.broadcast %xor3A_780 : i32 to vector<16xi32>
      %select_n3A_791 = arith.select %eq3A_779, %broadcast_in_dim3A_790, %select_n3A_789 : vector<16xi1>, vector<16xi32>
      %eq3A_792 = arith.constant 2 : i32
      %eq3A_793 = vector.broadcast %eq3A_792 : i32 to vector<16xi32>
      %eq3A_794 = arith.cmpi eq, %iota3A, %eq3A_793 : vector<16xi32>
      %bitcast3A = vector.bitcast %div3A : vector<16xf32> to vector<16xi32>
      %select_n3A_795 = arith.select %eq3A_794, %bitcast3A, %select_n3A_791 : vector<16xi1>, vector<16xi32>
      %eq3A_796 = arith.constant 3 : i32
      %eq3A_797 = vector.broadcast %eq3A_796 : i32 to vector<16xi32>
      %eq3A_798 = arith.cmpi eq, %iota3A, %eq3A_797 : vector<16xi32>
      %bitcast3A_799 = vector.bitcast %div3A_776 : vector<16xf32> to vector<16xi32>
      %select_n3A_800 = arith.select %eq3A_798, %bitcast3A_799, %select_n3A_795 : vector<16xi1>, vector<16xi32>
      %swap3A = arith.constant 0 : index
      %swap3A_801 = tpu.vector_load %arg7[%swap3A] {strides = array<i32>} : memref<16xi32, #tpu.memory_space<vmem>>, vector<16xi32>,
      tpu.vector_store %arg7[%swap3A], %select_n3A_800 {strides = array<i32>} : memref<16xi32, #tpu.memory_space<vmem>>, vector<16xi32>,
      "tpu.region"() ({
        %run_scoped3A = tpu.sem_alloc : memref<!tpu.dma_semaphore, #tpu.memory_space<semaphore_mem>>
        %dma_start3A_802 = arith.constant 0 : i32
        %dma_start3A_803 = tpu.memref_slice %arg3[%add3A_12, %dma_start3A_802] : memref<64x16xi32, #tpu.memory_space<hbm>> -> memref<1x16xi32, #tpu.memory_space<hbm>>
        %dma_start3A_804 = tpu.memref_squeeze %dma_start3A_803 : memref<1x16xi32, #tpu.memory_space<hbm>> -> memref<16xi32, #tpu.memory_space<hbm>>
        %dma_start3A_805 = arith.constant 0 : i32
        %dma_start3A_806 = tpu.memref_slice %arg3[%add3A_12, %dma_start3A_805] : memref<64x16xi32, #tpu.memory_space<hbm>> -> memref<1x16xi32, #tpu.memory_space<hbm>>
        %dma_start3A_807 = tpu.memref_squeeze %dma_start3A_806 : memref<1x16xi32, #tpu.memory_space<hbm>> -> memref<16xi32, #tpu.memory_space<hbm>>
        tpu.enqueue_dma source(%arg7 : memref<16xi32, #tpu.memory_space<vmem>>) target(%dma_start3A_807 : memref<16xi32, #tpu.memory_space<hbm>>) target_semaphore(%run_scoped3A : memref<!tpu.dma_semaphore, #tpu.memory_space<semaphore_mem>>)
        %dma_wait3A_808 = arith.constant 0 : i32
        %dma_wait3A_809 = tpu.memref_slice %arg3[%add3A_12, %dma_wait3A_808] : memref<64x16xi32, #tpu.memory_space<hbm>> -> memref<1x16xi32, #tpu.memory_space<hbm>>
        %dma_wait3A_810 = tpu.memref_squeeze %dma_wait3A_809 : memref<1x16xi32, #tpu.memory_space<hbm>> -> memref<16xi32, #tpu.memory_space<hbm>>
        %dma_wait3A_811 = arith.constant 0 : i32
        %dma_wait3A_812 = tpu.memref_slice %arg3[%add3A_12, %dma_wait3A_811] : memref<64x16xi32, #tpu.memory_space<hbm>> -> memref<1x16xi32, #tpu.memory_space<hbm>>
        %dma_wait3A_813 = tpu.memref_squeeze %dma_wait3A_812 : memref<1x16xi32, #tpu.memory_space<hbm>> -> memref<16xi32, #tpu.memory_space<hbm>>
        tpu.wait_dma2 semaphore(%run_scoped3A : memref<!tpu.dma_semaphore, #tpu.memory_space<semaphore_mem>>) src(%arg7 : memref<16xi32, #tpu.memory_space<vmem>>) dst(%dma_wait3A_813 : memref<16xi32, #tpu.memory_space<hbm>>)
        tpu.yield
      }) : () -> ()
    }
    %scan3A_8 = arith.constant 2 : i32
    return
  }
}

module attributes {stable_mosaic.version = 14 : i64} {
  func.func @_tc_reduce_body(%arg0: i32, %arg1: memref<64x16xi32, #tpu.memory_space<vmem>>, %arg2: memref<64x8192xi32, #tpu.memory_space<vmem>>, %arg3: memref<64x8192xf32, #tpu.memory_space<vmem>>, %arg4: memref<64x8xf32, #tpu.memory_space<vmem>>, %arg5: memref<64x8192xf32, #tpu.memory_space<vmem>>) attributes {dimension_semantics = [#tpu.dimension_semantics<arbitrary>], iteration_bounds = array<i64: 8>, scalar_prefetch = 0 : i64, scratch_operands = 1 : i64, tpu.core_type = #tpu.core_type<tc>, window_params = [{pipeline_mode = #tpu.pipeline_mode<synchronous>, transform_indices = @transform_0, window_bounds = array<i64: 64, 16>}, {transform_indices = @transform_1, window_bounds = array<i64: 64, 8192>}, {transform_indices = @transform_2, window_bounds = array<i64: 64, 8192>}, {pipeline_mode = #tpu.pipeline_mode<synchronous>, transform_indices = @transform_3, window_bounds = array<i64: 64, 8>}]} {
    %eq3A = arith.constant 0 : i32
    %eq3A_0 = arith.cmpi eq, %arg0, %eq3A : i32
    %convert_element_type3A = arith.extui %eq3A_0 : i1 to i32
    %cond3A = arith.constant 0 : i32
    %cond3A_1 = arith.cmpi ne, %convert_element_type3A, %cond3A : i32
    scf.if %cond3A_1 {
      %broadcast_in_dim3A_53 = arith.constant 0.000000e+00 : f32
      %broadcast_in_dim3A_54 = vector.broadcast %broadcast_in_dim3A_53 : f32 to vector<64x8192xf32>
      %swap3A_55 = arith.constant 0 : index
      %swap3A_56 = arith.constant 0 : index
      %swap3A_57 = vector.load %arg5[%swap3A_55, %swap3A_56] : memref<64x8192xf32, #tpu.memory_space<vmem>>, vector<64x8192xf32>
      tpu.vector_store %arg5[%swap3A_55, %swap3A_56], %broadcast_in_dim3A_54 {strides = array<i32>} : memref<64x8192xf32, #tpu.memory_space<vmem>>, vector<64x8192xf32>,
    } else {
    }
    %get3A = arith.constant 0 : index
    %get3A_2 = arith.constant 0 : index
    %get3A_3 = vector.load %arg2[%get3A, %get3A_2] : memref<64x8192xi32, #tpu.memory_space<vmem>>, vector<64x8192xi32>
    %shift_right_arithmetic3A = arith.constant 31 : i32
    %shift_right_arithmetic3A_4 = vector.broadcast %shift_right_arithmetic3A : i32 to vector<64x8192xi32>
    %shift_right_arithmetic3A_5 = arith.shrsi %get3A_3, %shift_right_arithmetic3A_4 : vector<64x8192xi32>
    %shift_right_logical3A = arith.constant 1 : i32
    %shift_right_logical3A_6 = vector.broadcast %shift_right_logical3A : i32 to vector<64x8192xi32>
    %shift_right_logical3A_7 = arith.shrui %shift_right_arithmetic3A_5, %shift_right_logical3A_6 : vector<64x8192xi32>
    %xor3A = arith.xori %get3A_3, %shift_right_logical3A_7 : vector<64x8192xi32>
    %get3A_8 = arith.constant 0 : index
    %get3A_9 = arith.constant 0 : index
    %get3A_10 = vector.load %arg3[%get3A_8, %get3A_9] : memref<64x8192xf32, #tpu.memory_space<vmem>>, vector<64x8192xf32>
    %get3A_11 = arith.constant 0 : index
    %get3A_12 = arith.constant 0 : index
    %get3A_13 = vector.load %arg1[%get3A_11, %get3A_12] : memref<64x16xi32, #tpu.memory_space<vmem>>, vector<64x1xi32>
    %get3A_14 = arith.constant 0 : index
    %get3A_15 = arith.constant 1 : index
    %get3A_16 = vector.load %arg1[%get3A_14, %get3A_15] : memref<64x16xi32, #tpu.memory_space<vmem>>, vector<64x1xi32>
    %get3A_17 = arith.constant 0 : index
    %get3A_18 = arith.constant 2 : index
    %get3A_19 = vector.load %arg1[%get3A_17, %get3A_18] : memref<64x16xi32, #tpu.memory_space<vmem>>, vector<64x1xi32>
    %bitcast_convert_type3A = tpu.bitcast %get3A_19 : vector<64x1xi32> -> vector<64x1xf32>
    %get3A_20 = arith.constant 0 : index
    %get3A_21 = arith.constant 3 : index
    %get3A_22 = vector.load %arg1[%get3A_20, %get3A_21] : memref<64x16xi32, #tpu.memory_space<vmem>>, vector<64x1xi32>
    %bitcast_convert_type3A_23 = tpu.bitcast %get3A_22 : vector<64x1xi32> -> vector<64x1xf32>
    %gt3A = vector.broadcast %get3A_13 : vector<64x1xi32> to vector<64x8192xi32>
    %gt3A_24 = arith.cmpi sgt, %xor3A, %gt3A : vector<64x8192xi32>
    %eq3A_25 = vector.broadcast %get3A_13 : vector<64x1xi32> to vector<64x8192xi32>
    %eq3A_26 = arith.cmpi eq, %xor3A, %eq3A_25 : vector<64x8192xi32>
    %jit3A = arith.constant 0.000000e+00 : f32
    %broadcast_in_dim3A = vector.shape_cast %bitcast_convert_type3A : vector<64x1xf32> to vector<64x1xf32>
    %broadcast_in_dim3A_27 = vector.broadcast %broadcast_in_dim3A : vector<64x1xf32> to vector<64x8192xf32>
    %broadcast_in_dim3A_28 = vector.broadcast %jit3A : f32 to vector<64x8192xf32>
    %select_n3A = arith.select %eq3A_26, %broadcast_in_dim3A_27, %broadcast_in_dim3A_28 : vector<64x8192xi1>, vector<64x8192xf32>
    %jit3A_29 = arith.constant 1.000000e+00 : f32
    %broadcast_in_dim3A_30 = vector.broadcast %jit3A_29 : f32 to vector<64x8192xf32>
    %select_n3A_31 = arith.select %gt3A_24, %broadcast_in_dim3A_30, %select_n3A : vector<64x8192xi1>, vector<64x8192xf32>
    %lt3A = vector.broadcast %get3A_16 : vector<64x1xi32> to vector<64x8192xi32>
    %lt3A_32 = arith.cmpi slt, %xor3A, %lt3A : vector<64x8192xi32>
    %eq3A_33 = vector.broadcast %get3A_16 : vector<64x1xi32> to vector<64x8192xi32>
    %eq3A_34 = arith.cmpi eq, %xor3A, %eq3A_33 : vector<64x8192xi32>
    %jit3A_35 = arith.constant 0.000000e+00 : f32
    %broadcast_in_dim3A_36 = vector.shape_cast %bitcast_convert_type3A_23 : vector<64x1xf32> to vector<64x1xf32>
    %broadcast_in_dim3A_37 = vector.broadcast %broadcast_in_dim3A_36 : vector<64x1xf32> to vector<64x8192xf32>
    %broadcast_in_dim3A_38 = vector.broadcast %jit3A_35 : f32 to vector<64x8192xf32>
    %select_n3A_39 = arith.select %eq3A_34, %broadcast_in_dim3A_37, %broadcast_in_dim3A_38 : vector<64x8192xi1>, vector<64x8192xf32>
    %jit3A_40 = arith.constant 1.000000e+00 : f32
    %broadcast_in_dim3A_41 = vector.broadcast %jit3A_40 : f32 to vector<64x8192xf32>
    %select_n3A_42 = arith.select %lt3A_32, %broadcast_in_dim3A_41, %select_n3A_39 : vector<64x8192xi1>, vector<64x8192xf32>
    %sub3A = arith.subf %select_n3A_31, %select_n3A_42 : vector<64x8192xf32>
    %get3A_43 = arith.constant 0 : index
    %get3A_44 = arith.constant 0 : index
    %get3A_45 = vector.load %arg5[%get3A_43, %get3A_44] : memref<64x8192xf32, #tpu.memory_space<vmem>>, vector<64x8192xf32>
    %mul3A = arith.mulf %sub3A, %get3A_10 : vector<64x8192xf32>
    %add3A = arith.addf %get3A_45, %mul3A : vector<64x8192xf32>
    %swap3A = arith.constant 0 : index
    %swap3A_46 = arith.constant 0 : index
    %swap3A_47 = vector.load %arg5[%swap3A, %swap3A_46] : memref<64x8192xf32, #tpu.memory_space<vmem>>, vector<64x8192xf32>
    tpu.vector_store %arg5[%swap3A, %swap3A_46], %add3A {strides = array<i32>} : memref<64x8192xf32, #tpu.memory_space<vmem>>, vector<64x8192xf32>,
    %eq3A_48 = arith.constant 7 : i32
    %eq3A_49 = arith.cmpi eq, %arg0, %eq3A_48 : i32
    %convert_element_type3A_50 = arith.extui %eq3A_49 : i1 to i32
    %cond3A_51 = arith.constant 0 : i32
    %cond3A_52 = arith.cmpi ne, %convert_element_type3A_50, %cond3A_51 : i32
    scf.if %cond3A_52 {
      %get3A_53 = arith.constant 0 : index
      %get3A_54 = arith.constant 0 : index
      %get3A_55 = vector.load %arg5[%get3A_53, %get3A_54] : memref<64x8192xf32, #tpu.memory_space<vmem>>, vector<64x8192xf32>
      %reduce_sum3A = arith.constant dense<0.000000e+00> : vector<64xf32>
      %reduce_sum3A_56 = vector.multi_reduction <add>, %get3A_55, %reduce_sum3A [1] : vector<64x8192xf32> to vector<64xf32>
      %broadcast_in_dim3A_57 = vector.shape_cast %reduce_sum3A_56 : vector<64xf32> to vector<64x1xf32>
      %mul3A_58 = arith.constant 1.5260186E-4 : f32
      %mul3A_59 = vector.broadcast %mul3A_58 : f32 to vector<64x1xf32>
      %mul3A_60 = arith.mulf %broadcast_in_dim3A_57, %mul3A_59 : vector<64x1xf32>
      %broadcast_in_dim3A_61 = arith.constant 0.000000e+00 : f32
      %broadcast_in_dim3A_62 = vector.broadcast %broadcast_in_dim3A_61 : f32 to vector<64x7xf32>
      %concatenate3A = tpu.concatenate %mul3A_60, %broadcast_in_dim3A_62 in 1 : vector<64x1xf32>, vector<64x7xf32> -> vector<64x8xf32>
      %swap3A_63 = arith.constant 0 : index
      %swap3A_64 = arith.constant 0 : index
      %swap3A_65 = vector.load %arg4[%swap3A_63, %swap3A_64] : memref<64x8xf32, #tpu.memory_space<vmem>>, vector<64x8xf32>
      tpu.vector_store %arg4[%swap3A_63, %swap3A_64], %concatenate3A {strides = array<i32>} : memref<64x8xf32, #tpu.memory_space<vmem>>, vector<64x8xf32>,
    } else {
    }
    return
  }
  func.func @transform_0(%arg0: i32) -> (i32, i32) {
    %c0_i32 = arith.constant 0 : i32
    %c0_i32_0 = arith.constant 0 : i32
    %c0_i32_1 = arith.constant 0 : i32
    return %c0_i32, %c0_i32_0 : i32, i32
  }
  func.func @transform_1(%arg0: i32) -> (i32, i32) {
    %c0_i32 = arith.constant 0 : i32
    %c0_i32_0 = arith.constant 0 : i32
    return %c0_i32, %arg0 : i32, i32
  }
  func.func @transform_2(%arg0: i32) -> (i32, i32) {
    %c0_i32 = arith.constant 0 : i32
    %c0_i32_0 = arith.constant 0 : i32
    return %c0_i32, %arg0 : i32, i32
  }
  func.func @transform_3(%arg0: i32) -> (i32, i32) {
    %c0_i32 = arith.constant 0 : i32
    %c0_i32_0 = arith.constant 0 : i32
    %c0_i32_1 = arith.constant 0 : i32
    return %c0_i32, %c0_i32_0 : i32, i32
  }
}

</mosaic_0001>

<sc_bundles>
// kernel: kernel.4.cloned.1.call-start
scs
__scs_entry_jumppad:
0x0: {  	(pc) =	sbr.rel $0x88, $3  }
0x1: {  	(tag) =	ssettag $0x0;
	lr =	simm.s32 $0x1  }
0x2: {  	[smem:$0x3F9F] =	sst lr;
	_ =	strace $0xD0000000  }
0x3: {  	_ = 	snop  }
0x4: {  	_ = 	snop  }
0x5: {  	_ = 	snop  }
0x6: {  	_ = 	snop  }
0x7: {  	_ = 	snop  }
__scs_overlays_trampoline_lowered:
0x8: {  	[smem:$0x3FAE] =	sst s0  }
0x9: {  	[smem:$0x3FAF] =	sst s1  }
0xa: {  	[smem:$0x3FB0] =	sst s2  }
0xb: {  	[smem:$0x3FB1] =	sst s3  }
0xc: {  	[smem:$0x3FB2] =	sst s4  }
0xd: {  	[smem:$0x3FB3] =	sst s5  }
0xe: {  	[smem:$0x3FB4] =	sst s6  }
0xf: {  	[smem:$0x3FB5] =	sst s7  }
0x10: {  	[smem:$0x3FB6] =	sst s8  }
0x11: {  	[smem:$0x3FB7] =	sst s9;
	s0 =	simm.s32 @!p0 $0x0  }
0x12: {  	s1 =	sld [smem:$0x3F9D];
	s0 =	simm.s32 @p0 $0x1  }
0x13: {  	[smem:$0x3FB8] =	sst s0;
	s0 =	simm.s32 @!p1 $0x0  }
0x14: {  	s2 =	sld [smem:$0x3F9C];
	s0 =	simm.s32 @p1 $0x1  }
0x15: {  	[smem:$0x3FB9] =	sst s0;
	s0 =	simm.s32 @!p2 $0x0  }
0x16: {  	s3 =	sld [smem:$0x3FDB];
	s0 =	simm.s32 @p2 $0x1  }
0x17: {  	s4 =	simm.s32 $0x1BF5;
	[smem:$0x3FBB] =	sst s0  }
0x18: {  	s0 =	sld [smem:$0x3F9E];
	_ =	swait.ge [sflag:s4], $0x0  }
0x19: {  	s7 =	sld [smem:$0x3F9F]  }
0x1a: {  	s8 =	sadd.s32 $0xFFFFE003, lr  }
0x1b: {  	s9 =	sadd.s32 $0xFFFFFEF7, lr;
	s5 =	simm.s32 $0xFFFFFFFF;
	p2 =	slt.u32 s8, $0xFFFFF086  }
0x1c: {  	p1 =	slt.u32 s9, $0xF7A;
	s5 =	simm.s32 @!p2 $0x0  }
0x1d: {  	s5 =	simm.s32 @p1 $0x1;
	p0 =	seq.s32 s7, s2  }
0x1e: {  	s7 =	smul.u32 @!p0 $0xF7A, s2;
	p2 =	seq.s32 @!p0 s5, $0x0  }
0x1f: {  	s9 =	smul.u32 $0xF7A, s1;
	s8 =	simm.s32 @!p0 $0x1BF5;
	p2 =	por !p2, p0  }
0x20: {  	[sflag:s8] =	ssyncset.s32 @!p0 $0xFFFFF086;
	s6 =	sadd.s32 @!p0 s3, s7;
	s7 =	simm.s32 @!p0 $0x108  }
0x21: {  	s3 =	sadd.s32 s3, s9;
	s6 =	sadd.s32 @!p0 $0x88, s6;
	s7 =	simm.s32 @p2 $0x1082  }
0x22: {  	[simem:s7], [sflag:s8] =	dma.local @!p0 [hbm:s6], $0xF7A  }
0x23: {  	s9 =	sor.u32 $0xD0000000, s2;
	s6 =	simm.s32 $0x108;
	_ =	swait.ge @!p0 [sflag:s8], $0x0  }
0x24: {  	s3 =	sadd.s32 $0x88, s3;
	s6 =	simm.s32 @!p1 $0x1082;
	[sflag:s4] =	ssyncset.s32 $0xFFFFF086  }
0x25: {  	[simem:s6], [sflag:s4] =	dma.local [hbm:s3], $0xF7A  }
0x26: {  	[smem:$0x3F9F] =	sst s1;
	(tag) =	ssettag s2;
	_ =	strace s9  }
0x27: {  	s1 =	sld [smem:$0x3FAF]  }
0x28: {  	s2 =	sld [smem:$0x3FB0]  }
0x29: {  	s4 =	sld [smem:$0x3FB2]  }
0x2a: {  	p0 =	seq.s32 s5, $0x0;
	s5 =	sld [smem:$0x3FB3]  }
0x2b: {  	s6 =	sld [smem:$0x3FB4]  }
0x2c: {  	s7 =	sld [smem:$0x3FB5]  }
0x2d: {  	s3 =	simm.s32 $0x108;
	s8 =	sld [smem:$0x3FB6]  }
0x2e: {  	s3 =	simm.s32 @!p0 $0x1082;
	s9 =	sld [smem:$0x3FB7]  }
0x2f: {  	lr =	sadd.s32 s0, s3;
	s0 =	sld [smem:$0x3FAE]  }
0x30: {  	s3 =	sld [smem:$0x3FB1]  }
0x31: {  	[smem:$0x3FBA] =	sst s10  }
0x32: {  	s10 =	sld [smem:$0x3FB8];
	_ =	sdelay $0x3  }
0x33: {  	p0 =	seq.s32 s10, $0x1;
	s10 =	sld [smem:$0x3FBA];
	_ =	sdelay $0x3  }
0x34: {  	[smem:$0x3FBA] =	sst s10  }
0x35: {  	s10 =	sld [smem:$0x3FB9];
	_ =	sdelay $0x3  }
0x36: {  	p1 =	seq.s32 s10, $0x1;
	s10 =	sld [smem:$0x3FBA];
	_ =	sdelay $0x3  }
0x37: {  	[smem:$0x3FBA] =	sst s10  }
0x38: {  	s10 =	sld [smem:$0x3FBB]  }
0x39: {  	_ = 	snop;
	(pc) =	sbr.ind lr, $3  }
0x3a: {  	_ = 	snop  }
0x3b: {  	_ = 	snop  }
0x3c: {  	p2 =	seq.s32 s10, $0x1;
	s10 =	sld [smem:$0x3FBA]  }
0x3d: {  	_ =	shalt  }
0x3e: {  	_ =	shalt  }
0x3f: {  	_ =	shalt  }
0x40: {  	_ =	shalt  }
0x41: {  	_ =	shalt  }
0x42: {  	_ =	shalt  }
0x43: {  	_ =	shalt  }
0x44: {  	_ =	shalt  }
0x45: {  	_ =	shalt  }
0x46: {  	_ =	shalt  }
0x47: {  	_ =	shalt  }
0x48: {  	_ =	shalt  }
0x49: {  	_ =	shalt  }
0x4a: {  	_ =	shalt  }
0x4b: {  	_ =	shalt  }
0x4c: {  	_ =	shalt  }
0x4d: {  	_ =	shalt  }
0x4e: {  	_ =	shalt  }
0x4f: {  	_ =	shalt  }
0x50: {  	_ =	shalt  }
0x51: {  	_ =	shalt  }
0x52: {  	_ =	shalt  }
0x53: {  	_ =	shalt  }
0x54: {  	_ =	shalt  }
0x55: {  	_ =	shalt  }
0x56: {  	_ =	shalt  }
0x57: {  	_ =	shalt  }
0x58: {  	_ =	shalt  }
0x59: {  	_ =	shalt  }
0x5a: {  	_ =	shalt  }
0x5b: {  	_ =	shalt  }
0x5c: {  	_ =	shalt  }
0x5d: {  	_ =	shalt  }
0x5e: {  	_ =	shalt  }
0x5f: {  	_ =	shalt  }
0x60: {  	_ =	shalt  }
0x61: {  	_ =	shalt  }
0x62: {  	_ =	shalt  }
0x63: {  	_ =	shalt  }
0x64: {  	_ =	shalt  }
0x65: {  	_ =	shalt  }
0x66: {  	_ =	shalt  }
0x67: {  	_ =	shalt  }
0x68: {  	_ =	shalt  }
0x69: {  	_ =	shalt  }
0x6a: {  	_ =	shalt  }
0x6b: {  	_ =	shalt  }
0x6c: {  	_ =	shalt  }
0x6d: {  	_ =	shalt  }
0x6e: {  	_ =	shalt  }
0x6f: {  	_ =	shalt  }
0x70: {  	_ =	shalt  }
0x71: {  	_ =	shalt  }
0x72: {  	_ =	shalt  }
0x73: {  	_ =	shalt  }
0x74: {  	_ =	shalt  }
0x75: {  	_ =	shalt  }
0x76: {  	_ =	shalt  }
0x77: {  	_ =	shalt  }
0x78: {  	_ =	shalt  }
0x79: {  	_ =	shalt  }
0x7a: {  	_ =	shalt  }
0x7b: {  	_ =	shalt  }
0x7c: {  	_ =	shalt  }
0x7d: {  	_ =	shalt  }
0x7e: {  	_ =	shalt  }
0x7f: {  	_ =	shalt  }
0x80: {  	_ =	shalt  }
0x81: {  	_ =	shalt  }
0x82: {  	_ =	shalt  }
0x83: {  	_ =	shalt  }
0x84: {  	_ =	shalt  }
0x85: {  	_ =	shalt  }
0x86: {  	_ =	shalt  }
0x87: {  	_ =	shalt  }
.Lfunc_end0:
.L_simem_size_0:
called_computation_lowered:
.L_overlay_start_0:
0x88: {  	s2 =	sld [smem:$0x3FD9]  }
0x89: {  	s3 =	sld [smem:$0x3FFE];
	_ =	sdelay $0x1  }
0x8a: {  	s1 =	srdreg.scid  }
0x8b: {  	s0 =	sand.u32 $0x1, s1  }
0x8c: {  	s16 =	sshll.u32 s0, $0xA;
	s2 =	sadd.s32 s3, s2  }
0x8d: {  	s2 =	sadd.s32 s2, s16  }
0x8e: {  	[smem:$0x3FC6] =	sst s2  }
0x8f: {  	_ = 	snop  }
0x90: {  	(tm) =	ssettm $0x1  }
0x91: {  	s17 =	sld [smem:$0x3FFB];
	_ =	sdelay $0x3  }
0x92: {  	_ =	strace s17  }
0x93: {  	s2 =	sld [smem:$0x3FFC];
	_ =	sdelay $0x3  }
0x94: {  	_ =	strace s2  }
0x95: {  	s2 =	sld [smem:$0x3FFD];
	_ =	sdelay $0x3  }
0x96: {  	_ =	strace s2  }
0x97: {  	_ =	strace $0x8FFFFFFF  }
0x98: {  	s18 =	sld [smem:$0x3FDB];
	_ =	sdelay $0x1  }
0x99: {  	s19 =	simm.s32 $_scs_section_size  }
0x9a: {  	s4 =	simm.s32 $_size__tile_overlayer_lowered;
	s5 =	simm.s32 $_tile_overlayer_lowered  }
0x9b: {  	s22 =	simm.s32 $0x1BFF;
	s21 =	sshll.u32 s5, $0x1;
	s2 =	sadd.s32 s19, s18  }
0x9c: {  	s6 =	simm.s32 $0x0;
	s20 =	sshll.u32 s4, $0x1;
	s4 =	sadd.s32 s21, s2  }
0x9d: {  	[timem:s6], [sflag:s22] =	dma.local [hbm:s4], s20  }
0x9e: {  	_ =	swait.ge [sflag:s22], s20  }
0x9f: {  	s3 =	ssub.s32 $0x0, s20;
	[sflag:s22] =	ssyncset.done $0x0  }
0xa0: {  	[sflag:s22] =	ssyncadd.s32 s3;
	_ =	sdelay $0x1  }
0xa1: {  	s23 =	simm.s32 $0x1B8B  }
0xa2: {  	_ =	swait.ge [sflag:s23], $0x1  }
0xa3: {  	[sflag:s23] =	ssyncset.done $0x0  }
0xa4: {  	s25 =	simm.s32 $0x1B8E;
	s24 =	sld [smem:$0x3FFE];
	[sflag:s23] =	ssyncadd.s32 $0xFFFFFFFF  }
0xa5: {  	s26 =	simm.s32 $execute0_lowered;
	[smem:$0x3FD2] =	sst s25  }
0xa6: {  	s4 =	sshll.u32 s26, $0x1;
	_ =	strace $0x80000046;
	[dreg:$0x1] =	wrdreg $0xFFFFFFFF  }
0xa7: {  	s28 =	simm.s32 $_size_execute0_lowered;
	s2 =	sadd.s32 s2, s4;
	[dreg:$0x0] =	wrdreg $0x0  }
0xa8: {  	s4 =	sshll.u32 s28, $0x1;
	[dreg:$0x2] =	wrdreg s2  }
0xa9: {  	[dreg:$0x3] =	wrdreg s4  }
0xaa: {  	[dreg:$0x4] =	wrdreg $0xC0  }
0xab: {  	_ =	task [dreg:s6], $0x5FFFF  }
0xac: {  	[dreg:$0x1] =	wrdreg $0xFFFFFFFF  }
0xad: {  	[dreg:$0x0] =	wrdreg $0x60  }
0xae: {  	[dreg:$0x2] =	wrdreg s24  }
0xaf: {  	[dreg:$0x3] =	wrdreg $0x9  }
0xb0: {  	_ =	task.clear_ibuf [dreg:s6], $0x4FFFF;
	_ =	strace $0x90000046  }
0xb1: {  	s29 =	simm.s32 $0x9;
	_ =	strace $0x80000048  }
0xb2: {  	_ =	swait.ge [sflag:s29], $0x1  }
0xb3: {  	[sflag:s29] =	ssyncadd.s32 $0xFFFFFFFF  }
0xb4: {  	_ =	strace $0x90000048  }
0xb5: {  	_ =	sfence  }
0xb6: {  	s30 =	sld [smem:$0x0];
	_ =	sdelay $0x2  }
0xb7: {  	s31 =	sshll.u32 s1, $0xD;
	s1 =	sshrl.u32 s1, $0x2  }
0xb8: {  	s3 =	sand.u32 $0x4000, s31;
	s1 =	sadd.s32 s1, s30  }
0xb9: {  	s0 =	sor.u32 s3, s0;
	s1 =	sshll.u32 s1, $0x11  }
0xba: {  	s0 =	sor.u32 s1, s0  }
0xbb: {  	s0 =	sadd.s32 $0x8F2B, s0  }
0xbc: {  	[sflag:s0] =	ssyncadd.remote.s32 $0x1  }
0xbd: {  	_ =	sfence.sel $0xFFFF  }
0xbe: {  	[dreg:$0x0] =	wrdreg $0xFFFFFFFF;
	(pc) =	sbr.abs _section_cstart, $3  }
0xbf: {  	[dreg:$0x1] =	wrdreg $0xFFFFFFFF  }
0xc0: {  	_ =	task.clear_ibuf [dreg:s6], $0x2FFFF;
	_ =	strace $0x9FFFFFFF  }
0xc1: {  	(tm) =	ssettm $0x7FFFFFFF  }
tec
execute0_lowered:
.L_overlay_start_1:
0x0: {  	(tag) =	ssettag $0x1  }
0x1: {  	s0 =	rddreg [dreg:$0x0];
	s5 =	simm.s32 $0x0;
	s1 =	srdreg.scid  }
0x2: {  	s4 =	stileid.u32;
	[smem:$0x7FF] =	sst s5  }
0x3: {  	s1 =	sand.u32 $0x1, s1;
	s3 =	sadd.s32 $0x400, s0;
	s6 =	sadd.s32 $0x80400, s0  }
0x4: {  	s24 =	sshrl.u32 s4, $0x1;
	_ =	strace $0x80000047;
	[dreg:$0x2] =	wrdreg s3  }
0x5: {  	s4 =	sshll.u32 s4, $0x9;
	s26 =	sadd.s32 $0x4400, s0;
	[dreg:$0x3] =	wrdreg s6  }
0x6: {  	s28 =	sadd.s32 $0x8400, s0;
	s0 =	sadd.s32 $0xC400, s0;
	[dreg:$0x5] =	wrdreg s26  }
0x7: {  	s2 =	ssub.s32 $0x2, s1;
	s1 =	sshll.u32 s1, $0x8;
	[dreg:$0x6] =	wrdreg s28  }
0x8: {  	s25 =	sshll.u32 s24, $0x13;
	[dreg:$0x7] =	wrdreg s0;
	s29 =	sshll.u32 s24, $0xA  }
0x9: {  	s31 =	sand.u32 $0x200, s4;
	s23 =	sshrl.u32 s2, $0x1;
	[dreg:$0x4] =	wrdreg s25  }
0xa: {  	[dreg:$0x8] =	wrdreg s29;
	s0 =	sor.u32 s1, s31;
	s2 =	ssub.s32 s2, s23  }
0xb: {  	v0 =	vimm.s32 $0x0;
	s18 =	simm.s32 $0x10000;
	v1 =	vimm.s32 $0x1;
	[dreg:$0xa] =	wrdreg s0;
	s30 =	smax.u32 s2, $0x1  }
0xc: {  	s22 =	simm.s32 $0x12000;
	v2 =	vlaneseq.u32;
	vm2 =	vcmask $0x710;
	vm3 =	vcmask $0xB10;
	s1 =	simm.s32 $0x0;
	[dreg:$0x9] =	wrdreg s30  }
.LBB2_1:
0xd: {  	[dreg:$0xb] =	wrdreg s1;
	p1 =	por $0x1, $0x1;
	s0 =	simm.s32 $0x0  }
.LBB2_2:
0xe: {  	s1 =	rddreg [dreg:$0xa]  }
0xf: {  	s24 =	rddreg [dreg:$0x4];
	s1 =	sor.u32 s1, s0  }
0x10: {  	s25 =	rddreg [dreg:$0x2];
	s0 =	sor.u32 s24, s1  }
0x11: {  	s2 =	simm.s32 $0x80;
	s26 =	rddreg [dreg:$0x5];
	s0 =	sshrl.u32 s0, $0x3  }
0x12: {  	s3 =	simm.s32 $0x400;
	[dreg:$0xc] =	wrdreg s1;
	s1 =	sadd.s32 s25, s0  }
0x13: {  	[tilespmem:s5], [sflag:$0x1] =	stream.strided.gather [hbm4b:s1+s2], $0x4000, s3, s2, $0x38;
	[tilespmem:$0x12280] =	vst v63  }
0x14: {  	s4 =	simm.s32 $0x4000;
	s28 =	rddreg [dreg:$0x6];
	s1 =	sadd.s32 s0, s26  }
0x15: {  	[tilespmem:s4], [sflag:$0x2] =	stream.strided.gather [hbm4b:s1+s2], $0x4000, s3, s2, $0x38;
	[tilespmem:$0x12280] =	vst v63  }
0x16: {  	s29 =	simm.s32 $0x8000;
	s30 =	rddreg [dreg:$0x7];
	s1 =	sadd.s32 s0, s28  }
0x17: {  	[tilespmem:s29], [sflag:$0x3] =	stream.strided.gather [hbm4b:s1+s2], $0x4000, s3, s2, $0x38;
	[tilespmem:$0x12280] =	vst v63  }
0x18: {  	s31 =	simm.s32 $0xC000;
	s0 =	sadd.s32 s0, s30  }
0x19: {  	[tilespmem:s31], [sflag:$0x4] =	stream.strided.gather [hbm4b:s0+s2], $0x4000, s3, s2, $0x38;
	[tilespmem:$0x12280] =	vst v63  }
0x1a: {  	s0 =	simm.s32 $0x10040  }
0x1b: {  	[tilespmem:s0+$0xFFFFFFC0] =	vst v0  }
0x1c: {  	[tilespmem:s0+$0x30] =	vst v0  }
0x1d: {  	[tilespmem:s0+$0x20] =	vst v0  }
0x1e: {  	[tilespmem:s0+$0x10] =	vst v0  }
0x1f: {  	[tilespmem:s0+$0x0] =	vst v0  }
0x20: {  	[tilespmem:s0+$0xFFFFFFF0] =	vst v0  }
0x21: {  	p0 =	por p1, p1;
	s1 =	simm.s32 $0x0;
	[tilespmem:s0+$0xFFFFFFE0] =	vst v0  }
.LBB2_3:
0x22: {  	s1 =	sadd.s32 $0x8, s1;
	[tilespmem:s0+$0xFFFFFFD0] =	vst v0;
	s0 =	sadd.s32 $0x80, s0  }
0x23: {  	[tilespmem:s0+$0xFFFFFFC0] =	vst v0;
	p1 =	slt.u32 s1, $0x1F8  }
0x24: {  	[tilespmem:s0+$0x30] =	vst v0  }
.Ltmp0:
0x25: {  	[tilespmem:s0+$0x20] =	vst v0;
	(pc) =	sbr.rel @p1 .LBB2_3-.Ltmp0, $4  }
0x26: {  	[tilespmem:s0+$0x10] =	vst v0  }
0x27: {  	[tilespmem:s0+$0x0] =	vst v0  }
0x28: {  	[tilespmem:s0+$0xFFFFFFF0] =	vst v0  }
0x29: {  	[tilespmem:s0+$0xFFFFFFE0] =	vst v0  }
0x2a: {  	[tilespmem:s0+$0xFFFFFFD0] =	vst v0;
	s31 =	simm.s32 $0x1  }
0x2b: {  	_ =	swait.ge [sflag:s31], $0x4000  }
0x2c: {  	[sflag:s31] =	ssyncset.done $0x0  }
0x2d: {  	s0 =	simm.s32 $0x40;
	[sflag:s31] =	ssyncadd.s32 $0xFFFFC000  }
0x2e: {  	v3 =	vld [tilespmem:s0+$0xFFFFFFE0]  }
0x2f: {  	v6 =	vld [tilespmem:s0+$0xFFFFFFC0]  }
0x30: {  	v4 =	vld [tilespmem:s0+$0xFFFFFFD0]  }
0x31: {  	v9 =	vld [tilespmem:s0+$0x20]  }
0x32: {  	v10 =	vld [tilespmem:s0+$0x10];
	_ =	sdelay $0x1  }
0x33: {  	v5 =	vld [tilespmem:s0+$0xFFFFFFF0]  }
0x34: {  	v8 =	vshra.s32 v4, $0x1F  }
0x35: {  	v7 =	vld [tilespmem:s0+$0x30];
	v11 =	vshra.s32 v3, $0x1F;
	v12 =	vshra.s32 v9, $0x1F;
	v13 =	vshra.s32 v6, $0x1F  }
0x36: {  	v15 =	vshra.s32 v10, $0x1F;
	v12 =	vor.u32 $0x80000000, v12;
	v13 =	vor.u32 $0x80000000, v13  }
0x37: {  	v11 =	vor.u32 $0x80000000, v11;
	v8 =	vor.u32 $0x80000000, v8;
	v15 =	vor.u32 $0x80000000, v15  }
0x38: {  	v14 =	vxor.u32 v3, v11;
	v11 =	vshra.s32 v5, $0x1F;
	v13 =	vxor.u32 v6, v13  }
0x39: {  	v12 =	vxor.u32 v9, v12;
	v10 =	vxor.u32 v10, v15;
	v3 =	vshrl.u32 v14, $0x13  }
0x3a: {  	s1 =	simm.s32 $0x0;
	s2 =	simm.s32 $0xC0;
	v9 =	vld [tilespmem:s0+$0x0];
	v11 =	vor.u32 $0x80000000, v11;
	v6 =	vshrl.u32 v13, $0x13;
	[tilespmem:s0+$0xFFFFFFE0] =	vst v14;
	v14 =	vshra.s32 v7, $0x1F  }
.LBB2_5:
0x3b: {  	v15 =	vld [tilespmem:s2+$0xFFFFFFE0];
	s1 =	sadd.s32 $0x8, s1;
	[tilespmem:s0+$0xFFFFFFC0] =	vst v13;
	v11 =	vxor.u32 v5, v11;
	v13 =	vshrl.u32 v10, $0x13;
	v5 =	vor.u32 $0x80000000, v14  }
0x3c: {  	v14 =	vld [tilespmem:s2+$0xFFFFFFC0];
	p1 =	slt.u32 s1, $0x3F8;
	v16 =	vshrl.u32 v11, $0x13;
	[tilespmem:s0+$0x20] =	vst v12;
	v12 =	vshrl.u32 v12, $0x13;
	v7 =	vxor.u32 v7, v5  }
0x3d: {  	v8 =	vxor.u32 v4, v8;
	v5 =	vld [tilespmem:s2+$0xFFFFFFF0];
	[tilespmem:s0+$0x30] =	vst v7;
	v7 =	vshrl.u32 v7, $0x13  }
0x3e: {  	v17 =	vld [tilespmem:s2+$0x20];
	[tilespmem:s0+$0xFFFFFFD0] =	vst v8  }
0x3f: {  	v8 =	vshrl.u32 v8, $0x13;
	v4 =	vld [tilespmem:s2+$0xFFFFFFD0];
	v18 =	vshra.s32 v9, $0x1F;
	[tilespmem:s0+$0x10] =	vst v10  }
0x40: {  	v10 =	vld [tilespmem:s2+$0x10];
	[tilespmem:s0+$0xFFFFFFF0] =	vst v11;
	v11 =	vor.u32 $0x80000000, v18  }
0x41: {  	v9 =	vxor.u32 v9, v11;
	[tilespmem:v12+s18+$0x0] =	vst.idx.add.s32.msk $0xffff, v1  }
0x42: {  	v12 =	vshrl.u32 v9, $0x13;
	[tilespmem:v7+s18+$0x0] =	vst.idx.add.s32.msk $0xffff, v1  }
0x43: {  	[tilespmem:v13+s18+$0x0] =	vst.idx.add.s32.msk $0xffff, v1  }
0x44: {  	v13 =	vshra.s32 v15, $0x1F;
	v18 =	vshra.s32 v17, $0x1F;
	v11 =	vshra.s32 v4, $0x1F;
	v7 =	vld [tilespmem:s2+$0x30];
	[tilespmem:s0+$0x0] =	vst v9;
	s0 =	smov.u32 s2  }
0x45: {  	v9 =	vshra.s32 v14, $0x1F;
	v18 =	vor.u32 $0x80000000, v18;
	[tilespmem:v8+s18+$0x0] =	vst.idx.add.s32.msk $0xffff, v1  }
.Ltmp1:
0x46: {  	v13 =	vor.u32 $0x80000000, v13;
	v9 =	vor.u32 $0x80000000, v9;
	[tilespmem:v6+s18+$0x0] =	vst.idx.add.s32.msk $0xffff, v1;
	(pc) =	sbr.rel @p1 .LBB2_5-.Ltmp1, $4  }
0x47: {  	v8 =	vor.u32 $0x80000000, v11;
	v15 =	vxor.u32 v15, v13;
	v6 =	vshra.s32 v5, $0x1F;
	[tilespmem:v16+s18+$0x0] =	vst.idx.add.s32.msk $0xffff, v1  }
0x48: {  	v16 =	vshrl.u32 v15, $0x13;
	v11 =	vor.u32 $0x80000000, v6;
	v6 =	vshra.s32 v10, $0x1F;
	[tilespmem:v12+s18+$0x0] =	vst.idx.add.s32.msk $0xffff, v1  }
0x49: {  	v13 =	vxor.u32 v14, v9;
	v14 =	vor.u32 $0x80000000, v6;
	v12 =	vxor.u32 v17, v18;
	[tilespmem:v3+s18+$0x0] =	vst.idx.add.s32.msk $0xffff, v1  }
0x4a: {  	s2 =	sadd.s32 $0x80, s2;
	v6 =	vshrl.u32 v13, $0x13;
	v10 =	vxor.u32 v10, v14;
	v14 =	vshra.s32 v7, $0x1F;
	v3 =	vmovc v16;
	[tilespmem:s0+$0xFFFFFFE0] =	vst v15;
	v9 =	vld [tilespmem:s0+$0x0]  }
0x4b: {  	_ = 	snop  }
0x4c: {  	[tilespmem:s0+$0xFFFFFFC0] =	vst v13  }
0x4d: {  	[tilespmem:s0+$0x20] =	vst v12  }
0x4e: {  	v13 =	vor.u32 $0x80000000, v14;
	[tilespmem:s0+$0x10] =	vst v10  }
0x4f: {  	v12 =	vshrl.u32 v12, $0x13;
	[tilespmem:v3+s18+$0x0] =	vst.idx.add.s32.msk $0xffff, v1;
	v7 =	vxor.u32 v7, v13  }
0x50: {  	v4 =	vxor.u32 v4, v8;
	[tilespmem:s0+$0x30] =	vst v7;
	v7 =	vshrl.u32 v7, $0x13  }
0x51: {  	v8 =	vshrl.u32 v10, $0x13;
	v5 =	vxor.u32 v5, v11;
	[tilespmem:s0+$0xFFFFFFD0] =	vst v4  }
0x52: {  	v4 =	vshrl.u32 v4, $0x13;
	[tilespmem:s0+$0xFFFFFFF0] =	vst v5;
	v10 =	vshra.s32 v9, $0x1F  }
0x53: {  	v5 =	vshrl.u32 v5, $0x13;
	[tilespmem:v6+s18+$0x0] =	vst.idx.add.s32.msk $0xffff, v1;
	v10 =	vor.u32 $0x80000000, v10  }
0x54: {  	[tilespmem:v12+s18+$0x0] =	vst.idx.add.s32.msk $0xffff, v1;
	v9 =	vxor.u32 v9, v10  }
0x55: {  	[tilespmem:v7+s18+$0x0] =	vst.idx.add.s32.msk $0xffff, v1;
	v7 =	vshrl.u32 v9, $0x13  }
0x56: {  	[tilespmem:v8+s18+$0x0] =	vst.idx.add.s32.msk $0xffff, v1  }
0x57: {  	[tilespmem:v4+s18+$0x0] =	vst.idx.add.s32.msk $0xffff, v1  }
0x58: {  	[tilespmem:v5+s18+$0x0] =	vst.idx.add.s32.msk $0xffff, v1  }
0x59: {  	[tilespmem:s0+$0x0] =	vst v9  }
0x5a: {  	s31 =	simm.s32 $0x2;
	[tilespmem:v7+s18+$0x0] =	vst.idx.add.s32.msk $0xffff, v1  }
0x5b: {  	_ =	swait.ge [sflag:s31], $0x4000  }
0x5c: {  	[sflag:s31] =	ssyncset.done $0x0  }
0x5d: {  	s0 =	simm.s32 $0x4070;
	[sflag:s31] =	ssyncadd.s32 $0xFFFFC000  }
0x5e: {  	v3 =	vld [tilespmem:s0+$0xFFFFFFB0]  }
0x5f: {  	v6 =	vld [tilespmem:s0+$0xFFFFFFF0]  }
0x60: {  	v4 =	vld [tilespmem:s0+$0xFFFFFFA0]  }
0x61: {  	v9 =	vld [tilespmem:s0+$0xFFFFFF90]  }
0x62: {  	v7 =	vld [tilespmem:s0+$0x0]  }
0x63: {  	v11 =	vld [tilespmem:s0+$0xFFFFFFE0];
	_ =	sdelay $0x1  }
0x64: {  	v5 =	vld [tilespmem:s0+$0xFFFFFFC0]  }
0x65: {  	v8 =	vshra.s32 v4, $0x1F;
	v10 =	vshra.s32 v6, $0x1F  }
0x66: {  	v12 =	vshra.s32 v3, $0x1F;
	v13 =	vshra.s32 v9, $0x1F;
	v15 =	vshra.s32 v7, $0x1F  }
0x67: {  	v16 =	vshra.s32 v11, $0x1F;
	v10 =	vor.u32 $0x80000000, v10;
	v13 =	vor.u32 $0x80000000, v13  }
0x68: {  	v8 =	vor.u32 $0x80000000, v8;
	v12 =	vor.u32 $0x80000000, v12;
	v16 =	vor.u32 $0x80000000, v16  }
0x69: {  	v14 =	vxor.u32 v3, v12;
	v12 =	vshra.s32 v5, $0x1F;
	v13 =	vxor.u32 v9, v13  }
0x6a: {  	v9 =	vxor.u32 v6, v10;
	v11 =	vxor.u32 v11, v16;
	v3 =	vshrl.u32 v14, $0x13  }
0x6b: {  	s1 =	simm.s32 $0x400;
	s2 =	simm.s32 $0x40F0;
	v10 =	vld [tilespmem:s0+$0xFFFFFFD0];
	v12 =	vor.u32 $0x80000000, v12;
	v6 =	vshrl.u32 v13, $0x13;
	[tilespmem:s0+$0xFFFFFFB0] =	vst v14;
	v14 =	vor.u32 $0x80000000, v15  }
.LBB2_7:
0x6c: {  	v15 =	vld [tilespmem:s2+$0xFFFFFFB0];
	s1 =	sadd.s32 $0x8, s1;
	[tilespmem:s0+$0xFFFFFF90] =	vst v13;
	v5 =	vxor.u32 v5, v12;
	v12 =	vshrl.u32 v11, $0x13;
	v7 =	vxor.u32 v7, v14  }
0x6d: {  	v16 =	vshrl.u32 v9, $0x13;
	v13 =	vld [tilespmem:s2+$0xFFFFFF90];
	p1 =	slt.u32 s1, $0x7F8;
	[tilespmem:s0+$0xFFFFFFC0] =	vst v5;
	v14 =	vshrl.u32 v5, $0x13;
	v17 =	vshrl.u32 v7, $0x13  }
0x6e: {  	v8 =	vxor.u32 v4, v8;
	v5 =	vld [tilespmem:s2+$0xFFFFFFC0];
	[tilespmem:s0+$0x0] =	vst v7  }
0x6f: {  	v18 =	vld [tilespmem:s2+$0xFFFFFFF0];
	[tilespmem:s0+$0xFFFFFFA0] =	vst v8  }
0x70: {  	v8 =	vshrl.u32 v8, $0x13;
	v4 =	vld [tilespmem:s2+$0xFFFFFFA0];
	v7 =	vshra.s32 v10, $0x1F;
	[tilespmem:s0+$0xFFFFFFE0] =	vst v11  }
0x71: {  	v11 =	vld [tilespmem:s2+$0xFFFFFFE0];
	v7 =	vor.u32 $0x80000000, v7;
	[tilespmem:s0+$0xFFFFFFF0] =	vst v9  }
0x72: {  	v9 =	vxor.u32 v10, v7;
	[tilespmem:v17+s18+$0x0] =	vst.idx.add.s32.msk $0xffff, v1  }
0x73: {  	v7 =	vld [tilespmem:s2+$0x0];
	[tilespmem:s0+$0xFFFFFFD0] =	vst v9;
	v9 =	vshrl.u32 v9, $0x13;
	s0 =	smov.u32 s2  }
0x74: {  	[tilespmem:v12+s18+$0x0] =	vst.idx.add.s32.msk $0xffff, v1  }
0x75: {  	v12 =	vshra.s32 v15, $0x1F;
	v17 =	vshra.s32 v18, $0x1F;
	v10 =	vshra.s32 v4, $0x1F;
	[tilespmem:v16+s18+$0x0] =	vst.idx.add.s32.msk $0xffff, v1  }
0x76: {  	v16 =	vshra.s32 v13, $0x1F;
	v17 =	vor.u32 $0x80000000, v17;
	[tilespmem:v8+s18+$0x0] =	vst.idx.add.s32.msk $0xffff, v1  }
.Ltmp2:
0x77: {  	v16 =	vor.u32 $0x80000000, v16;
	v8 =	vor.u32 $0x80000000, v10;
	v10 =	vor.u32 $0x80000000, v12;
	[tilespmem:v6+s18+$0x0] =	vst.idx.add.s32.msk $0xffff, v1;
	(pc) =	sbr.rel @p1 .LBB2_7-.Ltmp2, $4  }
0x78: {  	v10 =	vxor.u32 v15, v10;
	v6 =	vshra.s32 v5, $0x1F;
	v15 =	vshra.s32 v7, $0x1F;
	[tilespmem:v14+s18+$0x0] =	vst.idx.add.s32.msk $0xffff, v1  }
0x79: {  	v19 =	vshrl.u32 v10, $0x13;
	v12 =	vor.u32 $0x80000000, v6;
	v6 =	vshra.s32 v11, $0x1F;
	[tilespmem:v9+s18+$0x0] =	vst.idx.add.s32.msk $0xffff, v1  }
0x7a: {  	v13 =	vxor.u32 v13, v16;
	v14 =	vor.u32 $0x80000000, v6;
	v9 =	vxor.u32 v18, v17;
	[tilespmem:v3+s18+$0x0] =	vst.idx.add.s32.msk $0xffff, v1  }
0x7b: {  	s2 =	sadd.s32 $0x80, s2;
	v6 =	vshrl.u32 v13, $0x13;
	v11 =	vxor.u32 v11, v14;
	v14 =	vor.u32 $0x80000000, v15;
	v3 =	vmovc v19;
	[tilespmem:s0+$0xFFFFFFB0] =	vst v10;
	v10 =	vld [tilespmem:s0+$0xFFFFFFD0]  }
0x7c: {  	_ = 	snop  }
0x7d: {  	[tilespmem:s0+$0xFFFFFF90] =	vst v13  }
0x7e: {  	[tilespmem:s0+$0xFFFFFFE0] =	vst v11  }
0x7f: {  	[tilespmem:s0+$0xFFFFFFF0] =	vst v9  }
0x80: {  	v5 =	vxor.u32 v5, v12;
	v4 =	vxor.u32 v4, v8;
	v8 =	vshrl.u32 v9, $0x13;
	[tilespmem:v3+s18+$0x0] =	vst.idx.add.s32.msk $0xffff, v1  }
0x81: {  	v7 =	vxor.u32 v7, v14;
	[tilespmem:s0+$0xFFFFFFC0] =	vst v5  }
0x82: {  	v12 =	vshrl.u32 v7, $0x13;
	[tilespmem:s0+$0x0] =	vst v7  }
0x83: {  	v7 =	vshrl.u32 v11, $0x13;
	[tilespmem:s0+$0xFFFFFFA0] =	vst v4;
	v13 =	vshra.s32 v10, $0x1F  }
0x84: {  	v4 =	vshrl.u32 v4, $0x13;
	[tilespmem:v6+s18+$0x0] =	vst.idx.add.s32.msk $0xffff, v1;
	v11 =	vor.u32 $0x80000000, v13  }
0x85: {  	v5 =	vshrl.u32 v5, $0x13;
	[tilespmem:v8+s18+$0x0] =	vst.idx.add.s32.msk $0xffff, v1;
	v9 =	vxor.u32 v10, v11  }
0x86: {  	[tilespmem:s0+$0xFFFFFFD0] =	vst v9;
	v9 =	vshrl.u32 v9, $0x13  }
0x87: {  	[tilespmem:v12+s18+$0x0] =	vst.idx.add.s32.msk $0xffff, v1  }
0x88: {  	[tilespmem:v7+s18+$0x0] =	vst.idx.add.s32.msk $0xffff, v1  }
0x89: {  	[tilespmem:v4+s18+$0x0] =	vst.idx.add.s32.msk $0xffff, v1  }
0x8a: {  	[tilespmem:v5+s18+$0x0] =	vst.idx.add.s32.msk $0xffff, v1  }
0x8b: {  	s31 =	simm.s32 $0x3;
	[tilespmem:v9+s18+$0x0] =	vst.idx.add.s32.msk $0xffff, v1  }
0x8c: {  	_ =	swait.ge [sflag:s31], $0x4000  }
0x8d: {  	[sflag:s31] =	ssyncset.done $0x0  }
0x8e: {  	s0 =	simm.s32 $0x8070;
	[sflag:s31] =	ssyncadd.s32 $0xFFFFC000  }
0x8f: {  	v3 =	vld [tilespmem:s0+$0xFFFFFFB0]  }
0x90: {  	v6 =	vld [tilespmem:s0+$0xFFFFFFF0]  }
0x91: {  	v4 =	vld [tilespmem:s0+$0xFFFFFFA0]  }
0x92: {  	v9 =	vld [tilespmem:s0+$0xFFFFFF90]  }
0x93: {  	v7 =	vld [tilespmem:s0+$0x0]  }
0x94: {  	v11 =	vld [tilespmem:s0+$0xFFFFFFE0];
	_ =	sdelay $0x1  }
0x95: {  	v5 =	vld [tilespmem:s0+$0xFFFFFFC0]  }
0x96: {  	v8 =	vshra.s32 v4, $0x1F;
	v10 =	vshra.s32 v6, $0x1F  }
0x97: {  	v12 =	vshra.s32 v3, $0x1F;
	v13 =	vshra.s32 v9, $0x1F;
	v15 =	vshra.s32 v7, $0x1F  }
0x98: {  	v16 =	vshra.s32 v11, $0x1F;
	v10 =	vor.u32 $0x80000000, v10;
	v13 =	vor.u32 $0x80000000, v13  }
0x99: {  	v8 =	vor.u32 $0x80000000, v8;
	v12 =	vor.u32 $0x80000000, v12;
	v16 =	vor.u32 $0x80000000, v16  }
0x9a: {  	v14 =	vxor.u32 v3, v12;
	v12 =	vshra.s32 v5, $0x1F;
	v13 =	vxor.u32 v9, v13  }
0x9b: {  	v9 =	vxor.u32 v6, v10;
	v11 =	vxor.u32 v11, v16;
	v3 =	vshrl.u32 v14, $0x13  }
0x9c: {  	s1 =	simm.s32 $0x800;
	s2 =	simm.s32 $0x80F0;
	v10 =	vld [tilespmem:s0+$0xFFFFFFD0];
	v12 =	vor.u32 $0x80000000, v12;
	v6 =	vshrl.u32 v13, $0x13;
	[tilespmem:s0+$0xFFFFFFB0] =	vst v14;
	v14 =	vor.u32 $0x80000000, v15  }
.LBB2_9:
0x9d: {  	v15 =	vld [tilespmem:s2+$0xFFFFFFB0];
	s1 =	sadd.s32 $0x8, s1;
	[tilespmem:s0+$0xFFFFFF90] =	vst v13;
	v5 =	vxor.u32 v5, v12;
	v12 =	vshrl.u32 v11, $0x13;
	v7 =	vxor.u32 v7, v14  }
0x9e: {  	v16 =	vshrl.u32 v9, $0x13;
	v13 =	vld [tilespmem:s2+$0xFFFFFF90];
	p1 =	slt.u32 s1, $0xBF8;
	[tilespmem:s0+$0xFFFFFFC0] =	vst v5;
	v14 =	vshrl.u32 v5, $0x13;
	v17 =	vshrl.u32 v7, $0x13  }
0x9f: {  	v8 =	vxor.u32 v4, v8;
	v5 =	vld [tilespmem:s2+$0xFFFFFFC0];
	[tilespmem:s0+$0x0] =	vst v7  }
0xa0: {  	v18 =	vld [tilespmem:s2+$0xFFFFFFF0];
	[tilespmem:s0+$0xFFFFFFA0] =	vst v8  }
0xa1: {  	v8 =	vshrl.u32 v8, $0x13;
	v4 =	vld [tilespmem:s2+$0xFFFFFFA0];
	v7 =	vshra.s32 v10, $0x1F;
	[tilespmem:s0+$0xFFFFFFE0] =	vst v11  }
0xa2: {  	v11 =	vld [tilespmem:s2+$0xFFFFFFE0];
	v7 =	vor.u32 $0x80000000, v7;
	[tilespmem:s0+$0xFFFFFFF0] =	vst v9  }
0xa3: {  	v9 =	vxor.u32 v10, v7;
	[tilespmem:v17+s18+$0x0] =	vst.idx.add.s32.msk $0xffff, v1  }
0xa4: {  	v7 =	vld [tilespmem:s2+$0x0];
	[tilespmem:s0+$0xFFFFFFD0] =	vst v9;
	v9 =	vshrl.u32 v9, $0x13;
	s0 =	smov.u32 s2  }
0xa5: {  	[tilespmem:v12+s18+$0x0] =	vst.idx.add.s32.msk $0xffff, v1  }
0xa6: {  	v12 =	vshra.s32 v15, $0x1F;
	v17 =	vshra.s32 v18, $0x1F;
	v10 =	vshra.s32 v4, $0x1F;
	[tilespmem:v16+s18+$0x0] =	vst.idx.add.s32.msk $0xffff, v1  }
0xa7: {  	v16 =	vshra.s32 v13, $0x1F;
	v17 =	vor.u32 $0x80000000, v17;
	[tilespmem:v8+s18+$0x0] =	vst.idx.add.s32.msk $0xffff, v1  }
.Ltmp3:
0xa8: {  	v16 =	vor.u32 $0x80000000, v16;
	v8 =	vor.u32 $0x80000000, v10;
	v10 =	vor.u32 $0x80000000, v12;
	[tilespmem:v6+s18+$0x0] =	vst.idx.add.s32.msk $0xffff, v1;
	(pc) =	sbr.rel @p1 .LBB2_9-.Ltmp3, $4  }
0xa9: {  	v10 =	vxor.u32 v15, v10;
	v6 =	vshra.s32 v5, $0x1F;
	v15 =	vshra.s32 v7, $0x1F;
	[tilespmem:v14+s18+$0x0] =	vst.idx.add.s32.msk $0xffff, v1  }
0xaa: {  	v19 =	vshrl.u32 v10, $0x13;
	v12 =	vor.u32 $0x80000000, v6;
	v6 =	vshra.s32 v11, $0x1F;
	[tilespmem:v9+s18+$0x0] =	vst.idx.add.s32.msk $0xffff, v1  }
0xab: {  	v13 =	vxor.u32 v13, v16;
	v14 =	vor.u32 $0x80000000, v6;
	v9 =	vxor.u32 v18, v17;
	[tilespmem:v3+s18+$0x0] =	vst.idx.add.s32.msk $0xffff, v1  }
0xac: {  	s2 =	sadd.s32 $0x80, s2;
	v6 =	vshrl.u32 v13, $0x13;
	v11 =	vxor.u32 v11, v14;
	v14 =	vor.u32 $0x80000000, v15;
	v3 =	vmovc v19;
	[tilespmem:s0+$0xFFFFFFB0] =	vst v10;
	v10 =	vld [tilespmem:s0+$0xFFFFFFD0]  }
0xad: {  	_ = 	snop  }
0xae: {  	[tilespmem:s0+$0xFFFFFF90] =	vst v13  }
0xaf: {  	[tilespmem:s0+$0xFFFFFFE0] =	vst v11  }
0xb0: {  	[tilespmem:s0+$0xFFFFFFF0] =	vst v9  }
0xb1: {  	v5 =	vxor.u32 v5, v12;
	v4 =	vxor.u32 v4, v8;
	v8 =	vshrl.u32 v9, $0x13;
	[tilespmem:v3+s18+$0x0] =	vst.idx.add.s32.msk $0xffff, v1  }
0xb2: {  	v7 =	vxor.u32 v7, v14;
	[tilespmem:s0+$0xFFFFFFC0] =	vst v5  }
0xb3: {  	v12 =	vshrl.u32 v7, $0x13;
	[tilespmem:s0+$0x0] =	vst v7  }
0xb4: {  	v7 =	vshrl.u32 v11, $0x13;
	[tilespmem:s0+$0xFFFFFFA0] =	vst v4;
	v13 =	vshra.s32 v10, $0x1F  }
0xb5: {  	v4 =	vshrl.u32 v4, $0x13;
	[tilespmem:v6+s18+$0x0] =	vst.idx.add.s32.msk $0xffff, v1;
	v11 =	vor.u32 $0x80000000, v13  }
0xb6: {  	v5 =	vshrl.u32 v5, $0x13;
	[tilespmem:v8+s18+$0x0] =	vst.idx.add.s32.msk $0xffff, v1;
	v9 =	vxor.u32 v10, v11  }
0xb7: {  	[tilespmem:s0+$0xFFFFFFD0] =	vst v9;
	v9 =	vshrl.u32 v9, $0x13  }
0xb8: {  	[tilespmem:v12+s18+$0x0] =	vst.idx.add.s32.msk $0xffff, v1  }
0xb9: {  	[tilespmem:v7+s18+$0x0] =	vst.idx.add.s32.msk $0xffff, v1  }
0xba: {  	[tilespmem:v4+s18+$0x0] =	vst.idx.add.s32.msk $0xffff, v1  }
0xbb: {  	[tilespmem:v5+s18+$0x0] =	vst.idx.add.s32.msk $0xffff, v1  }
0xbc: {  	s31 =	simm.s32 $0x4;
	[tilespmem:v9+s18+$0x0] =	vst.idx.add.s32.msk $0xffff, v1  }
0xbd: {  	_ =	swait.ge [sflag:s31], $0x4000  }
0xbe: {  	[sflag:s31] =	ssyncset.done $0x0  }
0xbf: {  	s0 =	simm.s32 $0xC070;
	[sflag:s31] =	ssyncadd.s32 $0xFFFFC000  }
0xc0: {  	v3 =	vld [tilespmem:s0+$0xFFFFFFB0]  }
0xc1: {  	v6 =	vld [tilespmem:s0+$0xFFFFFFF0]  }
0xc2: {  	v4 =	vld [tilespmem:s0+$0xFFFFFFA0]  }
0xc3: {  	v9 =	vld [tilespmem:s0+$0xFFFFFF90]  }
0xc4: {  	v7 =	vld [tilespmem:s0+$0x0]  }
0xc5: {  	v11 =	vld [tilespmem:s0+$0xFFFFFFE0];
	_ =	sdelay $0x1  }
0xc6: {  	v5 =	vld [tilespmem:s0+$0xFFFFFFC0]  }
0xc7: {  	v8 =	vshra.s32 v4, $0x1F;
	v10 =	vshra.s32 v6, $0x1F  }
0xc8: {  	v12 =	vshra.s32 v3, $0x1F;
	v13 =	vshra.s32 v9, $0x1F;
	v15 =	vshra.s32 v7, $0x1F  }
0xc9: {  	v16 =	vshra.s32 v11, $0x1F;
	v10 =	vor.u32 $0x80000000, v10;
	v13 =	vor.u32 $0x80000000, v13  }
0xca: {  	v8 =	vor.u32 $0x80000000, v8;
	v12 =	vor.u32 $0x80000000, v12;
	v16 =	vor.u32 $0x80000000, v16  }
0xcb: {  	v14 =	vxor.u32 v3, v12;
	v12 =	vshra.s32 v5, $0x1F;
	v13 =	vxor.u32 v9, v13  }
0xcc: {  	v9 =	vxor.u32 v6, v10;
	v11 =	vxor.u32 v11, v16;
	v3 =	vshrl.u32 v14, $0x13  }
0xcd: {  	s1 =	simm.s32 $0xC00;
	s2 =	simm.s32 $0xC0F0;
	v10 =	vld [tilespmem:s0+$0xFFFFFFD0];
	v12 =	vor.u32 $0x80000000, v12;
	v6 =	vshrl.u32 v13, $0x13;
	[tilespmem:s0+$0xFFFFFFB0] =	vst v14;
	v14 =	vor.u32 $0x80000000, v15  }
.LBB2_11:
0xce: {  	v15 =	vld [tilespmem:s2+$0xFFFFFFB0];
	s1 =	sadd.s32 $0x8, s1;
	[tilespmem:s0+$0xFFFFFF90] =	vst v13;
	v5 =	vxor.u32 v5, v12;
	v12 =	vshrl.u32 v11, $0x13;
	v7 =	vxor.u32 v7, v14  }
0xcf: {  	v16 =	vshrl.u32 v9, $0x13;
	v13 =	vld [tilespmem:s2+$0xFFFFFF90];
	p1 =	slt.u32 s1, $0xFF8;
	[tilespmem:s0+$0xFFFFFFC0] =	vst v5;
	v14 =	vshrl.u32 v5, $0x13;
	v17 =	vshrl.u32 v7, $0x13  }
0xd0: {  	v8 =	vxor.u32 v4, v8;
	v5 =	vld [tilespmem:s2+$0xFFFFFFC0];
	[tilespmem:s0+$0x0] =	vst v7  }
0xd1: {  	v18 =	vld [tilespmem:s2+$0xFFFFFFF0];
	[tilespmem:s0+$0xFFFFFFA0] =	vst v8  }
0xd2: {  	v8 =	vshrl.u32 v8, $0x13;
	v4 =	vld [tilespmem:s2+$0xFFFFFFA0];
	v7 =	vshra.s32 v10, $0x1F;
	[tilespmem:s0+$0xFFFFFFE0] =	vst v11  }
0xd3: {  	v11 =	vld [tilespmem:s2+$0xFFFFFFE0];
	v7 =	vor.u32 $0x80000000, v7;
	[tilespmem:s0+$0xFFFFFFF0] =	vst v9  }
0xd4: {  	v9 =	vxor.u32 v10, v7;
	[tilespmem:v17+s18+$0x0] =	vst.idx.add.s32.msk $0xffff, v1  }
0xd5: {  	v7 =	vld [tilespmem:s2+$0x0];
	[tilespmem:s0+$0xFFFFFFD0] =	vst v9;
	v9 =	vshrl.u32 v9, $0x13;
	s0 =	smov.u32 s2  }
0xd6: {  	[tilespmem:v12+s18+$0x0] =	vst.idx.add.s32.msk $0xffff, v1  }
0xd7: {  	v12 =	vshra.s32 v15, $0x1F;
	v17 =	vshra.s32 v18, $0x1F;
	v10 =	vshra.s32 v4, $0x1F;
	[tilespmem:v16+s18+$0x0] =	vst.idx.add.s32.msk $0xffff, v1  }
0xd8: {  	v16 =	vshra.s32 v13, $0x1F;
	v17 =	vor.u32 $0x80000000, v17;
	[tilespmem:v8+s18+$0x0] =	vst.idx.add.s32.msk $0xffff, v1  }
.Ltmp4:
0xd9: {  	v16 =	vor.u32 $0x80000000, v16;
	v8 =	vor.u32 $0x80000000, v10;
	v10 =	vor.u32 $0x80000000, v12;
	[tilespmem:v6+s18+$0x0] =	vst.idx.add.s32.msk $0xffff, v1;
	(pc) =	sbr.rel @p1 .LBB2_11-.Ltmp4, $4  }
0xda: {  	v10 =	vxor.u32 v15, v10;
	v6 =	vshra.s32 v5, $0x1F;
	v15 =	vshra.s32 v7, $0x1F;
	[tilespmem:v14+s18+$0x0] =	vst.idx.add.s32.msk $0xffff, v1  }
0xdb: {  	v19 =	vshrl.u32 v10, $0x13;
	v12 =	vor.u32 $0x80000000, v6;
	v6 =	vshra.s32 v11, $0x1F;
	[tilespmem:v9+s18+$0x0] =	vst.idx.add.s32.msk $0xffff, v1  }
0xdc: {  	v13 =	vxor.u32 v13, v16;
	v14 =	vor.u32 $0x80000000, v6;
	v9 =	vxor.u32 v18, v17;
	[tilespmem:v3+s18+$0x0] =	vst.idx.add.s32.msk $0xffff, v1  }
0xdd: {  	s2 =	sadd.s32 $0x80, s2;
	v6 =	vshrl.u32 v13, $0x13;
	v11 =	vxor.u32 v11, v14;
	v14 =	vor.u32 $0x80000000, v15;
	v3 =	vmovc v19;
	[tilespmem:s0+$0xFFFFFFB0] =	vst v10;
	v10 =	vld [tilespmem:s0+$0xFFFFFFD0]  }
0xde: {  	_ = 	snop  }
0xdf: {  	[tilespmem:s0+$0xFFFFFF90] =	vst v13  }
0xe0: {  	[tilespmem:s0+$0xFFFFFFE0] =	vst v11  }
0xe1: {  	[tilespmem:s0+$0xFFFFFFF0] =	vst v9  }
0xe2: {  	v5 =	vxor.u32 v5, v12;
	v4 =	vxor.u32 v4, v8;
	v8 =	vshrl.u32 v9, $0x13;
	[tilespmem:v3+s18+$0x0] =	vst.idx.add.s32.msk $0xffff, v1  }
0xe3: {  	v7 =	vxor.u32 v7, v14;
	[tilespmem:s0+$0xFFFFFFC0] =	vst v5  }
0xe4: {  	v12 =	vshrl.u32 v7, $0x13;
	[tilespmem:s0+$0x0] =	vst v7  }
0xe5: {  	v7 =	vshrl.u32 v11, $0x13;
	[tilespmem:s0+$0xFFFFFFA0] =	vst v4;
	v13 =	vshra.s32 v10, $0x1F  }
0xe6: {  	v4 =	vshrl.u32 v4, $0x13;
	[tilespmem:v6+s18+$0x0] =	vst.idx.add.s32.msk $0xffff, v1;
	v11 =	vor.u32 $0x80000000, v13  }
0xe7: {  	v5 =	vshrl.u32 v5, $0x13;
	[tilespmem:v8+s18+$0x0] =	vst.idx.add.s32.msk $0xffff, v1;
	v9 =	vxor.u32 v10, v11  }
0xe8: {  	[tilespmem:s0+$0xFFFFFFD0] =	vst v9;
	v9 =	vshrl.u32 v9, $0x13  }
0xe9: {  	[tilespmem:v12+s18+$0x0] =	vst.idx.add.s32.msk $0xffff, v1  }
0xea: {  	[tilespmem:v7+s18+$0x0] =	vst.idx.add.s32.msk $0xffff, v1  }
0xeb: {  	[tilespmem:v4+s18+$0x0] =	vst.idx.add.s32.msk $0xffff, v1  }
0xec: {  	[tilespmem:v5+s18+$0x0] =	vst.idx.add.s32.msk $0xffff, v1  }
0xed: {  	s24 =	simm.s32 $0x10040;
	[tilespmem:v9+s18+$0x0] =	vst.idx.add.s32.msk $0xffff, v1  }
0xee: {  	v3 =	vld [tilespmem:s24+$0x30]  }
0xef: {  	v4 =	vld [tilespmem:s24+$0xFFFFFFD0]  }
0xf0: {  	v5 =	vld [tilespmem:s24+$0xFFFFFFE0]  }
0xf1: {  	v6 =	vld [tilespmem:s24+$0xFFFFFFF0]  }
0xf2: {  	v8 =	vld [tilespmem:s24+$0x0]  }
0xf3: {  	v10 =	vld [tilespmem:s24+$0x10];
	(xrf0) =	vadd.scan.msk.s32 $0xffff, v3  }
0xf4: {  	s1 =	simm.s32 $0x1;
	s2 =	simm.s32 $0x2;
	s30 =	simm.s32 $0x5;
	v11 =	vld [tilespmem:s24+$0x20];
	(xrf0) =	vadd.scan.msk.s32 $0xffff, v4  }
0xf5: {  	s26 =	simm.s32 $0x4;
	s29 =	simm.s32 $0x7;
	v14 =	vmov s30;
	v7 =	vmov s2;
	v13 =	vld [tilespmem:s24+$0xFFFFFFC0];
	v4 =	vmov s1;
	(xrf0) =	vadd.scan.msk.s32 $0xffff, v5  }
0xf6: {  	s25 =	simm.s32 $0x3;
	v12 =	vmov s26;
	v9 =	vmov s29;
	v4 =	vand.u32 $0xFFFFFFF9, v4;
	(xrf0) =	vadd.scan.msk.s32 $0xffff, v6  }
0xf7: {  	s28 =	simm.s32 $0x0;
	v5 =	vmov s25;
	v6 =	vand.u32 $0xFFFFFFFA, v7;
	v7 =	vbroadcast v4, $0x0;
	(xrf0) =	vadd.scan.msk.s32 $0xffff, v8  }
0xf8: {  	v3 =	vmov s28;
	v4 =	vand.u32 $0xFFFFFFFB, v5;
	v6 =	vbroadcast v6, $0x0;
	(xrf0) =	vadd.scan.msk.s32 $0xffff, v10  }
0xf9: {  	s31 =	simm.s32 $0x6;
	s2 =	simm.s32 $0x100C0;
	v5 =	vand.u32 $0xFFFFFFFC, v12;
	v12 =	vand.u32 $0xFFFFFFFD, v14;
	v4 =	vbroadcast v4, $0x0;
	(xrf0) =	vadd.scan.msk.s32 $0xffff, v11;
	v11, _, _ =	vpop (xrf0)  }
0xfa: {  	s3 =	simm.s32 $0x10;
	s1 =	simm.s32 $0x8;
	v8 =	vld [tilespmem:s2+$0x30];
	v5 =	vbroadcast v5, $0x0;
	v10 =	vmov s31;
	v11 =	vbroadcast v11, $0xF;
	(xrf0) =	vadd.scan.msk.s32 $0xffff, v13;
	v13, _, _ =	vpop (xrf0)  }
.LBB2_13:
0xfb: {  	p1 =	slt.u32 s3, $0x1F8;
	v14 =	vld [tilespmem:s2+$0xFFFFFFD0];
	v13 =	vbroadcast v13, $0xF;
	v12 =	vbroadcast v12, $0x0;
	v10 =	vand.u32 $0xFFFFFFFE, v10;
	v15, _, _ =	vpop (xrf0)  }
0xfc: {  	v3 =	vand.u32 $0xFFFFFFF8, v3;
	s0 =	simm.s32 $0x121F0;
	v16 =	vld [tilespmem:s2+$0xFFFFFFE0];
	v15 =	vbroadcast v15, $0xF;
	v10 =	vbroadcast v10, $0x0;
	[tilespmem:v9+s22+$0x0] =	vst.idx.msk $0x1, v11;
	v9, _, _ =	vpop (xrf0)  }
0xfd: {  	s4 =	sadd.s32 $0x1, s1;
	v17 =	vbroadcast v3, $0x0;
	v11 =	vld [tilespmem:s2+$0xFFFFFFF0];
	[tilespmem:v7+s22+$0x0] =	vst.idx.msk $0x1, v13;
	v20 =	vbroadcast v9, $0xF;
	v9, _, _ =	vpop (xrf0)  }
0xfe: {  	v3 =	vmov s1;
	v13 =	vmov s4;
	s4 =	sadd.s32 $0x2, s1;
	v18 =	vld [tilespmem:s2+$0x0];
	[tilespmem:v6+s22+$0x0] =	vst.idx.msk $0x1, v15;
	v21 =	vbroadcast v9, $0xF;
	v9, _, _ =	vpop (xrf0)  }
0xff: {  	v15 =	vmov s4;
	s4 =	sadd.s32 $0x3, s1;
	v19 =	vld [tilespmem:s2+$0x10];
	(xrf0) =	vadd.scan.msk.s32 $0xffff, v8;
	[tilespmem:v4+s22+$0x0] =	vst.idx.msk $0x1, v20;
	v4 =	vbroadcast v9, $0xF;
	v7, _, _ =	vpop (xrf0)  }
0x100: {  	v8 =	vmov s4;
	s4 =	sadd.s32 $0x4, s1;
	v20 =	vld [tilespmem:s2+$0x20];
	(xrf0) =	vadd.scan.msk.s32 $0xffff, v14;
	[tilespmem:v5+s22+$0x0] =	vst.idx.msk $0x1, v21;
	v5 =	vbroadcast v7, $0xF;
	v6, _, _ =	vpop (xrf0)  }
0x101: {  	v21 =	vmov s4;
	v14 =	vld [tilespmem:s2+$0xFFFFFFC0];
	(xrf0) =	vadd.scan.msk.s32 $0xffff, v16;
	v6 =	vbroadcast v6, $0xF;
	[tilespmem:v12+s22+$0x0] =	vst.idx.msk $0x1, v4  }
.Ltmp5:
0x102: {  	s4 =	sadd.s32 $0x7, s1;
	v4 =	vand.u32 $0xFFFFFFF9, v13;
	v12 =	vand.u32 $0xFFFFFFFA, v15;
	(xrf0) =	vadd.scan.msk.s32 $0xffff, v11;
	[tilespmem:v10+s22+$0x0] =	vst.idx.msk $0x1, v5;
	(pc) =	sbr.rel @p1 .LBB2_13-.Ltmp5, $4  }
0x103: {  	s5 =	sadd.s32 $0x5, s1;
	v9 =	vmov s4;
	v7 =	vbroadcast v4, $0x0;
	(xrf0) =	vadd.scan.msk.s32 $0xffff, v18;
	[tilespmem:v17+s22+$0x0] =	vst.idx.msk $0x1, v6  }
0x104: {  	s4 =	sadd.s32 $0x6, s1;
	s1 =	smov.u32 s3;
	v4 =	vand.u32 $0xFFFFFFFB, v8;
	v11 =	vmov s5;
	v6 =	vbroadcast v12, $0x0;
	(xrf0) =	vadd.scan.msk.s32 $0xffff, v19  }
0x105: {  	s2 =	sadd.s32 $0x80, s2;
	v5 =	vand.u32 $0xFFFFFFFC, v21;
	v10 =	vmov s4;
	v4 =	vbroadcast v4, $0x0;
	(xrf0) =	vadd.scan.msk.s32 $0xffff, v20;
	v13, _, _ =	vpop (xrf0)  }
0x106: {  	s3 =	sadd.s32 $0x8, s3;
	v5 =	vbroadcast v5, $0x0;
	v12 =	vand.u32 $0xFFFFFFFD, v11;
	v8 =	vld [tilespmem:s2+$0x30];
	v11 =	vbroadcast v13, $0xF;
	(xrf0) =	vadd.scan.msk.s32 $0xffff, v14;
	v13, _, _ =	vpop (xrf0)  }
0x107: {  	_ =	sdelay $0x2  }
0x108: {  	v14 =	vld [tilespmem:s2+$0xFFFFFFD0];
	v13 =	vbroadcast v13, $0xF;
	v15, _, _ =	vpop (xrf0);
	v12 =	vbroadcast v12, $0x0;
	v10 =	vand.u32 $0xFFFFFFFE, v10  }
0x109: {  	v16 =	vld [tilespmem:s2+$0xFFFFFFE0];
	v15 =	vbroadcast v15, $0xF;
	[tilespmem:v9+s22+$0x0] =	vst.idx.msk $0x1, v11;
	v9, _, _ =	vpop (xrf0);
	v10 =	vbroadcast v10, $0x0  }
0x10a: {  	v3 =	vand.u32 $0xFFFFFFF8, v3;
	v11 =	vld [tilespmem:s2+$0xFFFFFFF0];
	[tilespmem:v7+s22+$0x0] =	vst.idx.msk $0x1, v13;
	v7 =	vbroadcast v9, $0xF;
	v9, _, _ =	vpop (xrf0)  }
0x10b: {  	s3 =	sadd.s32 $0x1, s1;
	v57 =	vmov s1;
	v17 =	vld [tilespmem:s2+$0x0];
	v3 =	vbroadcast v3, $0x0;
	[tilespmem:v6+s22+$0x0] =	vst.idx.msk $0x1, v15;
	v6 =	vbroadcast v9, $0xF;
	v9, _, _ =	vpop (xrf0)  }
0x10c: {  	s4 =	sadd.s32 $0x2, s1;
	v19 =	vld [tilespmem:s2+$0x10];
	v58 =	vmov s3;
	(xrf0) =	vadd.scan.msk.s32 $0xffff, v8;
	[tilespmem:v4+s22+$0x0] =	vst.idx.msk $0x1, v7;
	v4, _, _ =	vpop (xrf0);
	v7 =	vbroadcast v9, $0xF  }
0x10d: {  	s13 =	sadd.s32 $0x4, s1;
	v18 =	vmov s4;
	v9 =	vld [tilespmem:s2+$0x20];
	(xrf0) =	vadd.scan.msk.s32 $0xffff, v14;
	[tilespmem:v5+s22+$0x0] =	vst.idx.msk $0x1, v6;
	v4 =	vbroadcast v4, $0xF  }
0x10e: {  	s12 =	sadd.s32 $0x3, s1;
	v59 =	vmov s13;
	v60 =	vand.u32 $0xFFFFFFFA, v18;
	v5, _, _ =	vpop (xrf0);
	v6 =	vld [tilespmem:s2+$0xFFFFFFC0];
	(xrf0) =	vadd.scan.msk.s32 $0xffff, v16;
	[tilespmem:v12+s22+$0x0] =	vst.idx.msk $0x1, v7  }
0x10f: {  	s14 =	sadd.s32 $0x7, s1;
	s15 =	sadd.s32 $0x5, s1;
	v8 =	vmov s12;
	v7 =	vand.u32 $0xFFFFFFF9, v58;
	(xrf0) =	vadd.scan.msk.s32 $0xffff, v11;
	[tilespmem:v10+s22+$0x0] =	vst.idx.msk $0x1, v4  }
0x110: {  	v4 =	vbroadcast v7, $0x0;
	v7 =	vmov s14;
	v11 =	vmov s15;
	(xrf0) =	vadd.scan.msk.s32 $0xffff, v17  }
0x111: {  	v8 =	vand.u32 $0xFFFFFFFB, v8;
	v10 =	vbroadcast v60, $0x0;
	v11 =	vand.u32 $0xFFFFFFFD, v11;
	(xrf0) =	vadd.scan.msk.s32 $0xffff, v19  }
0x112: {  	s16 =	sadd.s32 $0x6, s1;
	v61 =	vand.u32 $0xFFFFFFFC, v59;
	v5 =	vbroadcast v5, $0xF;
	v8 =	vbroadcast v8, $0x0;
	(xrf0) =	vadd.scan.msk.s32 $0xffff, v9;
	v9, _, _ =	vpop (xrf0)  }
0x113: {  	v62 =	vmov s16;
	v12 =	vbroadcast v61, $0x0;
	v9 =	vbroadcast v9, $0xF;
	(xrf0) =	vadd.scan.msk.s32 $0xffff, v6;
	v6, _, _ =	vpop (xrf0)  }
0x114: {  	[tilespmem:v3+s22+$0x0] =	vst.idx.msk $0x1, v5;
	v5 =	vbroadcast v11, $0x0;
	v3 =	vbroadcast v6, $0xF;
	v6 =	vand.u32 $0xFFFFFFFE, v62;
	v11, _, _ =	vpop (xrf0)  }
0x115: {  	v13 =	vand.u32 $0xFFFFFFF8, v57;
	v11 =	vbroadcast v11, $0xF;
	v6 =	vbroadcast v6, $0x0;
	[tilespmem:v7+s22+$0x0] =	vst.idx.msk $0x1, v9;
	v7, _, _ =	vpop (xrf0)  }
0x116: {  	v9 =	vbroadcast v13, $0x0;
	[tilespmem:v4+s22+$0x0] =	vst.idx.msk $0x1, v3;
	v3 =	vbroadcast v7, $0xF;
	v4, _, _ =	vpop (xrf0)  }
0x117: {  	[tilespmem:v10+s22+$0x0] =	vst.idx.msk $0x1, v11;
	v4 =	vbroadcast v4, $0xF;
	v7, _, _ =	vpop (xrf0)  }
0x118: {  	[tilespmem:v8+s22+$0x0] =	vst.idx.msk $0x1, v3;
	v3 =	vbroadcast v7, $0xF;
	v7, _, _ =	vpop (xrf0)  }
0x119: {  	[tilespmem:v12+s22+$0x0] =	vst.idx.msk $0x1, v4;
	v4 =	vbroadcast v7, $0xF;
	v7, _, _ =	vpop (xrf0)  }
0x11a: {  	v7 =	vbroadcast v7, $0xF;
	[tilespmem:v5+s22+$0x0] =	vst.idx.msk $0x1, v3  }
0x11b: {  	[tilespmem:v6+s22+$0x0] =	vst.idx.msk $0x1, v4  }
0x11c: {  	[tilespmem:v9+s22+$0x0] =	vst.idx.msk $0x1, v7  }
0x11d: {  	v4 =	vld [tilespmem:s0+$0x0];
	_ =	sdelay $0x4  }
0x11e: {  	(xrf0) =	vadd.scan.msk.s32 $0xffff, v4;
	_ =	sdelay $0x5  }
0x11f: {  	v3 =	vmul.u32 $0xFFFFFFFF, v2;
	v6, _, _ =	vpop (xrf0)  }
0x120: {  	s17 =	simm.s32 $0x121E0;
	(v2sf) =	vpush v6, $0xF  }
0x121: {  	v3 =	vadd.s32 $0xF, v3;
	v5 =	vld [tilespmem:s17+$0x0]  }
0x122: {  	v4 =	vperm.xlane v4, v3;
	_ =	sdelay $0x1  }
0x123: {  	(xrf0) =	vadd.scan.msk.s32 $0xffff, v4;
	_ =	sdelay $0x1  }
0x124: {  	(xrf0) =	vadd.scan.msk.s32 $0xffff, v5;
	_ =	sdelay $0x1  }
0x125: {  	v5 =	vperm.xlane v5, v3  }
0x126: {  	s19 =	simm.s32 $0x121D0  }
0x127: {  	v7 =	vld [tilespmem:s19+$0x0];
	(xrf0) =	vadd.scan.msk.s32 $0xffff, v5;
	v6, _, _ =	vpop (xrf0)  }
0x128: {  	v8 =	vadd.s32 s28, v6  }
0x129: {  	v9, _, _ =	vpop (xrf0);
	vm4 =	vlt.s32 v8, $0x1999  }
0x12a: {  	(v2sf) =	vpush v9, $0xF;
	v8 =	vsel vm4, $0x1, v0  }
0x12b: {  	(xrf0) =	vadd.scan.msk.s32 $0xffff, v8  }
0x12c: {  	(xrf0) =	vadd.scan.msk.s32 $0xffff, v7;
	s20 =	spop (v2sf)  }
0x12d: {  	v8, _, _ =	vpop (xrf0);
	s25 =	sadd.s32 $0x0, s20  }
0x12e: {  	v9 =	vperm.xlane v7, v3;
	v7 =	vadd.s32 s25, v8;
	_ =	sdelay $0x2  }
0x12f: {  	vm4 =	vlt.s32 v7, $0x1999;
	v7, _, _ =	vpop (xrf0)  }
0x130: {  	(v2sf) =	vpush v7, $0xF;
	v11, _, _ =	vpop (xrf0)  }
0x131: {  	v10 =	vsel vm4, $0x1, v0;
	(xrf0) =	vadd.scan.msk.s32 $0xffff, v9;
	(v2sf) =	vpush v11, $0xF  }
0x132: {  	s21 =	simm.s32 $0x121C0;
	(xrf0) =	vadd.scan.msk.s32 $0xffff, v10  }
0x133: {  	v10 =	vld [tilespmem:s21+$0x0];
	v7 =	vbroadcast v7, $0xF;
	_ =	sdelay $0x1  }
0x134: {  	vm4 =	veq.s32 v7, v2  }
0x135: {  	v6 =	vnsel vm4, $0x0, v6  }
0x136: {  	s23 =	spop (v2sf);
	(xrf0) =	vadd.scan.msk.s32 $0xffff, v6;
	v7, _, _ =	vpop (xrf0)  }
0x137: {  	s10 =	sadd.s32 s25, s23;
	v6 =	vnsel vm4, $0x0, v4;
	(xrf0) =	vadd.scan.msk.s32 $0xffff, v10;
	v11, _, _ =	vpop (xrf0)  }
0x138: {  	s24 =	simm.s32 $0x121B0;
	v4 =	vperm.xlane v10, v3;
	v10 =	vadd.s32 s10, v7;
	(xrf0) =	vadd.scan.msk.s32 $0xffff, v6;
	v6 =	vbroadcast v11, $0xF  }
0x139: {  	v12 =	vld [tilespmem:s24+$0x0];
	vm4 =	vlt.s32 v10, $0x1999  }
0x13a: {  	(xrf0) =	vadd.scan.msk.s32 $0xffff, v4;
	v10 =	vsel vm4, $0x1, v0;
	vm4 =	veq.s32 v6, v2  }
0x13b: {  	(v2sf) =	vpush v11, $0xF;
	v6 =	vnsel vm4, $0x0, v8  }
0x13c: {  	(xrf0) =	vadd.scan.msk.s32 $0xffff, v10  }
0x13d: {  	v8, _, _ =	vpop (xrf0);
	(xrf0) =	vadd.scan.msk.s32 $0xffff, v6  }
0x13e: {  	v5 =	vnsel vm4, $0x0, v5;
	(v2sf) =	vpush v8, $0xF;
	v6, _, _ =	vpop (xrf0);
	(xrf0) =	vadd.scan.msk.s32 $0xffff, v12;
	s26 =	spop (v2sf)  }
0x13f: {  	v8, _, _ =	vpop (xrf0);
	(xrf0) =	vadd.scan.msk.s32 $0xffff, v5;
	(v2sf) =	vpush v6, $0xF;
	s29 =	spop (v2sf)  }
0x140: {  	v6, _, _ =	vpop (xrf0);
	(v2sf) =	vpush v8, $0xF;
	s5 =	sadd.s32 s10, s29  }
0x141: {  	v10 =	vadd.s32 s5, v6  }
0x142: {  	v8, _, _ =	vpop (xrf0)  }
0x143: {  	v11 =	vbroadcast v8, $0xF;
	(v2sf) =	vpush v8, $0xF;
	v8, _, _ =	vpop (xrf0)  }
0x144: {  	s1 =	simm.s32 $0x1DF;
	s31 =	simm.s32 $0x1AF;
	(v2sf) =	vpush v8, $0xF;
	vm4 =	vlt.s32 v10, $0x1999;
	v10, _, _ =	vpop (xrf0)  }
0x145: {  	p2 =	por $0x1, $0x1;
	s30 =	simm.s32 $0x0;
	s6 =	simm.s32 $0x121A0;
	v5 =	vperm.xlane v12, v3;
	(v2sf) =	vpush v10, $0xF;
	v10, _, _ =	vpop (xrf0)  }
0x146: {  	s8 =	simm.s32 $0x18F;
	s4 =	simm.s32 $0x1EF;
	p1 =	slt.s32 s26, $0x10;
	v63 =	vsel vm4, $0x1, v0;
	vm4 =	veq.s32 v11, v2;
	(v2sf) =	vpush v10, $0xF  }
0x147: {  	s2 =	simm.s32 $0x19F;
	s15 =	simm.s32 $0x1CF;
	p1 =	por !p2, !p1;
	v11 =	vnsel vm4, $0x0, v7;
	v7 =	vld [tilespmem:s6+$0x0]  }
0x148: {  	s14 =	simm.s32 $0x1BF;
	s0 =	simm.s32 $0x0;
	(xrf0) =	vadd.scan.msk.s32 $0xffff, v5;
	p1 =	por !p1, !p1  }
0x149: {  	s23 =	simm.s32 $0x0;
	s3 =	ssub.s32 $0x1FF, s26;
	s30 =	simm.s32 @p1 $0x1;
	(xrf0) =	vadd.scan.msk.s32 $0xffff, v63  }
0x14a: {  	s0 =	smov.u32 @p1 s3;
	s3 =	smov.u32 s5;
	v8 =	vnsel vm4, $0x0, v9;
	(xrf0) =	vadd.scan.msk.s32 $0xffff, v11;
	s7 =	spop (v2sf)  }
.LBB2_15:
0x14b: {  	p2 =	sne.s32 s8, $0xF  }
0x14c: {  	(xrf0) =	vadd.scan.msk.s32 $0xffff, v7;
	p4 =	slt.s32 s7, $0x10;
	p5 =	seq.s32 s30, $0x0;
	p3 =	por p1, p1  }
0x14d: {  	s4 =	ssub.s32 s4, s7;
	(xrf0) =	vadd.scan.msk.s32 $0xffff, v8;
	p1 =	por !p5, !p4;
	s7 =	spop (v2sf)  }
0x14e: {  	v9, _, _ =	vpop (xrf0);
	s9 =	spop (v2sf);
	p1 =	por !p1, !p1;
	s7 =	sadd.s32 s7, s23  }
0x14f: {  	s5 =	sadd.s32 s5, s9;
	v8, _, _ =	vpop (xrf0);
	s30 =	simm.s32 @p1 $0x1;
	s9 =	spop (v2sf)  }
0x150: {  	v10 =	vperm.xlane v7, v3;
	s6 =	sadd.s32 $0xFFFFFFF0, s6;
	s0 =	smov.u32 @p1 s4;
	v13 =	vadd.s32 s5, v9;
	(v2sf) =	vpush v8, $0xF;
	s4 =	ssub.s32 s9, s7  }
.Ltmp6:
0x151: {  	s23 =	smov.u32 s25;
	v8 =	vbroadcast v8, $0xF;
	v7 =	vld [tilespmem:s6+$0x0];
	vm4 =	vlt.s32 v13, $0x1999;
	v11, _, _ =	vpop (xrf0);
	s4 =	sadd.s32 $0x1999, s4;
	(pc) =	sbr.rel @p2 .LBB2_15-.Ltmp6, $4  }
0x152: {  	s25 =	smov.u32 s10;
	s10 =	smov.u32 s3;
	(xrf0) =	vadd.scan.msk.s32 $0xffff, v10;
	v12, _, _ =	vpop (xrf0);
	v13 =	vsel vm4, $0x1, v0;
	(v2sf) =	vpush v11, $0xF;
	s28 =	smov.u32 @p3 s4  }
0x153: {  	s3 =	smov.u32 s5;
	vm4 =	veq.s32 v8, v2;
	s4 =	smov.u32 s1;
	s1 =	smov.u32 s15;
	(v2sf) =	vpush v12, $0xF;
	(xrf0) =	vadd.scan.msk.s32 $0xffff, v13;
	v11, _, _ =	vpop (xrf0)  }
0x154: {  	s15 =	smov.u32 s14;
	s14 =	smov.u32 s31;
	s31 =	smov.u32 s2;
	v12 =	vnsel vm4, $0x0, v6;
	v8 =	vnsel vm4, $0x0, v4;
	v6 =	vmovc v9;
	v4 =	vmovc v5;
	(v2sf) =	vpush v11, $0xF  }
0x155: {  	s2 =	smov.u32 s8;
	s8 =	sadd.s32 $0xFFFFFFF0, s8;
	v5 =	vmov v10;
	(xrf0) =	vadd.scan.msk.s32 $0xffff, v12;
	s7 =	spop (v2sf)  }
0x156: {  	(xrf0) =	vadd.scan.msk.s32 $0xffff, v7;
	_ =	sdelay $0x2  }
0x157: {  	v9, _, _ =	vpop (xrf0)  }
0x158: {  	v10, _, _ =	vpop (xrf0)  }
0x159: {  	(v2sf) =	vpush v10, $0xF;
	v11, _, _ =	vpop (xrf0)  }
0x15a: {  	v12, _, _ =	vpop (xrf0);
	(v2sf) =	vpush v11, $0xF  }
0x15b: {  	s11 =	spop (v2sf);
	(v2sf) =	vpush v12, $0xF  }
0x15c: {  	s8 =	spop (v2sf)  }
0x15d: {  	s13 =	sadd.s32 $0xFFFFFFF0, s6;
	s8 =	sadd.s32 s5, s8  }
0x15e: {  	v7 =	vperm.xlane v7, v3;
	v48 =	vld [tilespmem:s13+$0x0];
	v10 =	vbroadcast v10, $0xF;
	v11 =	vadd.s32 s8, v9  }
0x15f: {  	(xrf0) =	vadd.scan.msk.s32 $0xffff, v8;
	vm4 =	vlt.s32 v11, $0x1999  }
0x160: {  	(xrf0) =	vadd.scan.msk.s32 $0xffff, v7;
	v8 =	vsel vm4, $0x1, v0;
	vm4 =	veq.s32 v10, v2  }
0x161: {  	(xrf0) =	vadd.scan.msk.s32 $0xffff, v8;
	v6 =	vnsel vm4, $0x0, v6  }
0x162: {  	v4 =	vnsel vm4, $0x0, v4;
	(xrf0) =	vadd.scan.msk.s32 $0xffff, v6  }
0x163: {  	s13 =	spop (v2sf);
	v6 =	vperm.xlane v48, v3;
	(xrf0) =	vadd.scan.msk.s32 $0xffff, v48  }
0x164: {  	s12 =	spop (v2sf);
	(xrf0) =	vadd.scan.msk.s32 $0xffff, v4  }
0x165: {  	s17 =	spop (v2sf);
	v4, _, _ =	vpop (xrf0);
	(xrf0) =	vadd.scan.msk.s32 $0xffff, v6  }
0x166: {  	s16 =	spop (v2sf);
	v8, _, _ =	vpop (xrf0)  }
0x167: {  	s19 =	spop (v2sf);
	v10, _, _ =	vpop (xrf0)  }
0x168: {  	s6 =	sadd.s32 s8, s16;
	v11, _, _ =	vpop (xrf0);
	s9 =	spop (v2sf)  }
0x169: {  	v49 =	vadd.s32 s6, v8;
	v13 =	vbroadcast v10, $0xF;
	v14, _, _ =	vpop (xrf0);
	s20 =	spop (v2sf)  }
0x16a: {  	vm4 =	vlt.s32 v49, $0x1999;
	v50, _, _ =	vpop (xrf0);
	s21 =	spop (v2sf)  }
0x16b: {  	v15 =	vsel vm4, $0x1, v0;
	vm4 =	veq.s32 v13, v2;
	v51, _, _ =	vpop (xrf0);
	s16 =	sadd.s32 s6, s21  }
0x16c: {  	(xrf0) =	vadd.scan.msk.s32 $0xffff, v15;
	v9 =	vnsel vm4, $0x0, v9;
	v52 =	vadd.s32 s16, v51  }
0x16d: {  	v5 =	vnsel vm4, $0x0, v5;
	(xrf0) =	vadd.scan.msk.s32 $0xffff, v9;
	vm4 =	vlt.s32 v52, $0x1999  }
0x16e: {  	(xrf0) =	vadd.scan.msk.s32 $0xffff, v5;
	v5 =	vsel vm4, $0x1, v0  }
0x16f: {  	(xrf0) =	vadd.scan.msk.s32 $0xffff, v5;
	_ =	sdelay $0x2  }
0x170: {  	v5, _, _ =	vpop (xrf0)  }
0x171: {  	(v2sf) =	vpush v4, $0xF;
	v4, _, _ =	vpop (xrf0)  }
0x172: {  	(v2sf) =	vpush v10, $0xF;
	v9 =	vbroadcast v5, $0xF;
	v10, _, _ =	vpop (xrf0)  }
0x173: {  	(v2sf) =	vpush v11, $0xF;
	v11, _, _ =	vpop (xrf0)  }
0x174: {  	s24 =	simm.s32 $0x12000;
	(v2sf) =	vpush v14, $0xF;
	vm4 =	veq.s32 v9, v2;
	v9 =	vbroadcast v11, $0xF  }
0x175: {  	(v2sf) =	vpush v50, $0xF;
	v53 =	vnsel vm4, $0x0, v8;
	v8 =	vld [tilespmem:s24+$0x0]  }
0x176: {  	(v2sf) =	vpush v5, $0xF;
	v5 =	vnsel vm4, $0x0, v7;
	(xrf0) =	vadd.scan.msk.s32 $0xffff, v53;
	vm4 =	veq.s32 v9, v2  }
0x177: {  	(xrf0) =	vadd.scan.msk.s32 $0xffff, v5;
	v5 =	vnsel vm4, $0x0, v51  }
0x178: {  	v6 =	vnsel vm4, $0x0, v6;
	(xrf0) =	vadd.scan.msk.s32 $0xffff, v5  }
0x179: {  	(xrf0) =	vadd.scan.msk.s32 $0xffff, v6  }
0x17a: {  	(v2sf) =	vpush v4, $0xF;
	(xrf0) =	vadd.scan.msk.s32 $0xffff, v8  }
0x17b: {  	(v2sf) =	vpush v10, $0xF  }
0x17c: {  	(v2sf) =	vpush v11, $0xF;
	v4, _, _ =	vpop (xrf0)  }
0x17d: {  	(v2sf) =	vpush v4, $0xF;
	v4, _, _ =	vpop (xrf0)  }
0x17e: {  	s26 =	simm.s32 $0x12010;
	(v2sf) =	vpush v4, $0xF;
	v5, _, _ =	vpop (xrf0)  }
0x17f: {  	v4 =	vld [tilespmem:s26+$0x0];
	(v2sf) =	vpush v5, $0xF;
	v5, _, _ =	vpop (xrf0)  }
0x180: {  	s5 =	spop (v2sf);
	(v2sf) =	vpush v5, $0xF;
	v7, _, _ =	vpop (xrf0)  }
0x181: {  	s24 =	spop (v2sf);
	(v2sf) =	vpush v7, $0xF  }
0x182: {  	p2 =	slt.s32 s7, $0x10;
	p3 =	seq.s32 s30, $0x0  }
0x183: {  	s4 =	ssub.s32 s4, s7;
	p1 =	por p1, p1;
	p2 =	por !p3, !p2  }
0x184: {  	s29 =	simm.s32 $0x0;
	s11 =	sadd.s32 s11, s23;
	p2 =	por !p2, !p2;
	(xrf0) =	vadd.scan.msk.s32 $0xffff, v4  }
0x185: {  	s23 =	simm.s32 $0x12020;
	s30 =	simm.s32 @p2 $0x1;
	s26 =	spop (v2sf)  }
0x186: {  	s0 =	smov.u32 @p2 s4;
	[dreg:$0xf] =	wrdreg s20;
	s20 =	spop (v2sf)  }
0x187: {  	s13 =	ssub.s32 s13, s11;
	p2 =	por p2, p2;
	s21 =	spop (v2sf)  }
0x188: {  	s4 =	sadd.s32 $0x1999, s13;
	p4 =	seq.s32 s30, $0x0;
	s20 =	spop (v2sf)  }
0x189: {  	s28 =	smov.u32 @p1 s4;
	p5 =	slt.s32 s12, $0x10;
	v9 =	vld [tilespmem:s23+$0x0];
	s13 =	spop (v2sf)  }
0x18a: {  	p6 =	por !p4, !p5;
	s11 =	sadd.s32 s17, s25;
	s17 =	spop (v2sf);
	v10, _, _ =	vpop (xrf0)  }
0x18b: {  	s4 =	ssub.s32 s1, s12;
	p1 =	por !p6, !p6;
	s1 =	spop (v2sf);
	(v2sf) =	vpush v10, $0xF  }
0x18c: {  	s30 =	simm.s32 @p1 $0x1;
	s12 =	ssub.s32 s19, s11;
	v5 =	vadd.s32 s29, v7;
	s11 =	spop (v2sf)  }
0x18d: {  	s0 =	smov.u32 @p1 s4;
	s4 =	sadd.s32 $0x1999, s12;
	vm4 =	vlt.s32 v5, $0x1999;
	s12 =	spop (v2sf)  }
0x18e: {  	s19 =	simm.s32 $0x12030;
	s28 =	smov.u32 @p2 s4;
	(xrf0) =	vadd.scan.msk.s32 $0xffff, v9;
	v5 =	vsel vm4, $0x1, v0;
	s4 =	spop (v2sf)  }
0x18f: {  	p4 =	seq.s32 s30, $0x0;
	(xrf0) =	vadd.scan.msk.s32 $0xffff, v5;
	v5 =	vld [tilespmem:s19+$0x0];
	s7 =	spop (v2sf)  }
0x190: {  	p3 =	slt.s32 s9, $0x10;
	s23 =	rddreg [dreg:$0xf];
	s25 =	spop (v2sf)  }
0x191: {  	s9 =	ssub.s32 s15, s9;
	s15 =	sadd.s32 s23, s10;
	s10 =	sadd.s32 $0x0, s25  }
0x192: {  	p2 =	por !p4, !p3;
	v6 =	vadd.s32 s10, v10  }
0x193: {  	p2 =	por !p2, !p2;
	vm4 =	vlt.s32 v6, $0x1999  }
0x194: {  	s30 =	simm.s32 @p2 $0x1;
	(xrf0) =	vadd.scan.msk.s32 $0xffff, v5;
	v6 =	vsel vm4, $0x1, v0  }
0x195: {  	p6 =	seq.s32 s30, $0x0;
	p5 =	slt.s32 s24, $0x10;
	v11, _, _ =	vpop (xrf0);
	(xrf0) =	vadd.scan.msk.s32 $0xffff, v6  }
0x196: {  	p4 =	por p1, p1;
	p3 =	por !p6, !p5;
	v54, _, _ =	vpop (xrf0)  }
0x197: {  	s0 =	smov.u32 @p2 s9;
	s9 =	ssub.s32 s14, s24;
	p1 =	por !p3, !p3;
	(v2sf) =	vpush v11, $0xF;
	v12 =	vbroadcast v54, $0xF  }
0x198: {  	p2 =	por p2, p2;
	s0 =	smov.u32 @p1 s9;
	s19 =	simm.s32 $0x12040;
	(v2sf) =	vpush v54, $0xF  }
0x199: {  	s30 =	simm.s32 @p1 $0x1;
	s5 =	ssub.s32 s5, s15;
	s3 =	sadd.s32 s26, s3;
	vm4 =	veq.s32 v12, v2;
	v6 =	vld [tilespmem:s19+$0x0]  }
0x19a: {  	p5 =	seq.s32 s30, $0x0;
	s3 =	ssub.s32 s21, s3;
	v12 =	vnsel vm4, $0x0, v7;
	v7, _, _ =	vpop (xrf0);
	s21 =	spop (v2sf)  }
0x19b: {  	s15 =	simm.s32 $0x60;
	s5 =	sadd.s32 $0x1999, s5;
	v8 =	vnsel vm4, $0x0, v8;
	(xrf0) =	vadd.scan.msk.s32 $0xffff, v12;
	s14 =	sadd.s32 s10, s21;
	v56, _, _ =	vpop (xrf0)  }
0x19c: {  	s28 =	smov.u32 @p4 s5;
	s3 =	sadd.s32 $0x1999, s3;
	p4 =	slt.s32 s20, $0x10;
	(xrf0) =	vadd.scan.msk.s32 $0xffff, v8;
	v55 =	vadd.s32 s14, v11;
	v8 =	vbroadcast v56, $0xF  }
0x19d: {  	s5 =	ssub.s32 s31, s20;
	s28 =	smov.u32 @p2 s3;
	p2 =	por p1, p1;
	vm4 =	vlt.s32 v55, $0x1999  }
0x19e: {  	p6 =	por !p5, !p4;
	s20 =	sadd.s32 s13, s8;
	s8 =	simm.s32 $0x70;
	(xrf0) =	vadd.scan.msk.s32 $0xffff, v6;
	v12 =	vsel vm4, $0x1, v0;
	vm4 =	veq.s32 v8, v2  }
0x19f: {  	p1 =	por !p6, !p6;
	s3 =	ssub.s32 s17, s20;
	p6 =	por $0x1, $0x1;
	(xrf0) =	vadd.scan.msk.s32 $0xffff, v12;
	v8 =	vnsel vm4, $0x0, v10  }
0x1a0: {  	s30 =	simm.s32 @p1 $0x1;
	s0 =	smov.u32 @p1 s5;
	s3 =	sadd.s32 $0x1999, s3;
	v4 =	vnsel vm4, $0x0, v4;
	(xrf0) =	vadd.scan.msk.s32 $0xffff, v8  }
0x1a1: {  	p1 =	por p1, p1;
	p3 =	slt.s32 s1, $0x10;
	p4 =	seq.s32 s30, $0x0;
	(v2sf) =	vpush v7, $0xF;
	v10, _, _ =	vpop (xrf0);
	(xrf0) =	vadd.scan.msk.s32 $0xffff, v4  }
0x1a2: {  	s5 =	simm.s32 $0x30;
	s28 =	smov.u32 @p2 s3;
	p2 =	por !p4, !p3;
	(v2sf) =	vpush v56, $0xF  }
0x1a3: {  	s1 =	ssub.s32 s2, s1;
	s2 =	simm.s32 $0x0;
	p2 =	por !p2, !p2;
	(v2sf) =	vpush v10, $0xF;
	v4, _, _ =	vpop (xrf0)  }
0x1a4: {  	s0 =	smov.u32 @p2 s1;
	s23 =	sadd.s32 s11, s6;
	s25 =	sadd.s32 s4, s16;
	v10, _, _ =	vpop (xrf0);
	(v2sf) =	vpush v4, $0xF  }
0x1a5: {  	s24 =	ssub.s32 s12, s23;
	s26 =	ssub.s32 s7, s25;
	s7 =	simm.s32 $0x12050;
	v58, _, _ =	vpop (xrf0);
	(v2sf) =	vpush v10, $0xF  }
0x1a6: {  	s0 =	sshll.u32 s0, $0x4;
	s1 =	sadd.s32 $0x1999, s24;
	s30 =	spop (v2sf);
	v8 =	vld [tilespmem:s7+$0x0];
	(v2sf) =	vpush v58, $0xF;
	v61, _, _ =	vpop (xrf0)  }
0x1a7: {  	v57 =	vld [tilespmem:s0+$0x10000];
	s28 =	smov.u32 @p1 s1;
	p1 =	por p2, p2;
	s31 =	spop (v2sf);
	(v2sf) =	vpush v61, $0xF;
	v63, _, _ =	vpop (xrf0)  }
0x1a8: {  	s1 =	sadd.s32 $0x1999, s26;
	s4 =	sadd.s32 s14, s30;
	p5 =	slt.s32 s31, $0x10;
	(v2sf) =	vpush v63, $0xF  }
0x1a9: {  	s6 =	simm.s32 $0x10;
	s28 =	smov.u32 @p1 s1;
	v59 =	vadd.s32 s4, v7;
	p1 =	por !p6, !p5;
	v60 =	vbroadcast v58, $0xF  }
0x1aa: {  	s23 =	simm.s32 $0x20;
	s3 =	sadd.s32 $0x0, s31;
	p1 =	por !p1, !p1;
	vm4 =	vlt.s32 v59, $0x1999  }
0x1ab: {  	s16 =	simm.s32 $0x40;
	s2 =	smov.u32 @p1 s3;
	s3 =	simm.s32 $0x0;
	v62 =	vsel vm4, $0x1, v0;
	(xrf0) =	vadd.scan.msk.s32 $0xffff, v8;
	vm4 =	veq.s32 v60, v2  }
0x1ac: {  	s25 =	simm.s32 $0x0;
	s1 =	simm.s32 $0x50;
	s3 =	simm.s32 @p1 $0x1;
	v4 =	vperm.xlane v57, v3;
	(xrf0) =	vadd.scan.msk.s32 $0xffff, v62;
	v11 =	vnsel vm4, $0x0, v11;
	v9 =	vnsel vm4, $0x0, v9  }
.LBB2_17:
0x1ad: {  	p2 =	sne.s32 s8, $0x1F0;
	s7 =	sadd.s32 $0x10, s7  }
0x1ae: {  	s9 =	smov.u32 s4;
	s11 =	smov.u32 s6;
	s6 =	smov.u32 s23  }
0x1af: {  	(xrf0) =	vadd.scan.msk.s32 $0xffff, v11;
	v12 =	vmov v8;
	v11 =	vmov v7;
	v7 =	vmov v10;
	s23 =	smov.u32 s5;
	p3 =	por p1, p1;
	s5 =	smov.u32 s16  }
0x1b0: {  	s16 =	smov.u32 s1;
	s1 =	smov.u32 s15;
	v8 =	vld [tilespmem:s7+$0x0];
	s12 =	spop (v2sf);
	(xrf0) =	vadd.scan.msk.s32 $0xffff, v9  }
0x1b1: {  	s15 =	smov.u32 s8;
	p4 =	seq.s32 s3, $0x0;
	s13 =	spop (v2sf)  }
0x1b2: {  	s4 =	sadd.s32 s4, s12;
	v10, _, _ =	vpop (xrf0);
	p1 =	slt.s32 s13, $0x10;
	s11 =	sadd.s32 s11, s13  }
.Ltmp7:
0x1b3: {  	v9 =	vadd.s32 s4, v7;
	(v2sf) =	vpush v10, $0xF;
	v13, _, _ =	vpop (xrf0);
	p1 =	por !p4, !p1;
	s12 =	spop (v2sf);
	(pc) =	sbr.rel @p2 .LBB2_17-.Ltmp7, $4  }
0x1b4: {  	vm4 =	vlt.s32 v9, $0x1999;
	v9 =	vbroadcast v13, $0xF;
	(v2sf) =	vpush v13, $0xF;
	p1 =	por !p1, !p1;
	s12 =	sadd.s32 s12, s25;
	s13 =	spop (v2sf)  }
0x1b5: {  	v15 =	vsel vm4, $0x1, v0;
	(xrf0) =	vadd.scan.msk.s32 $0xffff, v8;
	v14, _, _ =	vpop (xrf0);
	s2 =	smov.u32 @p1 s11;
	s3 =	simm.s32 @p1 $0x1;
	s11 =	ssub.s32 s13, s12  }
0x1b6: {  	s25 =	smov.u32 s10;
	s10 =	smov.u32 s14;
	(xrf0) =	vadd.scan.msk.s32 $0xffff, v15;
	vm4 =	veq.s32 v9, v2;
	(v2sf) =	vpush v14, $0xF;
	v13, _, _ =	vpop (xrf0);
	s11 =	sadd.s32 $0x1999, s11  }
0x1b7: {  	s8 =	sadd.s32 $0x10, s8;
	s14 =	smov.u32 s9;
	v11 =	vnsel vm4, $0x0, v11;
	v9 =	vnsel vm4, $0x0, v5;
	(v2sf) =	vpush v13, $0xF;
	s29 =	smov.u32 @p3 s11;
	v5 =	vmovc v6;
	v6 =	vmovc v12  }
0x1b8: {  	_ =	sdelay $0x2  }
0x1b9: {  	v12, _, _ =	vpop (xrf0)  }
0x1ba: {  	(v2sf) =	vpush v12, $0xF  }
0x1bb: {  	s7 =	sadd.s32 $0x10, s7  }
0x1bc: {  	v13 =	vld [tilespmem:s7+$0x0]  }
0x1bd: {  	s20 =	spop (v2sf)  }
0x1be: {  	s7 =	sadd.s32 s4, s20  }
0x1bf: {  	(xrf0) =	vadd.scan.msk.s32 $0xffff, v11;
	v55 =	vadd.s32 s7, v10  }
0x1c0: {  	(xrf0) =	vadd.scan.msk.s32 $0xffff, v9;
	vm4 =	vlt.s32 v55, $0x1999  }
0x1c1: {  	v56 =	vsel vm4, $0x1, v0;
	(xrf0) =	vadd.scan.msk.s32 $0xffff, v13  }
0x1c2: {  	s13 =	spop (v2sf);
	(xrf0) =	vadd.scan.msk.s32 $0xffff, v56  }
0x1c3: {  	s17 =	spop (v2sf)  }
0x1c4: {  	s12 =	spop (v2sf);
	v57, _, _ =	vpop (xrf0)  }
0x1c5: {  	v58, _, _ =	vpop (xrf0);
	s8 =	spop (v2sf)  }
0x1c6: {  	v14 =	vbroadcast v57, $0xF;
	v15, _, _ =	vpop (xrf0);
	s19 =	spop (v2sf)  }
0x1c7: {  	v16, _, _ =	vpop (xrf0);
	s11 =	spop (v2sf)  }
0x1c8: {  	vm4 =	veq.s32 v14, v2;
	s8 =	sadd.s32 s7, s8;
	v59, _, _ =	vpop (xrf0);
	s9 =	spop (v2sf)  }
0x1c9: {  	v7 =	vnsel vm4, $0x0, v7;
	v17 =	vadd.s32 s8, v12;
	v18 =	vbroadcast v59, $0xF;
	s20 =	spop (v2sf)  }
0x1ca: {  	v5 =	vnsel vm4, $0x0, v5;
	(xrf0) =	vadd.scan.msk.s32 $0xffff, v7;
	vm4 =	vlt.s32 v17, $0x1999;
	s30 =	sadd.s32 s8, s20  }
0x1cb: {  	(xrf0) =	vadd.scan.msk.s32 $0xffff, v5;
	v5 =	vsel vm4, $0x1, v0;
	vm4 =	veq.s32 v18, v2;
	v7 =	vadd.s32 s30, v16  }
0x1cc: {  	(xrf0) =	vadd.scan.msk.s32 $0xffff, v5;
	v5 =	vnsel vm4, $0x0, v10;
	v6 =	vnsel vm4, $0x0, v6;
	vm4 =	vlt.s32 v7, $0x1999  }
0x1cd: {  	(v2sf) =	vpush v57, $0xF;
	(xrf0) =	vadd.scan.msk.s32 $0xffff, v5;
	v5 =	vsel vm4, $0x1, v0;
	_ =	sdelay $0x1  }
0x1ce: {  	(v2sf) =	vpush v58, $0xF;
	(xrf0) =	vadd.scan.msk.s32 $0xffff, v6  }
0x1cf: {  	(v2sf) =	vpush v15, $0xF;
	(xrf0) =	vadd.scan.msk.s32 $0xffff, v5;
	v5, _, _ =	vpop (xrf0)  }
0x1d0: {  	(v2sf) =	vpush v16, $0xF;
	v6, _, _ =	vpop (xrf0)  }
0x1d1: {  	(v2sf) =	vpush v59, $0xF;
	v7, _, _ =	vpop (xrf0)  }
0x1d2: {  	v60 =	vbroadcast v7, $0xF  }
0x1d3: {  	p3 =	seq.s32 s3, $0x0;
	p2 =	slt.s32 s13, $0x10;
	(v2sf) =	vpush v5, $0xF;
	v5, _, _ =	vpop (xrf0)  }
0x1d4: {  	p2 =	por !p3, !p2;
	v61, _, _ =	vpop (xrf0);
	vm4 =	veq.s32 v60, v2  }
0x1d5: {  	s21 =	sadd.s32 s17, s25;
	p2 =	por !p2, !p2;
	(v2sf) =	vpush v6, $0xF;
	v6, _, _ =	vpop (xrf0);
	v63 =	vnsel vm4, $0x0, v12  }
0x1d6: {  	s6 =	sadd.s32 s6, s13;
	s24 =	ssub.s32 s12, s21;
	s3 =	simm.s32 @p2 $0x1;
	(v2sf) =	vpush v7, $0xF;
	v62 =	vbroadcast v6, $0xF;
	v7 =	vnsel vm4, $0x0, v8;
	(xrf0) =	vadd.scan.msk.s32 $0xffff, v63  }
0x1d7: {  	s2 =	smov.u32 @p2 s6;
	p4 =	seq.s32 s3, $0x0;
	p6 =	slt.s32 s19, $0x10;
	(xrf0) =	vadd.scan.msk.s32 $0xffff, v7  }
0x1d8: {  	s6 =	sadd.s32 $0x1999, s24;
	p2 =	por p2, p2;
	p3 =	por !p4, !p6;
	vm4 =	veq.s32 v62, v2  }
0x1d9: {  	s12 =	sadd.s32 s23, s19;
	p4 =	por p1, p1;
	p1 =	por !p3, !p3;
	(v2sf) =	vpush v5, $0xF;
	v5 =	vnsel vm4, $0x0, v13  }
0x1da: {  	s29 =	smov.u32 @p4 s6;
	s25 =	sadd.s32 s11, s10;
	s2 =	smov.u32 @p1 s12;
	(v2sf) =	vpush v61, $0xF;
	v7 =	vnsel vm4, $0x0, v16  }
0x1db: {  	s6 =	ssub.s32 s9, s25;
	s3 =	simm.s32 @p1 $0x1;
	s26 =	spop (v2sf);
	(v2sf) =	vpush v6, $0xF;
	(xrf0) =	vadd.scan.msk.s32 $0xffff, v7  }
0x1dc: {  	p1 =	por p1, p1;
	s6 =	sadd.s32 $0x1999, s6;
	p4 =	seq.s32 s3, $0x0;
	(xrf0) =	vadd.scan.msk.s32 $0xffff, v5;
	v5, _, _ =	vpop (xrf0)  }
0x1dd: {  	s29 =	smov.u32 @p2 s6;
	p3 =	slt.s32 s26, $0x10;
	s31 =	spop (v2sf);
	(v2sf) =	vpush v5, $0xF;
	v5, _, _ =	vpop (xrf0)  }
0x1de: {  	s5 =	sadd.s32 s5, s26;
	p2 =	por !p4, !p3;
	s11 =	spop (v2sf);
	(v2sf) =	vpush v5, $0xF  }
0x1df: {  	s9 =	sadd.s32 s31, s14;
	p2 =	por !p2, !p2;
	s12 =	spop (v2sf)  }
0x1e0: {  	s6 =	ssub.s32 s11, s9;
	s3 =	simm.s32 @p2 $0x1;
	s13 =	spop (v2sf)  }
0x1e1: {  	s6 =	sadd.s32 $0x1999, s6;
	p6 =	seq.s32 s3, $0x0;
	p5 =	slt.s32 s13, $0x10  }
0x1e2: {  	s2 =	smov.u32 @p2 s5;
	s29 =	smov.u32 @p1 s6;
	p1 =	por !p6, !p5  }
0x1e3: {  	p2 =	por p2, p2;
	s5 =	sadd.s32 s16, s13;
	p1 =	por !p1, !p1;
	v5, _, _ =	vpop (xrf0)  }
0x1e4: {  	s2 =	smov.u32 @p1 s5;
	s3 =	simm.s32 @p1 $0x1;
	s10 =	spop (v2sf);
	(v2sf) =	vpush v5, $0xF;
	v5, _, _ =	vpop (xrf0)  }
0x1e5: {  	p1 =	por p1, p1;
	s14 =	spop (v2sf);
	s16 =	sadd.s32 s10, s4;
	(v2sf) =	vpush v5, $0xF  }
0x1e6: {  	p4 =	seq.s32 s3, $0x0;
	s4 =	ssub.s32 s14, s16;
	s17 =	spop (v2sf)  }
0x1e7: {  	s4 =	sadd.s32 $0x1999, s4;
	p3 =	slt.s32 s17, $0x10;
	s1 =	sadd.s32 s1, s17  }
0x1e8: {  	s19 =	spop (v2sf);
	s29 =	smov.u32 @p2 s4;
	p2 =	por !p4, !p3  }
0x1e9: {  	s4 =	sadd.s32 s19, s7;
	s20 =	spop (v2sf);
	p2 =	por !p2, !p2  }
0x1ea: {  	s21 =	ssub.s32 s20, s4;
	s23 =	spop (v2sf);
	s2 =	smov.u32 @p2 s1  }
0x1eb: {  	s3 =	simm.s32 @p2 $0x1;
	s1 =	sadd.s32 $0x1999, s21;
	p5 =	slt.s32 s23, $0x10  }
0x1ec: {  	s29 =	smov.u32 @p1 s1;
	p6 =	seq.s32 s3, $0x0;
	s24 =	spop (v2sf)  }
0x1ed: {  	p1 =	por !p6, !p5;
	s1 =	sadd.s32 s24, s8;
	s25 =	spop (v2sf)  }
0x1ee: {  	s3 =	sadd.s32 s15, s23;
	p1 =	por !p1, !p1;
	s1 =	ssub.s32 s25, s1  }
0x1ef: {  	p2 =	por p2, p2;
	s2 =	smov.u32 @p1 s3;
	s1 =	sadd.s32 $0x1999, s1  }
0x1f0: {  	s29 =	smov.u32 @p2 s1;
	s1 =	sshll.u32 s2, $0x4;
	s2 =	simm.s32 $0x10040  }
0x1f1: {  	v5 =	vld [tilespmem:s1+$0x10000];
	[tilespmem:s2+$0xFFFFFFC0] =	vst v0  }
0x1f2: {  	[tilespmem:s2+$0x30] =	vst v0  }
0x1f3: {  	s26 =	spop (v2sf);
	[tilespmem:s2+$0x20] =	vst v0  }
0x1f4: {  	s4 =	sadd.s32 s26, s30;
	s30 =	spop (v2sf);
	[tilespmem:s2+$0x10] =	vst v0  }
0x1f5: {  	s31 =	ssub.s32 s30, s4;
	[tilespmem:s2+$0x0] =	vst v0  }
0x1f6: {  	p1 =	por p1, p1;
	[tilespmem:s2+$0xFFFFFFF0] =	vst v0;
	s3 =	sadd.s32 $0x1999, s31  }
0x1f7: {  	[tilespmem:s2+$0xFFFFFFE0] =	vst v0;
	s29 =	smov.u32 @p1 s3;
	s3 =	simm.s32 $0x0  }
.LBB2_19:
0x1f8: {  	s3 =	sadd.s32 $0x8, s3;
	[tilespmem:s2+$0xFFFFFFD0] =	vst v0;
	s2 =	sadd.s32 $0x80, s2  }
0x1f9: {  	[tilespmem:s2+$0xFFFFFFC0] =	vst v0;
	p1 =	slt.u32 s3, $0xF8  }
0x1fa: {  	[tilespmem:s2+$0x30] =	vst v0  }
.Ltmp8:
0x1fb: {  	[tilespmem:s2+$0x20] =	vst v0;
	(pc) =	sbr.rel @p1 .LBB2_19-.Ltmp8, $4  }
0x1fc: {  	[tilespmem:s2+$0x10] =	vst v0  }
0x1fd: {  	[tilespmem:s2+$0x0] =	vst v0  }
0x1fe: {  	[tilespmem:s2+$0xFFFFFFF0] =	vst v0  }
0x1ff: {  	[tilespmem:s2+$0xFFFFFFE0] =	vst v0  }
0x200: {  	(xrf0) =	vadd.scan.msk.s32 $0xffff, v4;
	_ =	sdelay $0x5  }
0x201: {  	v8, _, _ =	vpop (xrf0)  }
0x202: {  	vm4 =	vlt.s32 v8, s28  }
0x203: {  	v6 =	vsel vm4, $0x1, v0  }
0x204: {  	(xrf0) =	vadd.scan.msk.s32 $0xffff, v6  }
0x205: {  	(xrf0) =	vadd.scan.msk.s32 $0xffff, v5;
	_ =	sdelay $0x4  }
0x206: {  	v9, _, _ =	vpop (xrf0)  }
0x207: {  	v6, _, _ =	vpop (xrf0)  }
0x208: {  	vm4 =	vlt.s32 v6, s29  }
0x209: {  	v7 =	vsel vm4, $0x1, v0  }
0x20a: {  	(xrf0) =	vadd.scan.msk.s32 $0xffff, v7;
	_ =	sdelay $0x5  }
0x20b: {  	(v2sf) =	vpush v9, $0xF;
	v7, _, _ =	vpop (xrf0)  }
0x20c: {  	(v2sf) =	vpush v7, $0xF;
	_ =	sdelay $0xd  }
0x20d: {  	s30 =	spop (v2sf)  }
0x20e: {  	[tilespmem:s2+$0xFFFFFFD0] =	vst v0;
	p2 =	slt.s32 s30, $0x10;
	s2 =	ssub.s32 $0xF, s30;
	s3 =	spop (v2sf)  }
0x20f: {  	s2 =	simm.s32 @!p2 $0x0;
	p1 =	slt.s32 s3, $0x10  }
0x210: {  	s0 =	sadd.s32 s0, s2;
	s3 =	simm.s32 @!p1 $0x0  }
0x211: {  	[dreg:$0xd] =	wrdreg s0;
	s1 =	sadd.s32 s1, s3  }
0x212: {  	s31 =	simm.s32 $0x40;
	[dreg:$0xe] =	wrdreg s1  }
0x213: {  	v12 =	vld [tilespmem:s31+$0x30]  }
0x214: {  	v13 =	vld [tilespmem:s31+$0xFFFFFFD0]  }
0x215: {  	v14 =	vld [tilespmem:s31+$0xFFFFFFE0]  }
0x216: {  	v15 =	vld [tilespmem:s31+$0xFFFFFFF0]  }
0x217: {  	v16 =	vld [tilespmem:s31+$0x0];
	_ =	sdelay $0x2  }
0x218: {  	v10 =	vmov s0;
	v11 =	vmov s1;
	v17 =	vld [tilespmem:s31+$0x10]  }
0x219: {  	v20 =	vld [tilespmem:s31+$0xFFFFFFC0];
	v18 =	vshrl.u32 v12, $0x13;
	v19 =	vshrl.u32 v13, $0x8;
	v12 =	vshrl.u32 v12, $0x8  }
0x21a: {  	v23 =	vld [tilespmem:s31+$0x20];
	v21 =	vshrl.u32 v14, $0x8;
	v26 =	vshrl.u32 v15, $0x13;
	v27 =	vshrl.u32 v16, $0x13  }
0x21b: {  	vm4 =	veq.s32 v18, v10;
	v22 =	vand.u32 $0x7FF, v12;
	vm5 =	veq.s32 v18, v11  }
0x21c: {  	v18 =	vshrl.u32 v13, $0x13;
	v12 =	vshrl.u32 v15, $0x8;
	v25 =	vand.u32 $0x7FF, v19  }
0x21d: {  	v19 =	vshrl.u32 v14, $0x13;
	v14 =	vshrl.u32 v16, $0x8;
	v13 =	vand.u32 $0x7FF, v21  }
0x21e: {  	v15 =	vshrl.u32 v17, $0x8;
	v21 =	vshrl.u32 v20, $0x13;
	v16 =	vshrl.u32 v20, $0x8  }
0x21f: {  	v20 =	vshrl.u32 v23, $0x8;
	v24 =	vor.u32 $0x800, v22;
	vm6 =	veq.s32 v21, v10  }
0x220: {  	v17 =	vshrl.u32 v17, $0x13;
	v28 =	vand.u32 $0x7FF, v16;
	vm14 =	veq.s32 v18, v10  }
0x221: {  	vm11 =	veq.s32 v26, v10;
	vm10 =	veq.s32 v26, v11;
	vm7 =	veq.s32 v21, v11  }
0x222: {  	vm9 =	veq.s32 v27, v10;
	vm15 =	veq.s32 v18, v11;
	v29 =	vor.u32 $0x800, v28  }
0x223: {  	vm8 =	veq.s32 v27, v11;
	[tilespmem:v22+s18+$0x0] =	vst.idx.add.s32.msk vm4, v1;
	v22 =	vshrl.u32 v23, $0x13;
	v23 =	vor.u32 $0x800, v25  }
0x224: {  	v12 =	vand.u32 $0x7FF, v12;
	v14 =	vand.u32 $0x7FF, v14;
	v16 =	vand.u32 $0x7FF, v15;
	[tilespmem:v24+s18+$0x0] =	vst.idx.add.s32.msk vm5, v1  }
0x225: {  	v15 =	vand.u32 $0x7FF, v20;
	vm13 =	veq.s32 v19, v10;
	vm12 =	veq.s32 v19, v11;
	[tilespmem:v28+s18+$0x0] =	vst.idx.add.s32.msk vm6, v1  }
0x226: {  	v21 =	vor.u32 $0x800, v13;
	v20 =	vor.u32 $0x800, v12;
	v19 =	vor.u32 $0x800, v14;
	[tilespmem:v25+s18+$0x0] =	vst.idx.add.s32.msk vm14, v1  }
0x227: {  	v18 =	vor.u32 $0x800, v16;
	vm5 =	veq.s32 v17, v11;
	vm6 =	veq.s32 v22, v10;
	[tilespmem:v29+s18+$0x0] =	vst.idx.add.s32.msk vm7, v1  }
0x228: {  	s0 =	simm.s32 $0x0;
	s1 =	simm.s32 $0xC0;
	vm4 =	veq.s32 v22, v11;
	vm7 =	veq.s32 v17, v10;
	v17 =	vor.u32 $0x800, v15;
	[tilespmem:v23+s18+$0x0] =	vst.idx.add.s32.msk vm15, v1  }
.LBB2_21:
0x229: {  	v22 =	vld [tilespmem:s1+$0x30]  }
0x22a: {  	s0 =	sadd.s32 $0x8, s0;
	v23 =	vld [tilespmem:s1+$0xFFFFFFD0]  }
0x22b: {  	p3 =	slt.u32 s0, $0xFF8;
	v24 =	vld [tilespmem:s1+$0xFFFFFFE0]  }
0x22c: {  	v25 =	vld [tilespmem:s1+$0xFFFFFFF0]  }
0x22d: {  	v26 =	vld [tilespmem:s1+$0x0]  }
0x22e: {  	v27 =	vld [tilespmem:s1+$0x10];
	v28 =	vshrl.u32 v22, $0x13  }
0x22f: {  	v22 =	vshrl.u32 v22, $0x8;
	v29 =	vshrl.u32 v23, $0x8;
	v30 =	vld [tilespmem:s1+$0x20];
	vm14 =	veq.s32 v28, v10  }
0x230: {  	v22 =	vand.u32 $0x7FF, v22;
	vm15 =	veq.s32 v28, v11;
	v31 =	vld [tilespmem:s1+$0xFFFFFFC0];
	v32 =	vshrl.u32 v24, $0x8  }
0x231: {  	v23 =	vshrl.u32 v23, $0x13;
	v33 =	vor.u32 $0x800, v22;
	v28 =	vshrl.u32 v25, $0x8;
	[tilespmem:v13+s18+$0x0] =	vst.idx.add.s32.msk vm13, v1  }
0x232: {  	v29 =	vand.u32 $0x7FF, v29;
	v24 =	vshrl.u32 v24, $0x13;
	v34 =	vshrl.u32 v26, $0x8;
	[tilespmem:v21+s18+$0x0] =	vst.idx.add.s32.msk vm12, v1  }
0x233: {  	v13 =	vand.u32 $0x7FF, v32;
	v25 =	vshrl.u32 v25, $0x13;
	v21 =	vshrl.u32 v27, $0x8;
	[tilespmem:v12+s18+$0x0] =	vst.idx.add.s32.msk vm11, v1  }
0x234: {  	v26 =	vshrl.u32 v26, $0x13;
	v12 =	vand.u32 $0x7FF, v28;
	v28 =	vshrl.u32 v30, $0x8;
	[tilespmem:v20+s18+$0x0] =	vst.idx.add.s32.msk vm10, v1  }
0x235: {  	v32 =	vand.u32 $0x7FF, v34;
	v20 =	vshrl.u32 v31, $0x13;
	v31 =	vshrl.u32 v31, $0x8;
	[tilespmem:v22+s18+$0x0] =	vst.idx.add.s32.msk vm14, v1  }
0x236: {  	s3 =	simm.s32 $0x0;
	s2 =	simm.s32 $0x10040;
	v27 =	vshrl.u32 v27, $0x13;
	v22 =	vand.u32 $0x7FF, v31;
	v31 =	vand.u32 $0x7FF, v21;
	[tilespmem:v33+s18+$0x0] =	vst.idx.add.s32.msk vm15, v1  }
0x237: {  	v30 =	vshrl.u32 v30, $0x13;
	v28 =	vand.u32 $0x7FF, v28;
	vm0 =	veq.s32 v20, v10;
	[tilespmem:v14+s18+$0x0] =	vst.idx.add.s32.msk vm9, v1;
	v14 =	vmovc v32  }
0x238: {  	vm14 =	veq.s32 v23, v10;
	vm1 =	veq.s32 v20, v11;
	v32 =	vor.u32 $0x800, v22;
	[tilespmem:v19+s18+$0x0] =	vst.idx.add.s32.msk vm8, v1  }
0x239: {  	vm13 =	veq.s32 v24, v10;
	vm15 =	veq.s32 v23, v11;
	v23 =	vor.u32 $0x800, v29;
	[tilespmem:v16+s18+$0x0] =	vst.idx.add.s32.msk vm7, v1  }
0x23a: {  	vm12 =	veq.s32 v24, v11;
	vm11 =	veq.s32 v25, v10;
	v21 =	vor.u32 $0x800, v13;
	[tilespmem:v18+s18+$0x0] =	vst.idx.add.s32.msk vm5, v1  }
0x23b: {  	vm10 =	veq.s32 v25, v11;
	v20 =	vor.u32 $0x800, v12;
	vm9 =	veq.s32 v26, v10;
	[tilespmem:v15+s18+$0x0] =	vst.idx.add.s32.msk vm6, v1  }
.Ltmp9:
0x23c: {  	vm8 =	veq.s32 v26, v11;
	v19 =	vor.u32 $0x800, v14;
	vm7 =	veq.s32 v27, v10;
	[tilespmem:v17+s18+$0x0] =	vst.idx.add.s32.msk vm4, v1;
	(pc) =	sbr.rel @p3 .LBB2_21-.Ltmp9, $4  }
0x23d: {  	vm5 =	veq.s32 v27, v11;
	v18 =	vor.u32 $0x800, v31;
	vm6 =	veq.s32 v30, v10;
	[tilespmem:v22+s18+$0x0] =	vst.idx.add.s32.msk vm0, v1  }
0x23e: {  	v16 =	vmovc v31;
	v15 =	vmov v28;
	vm4 =	veq.s32 v30, v11;
	v17 =	vor.u32 $0x800, v28;
	[tilespmem:v32+s18+$0x0] =	vst.idx.add.s32.msk vm1, v1  }
0x23f: {  	[tilespmem:v29+s18+$0x0] =	vst.idx.add.s32.msk vm14, v1  }
0x240: {  	s1 =	sadd.s32 $0x80, s1;
	[tilespmem:v23+s18+$0x0] =	vst.idx.add.s32.msk vm15, v1  }
0x241: {  	_ =	sdelay $0x4  }
0x242: {  	[tilespmem:v13+s18+$0x0] =	vst.idx.add.s32.msk vm13, v1  }
0x243: {  	[tilespmem:v12+s18+$0x0] =	vst.idx.add.s32.msk vm11, v1  }
0x244: {  	[tilespmem:v14+s18+$0x0] =	vst.idx.add.s32.msk vm9, v1  }
0x245: {  	[tilespmem:v16+s18+$0x0] =	vst.idx.add.s32.msk vm7, v1  }
0x246: {  	[tilespmem:v15+s18+$0x0] =	vst.idx.add.s32.msk vm6, v1  }
0x247: {  	[tilespmem:v21+s18+$0x0] =	vst.idx.add.s32.msk vm12, v1  }
0x248: {  	[tilespmem:v20+s18+$0x0] =	vst.idx.add.s32.msk vm10, v1  }
0x249: {  	[tilespmem:v19+s18+$0x0] =	vst.idx.add.s32.msk vm8, v1  }
0x24a: {  	[tilespmem:v18+s18+$0x0] =	vst.idx.add.s32.msk vm5, v1  }
0x24b: {  	[tilespmem:v17+s18+$0x0] =	vst.idx.add.s32.msk vm4, v1  }
0x24c: {  	v10 =	vld [tilespmem:s2+$0x30]  }
0x24d: {  	v11 =	vld [tilespmem:s2+$0xFFFFFFD0]  }
0x24e: {  	v12 =	vld [tilespmem:s2+$0xFFFFFFE0]  }
0x24f: {  	v13 =	vld [tilespmem:s2+$0xFFFFFFF0]  }
0x250: {  	v15 =	vld [tilespmem:s2+$0x0]  }
0x251: {  	v17 =	vld [tilespmem:s2+$0x10];
	(xrf0) =	vadd.scan.msk.s32 $0xffff, v10  }
0x252: {  	s0 =	simm.s32 $0x1;
	s1 =	simm.s32 $0x2;
	s25 =	simm.s32 $0x4;
	v18 =	vld [tilespmem:s2+$0x20];
	(xrf0) =	vadd.scan.msk.s32 $0xffff, v11  }
0x253: {  	s26 =	simm.s32 $0x7;
	s30 =	simm.s32 $0x5;
	v14 =	vmov s1;
	v19 =	vmov s25;
	v20 =	vld [tilespmem:s2+$0xFFFFFFC0];
	v11 =	vmov s0;
	(xrf0) =	vadd.scan.msk.s32 $0xffff, v12  }
0x254: {  	s24 =	simm.s32 $0x3;
	v16 =	vmov s26;
	v21 =	vmov s30;
	v11 =	vand.u32 $0xFFFFFFF9, v11;
	(xrf0) =	vadd.scan.msk.s32 $0xffff, v13  }
0x255: {  	v12 =	vmov s24;
	v13 =	vand.u32 $0xFFFFFFFA, v14;
	v14 =	vbroadcast v11, $0x0;
	(xrf0) =	vadd.scan.msk.s32 $0xffff, v15  }
0x256: {  	v10 =	vmov s3;
	v11 =	vand.u32 $0xFFFFFFFB, v12;
	v13 =	vbroadcast v13, $0x0;
	(xrf0) =	vadd.scan.msk.s32 $0xffff, v17  }
0x257: {  	s31 =	simm.s32 $0x6;
	s1 =	simm.s32 $0x100C0;
	v12 =	vand.u32 $0xFFFFFFFC, v19;
	v19 =	vand.u32 $0xFFFFFFFD, v21;
	v11 =	vbroadcast v11, $0x0;
	(xrf0) =	vadd.scan.msk.s32 $0xffff, v18;
	v18, _, _ =	vpop (xrf0)  }
0x258: {  	s2 =	simm.s32 $0x10;
	s0 =	simm.s32 $0x8;
	v15 =	vld [tilespmem:s1+$0x30];
	v12 =	vbroadcast v12, $0x0;
	v17 =	vmov s31;
	v18 =	vbroadcast v18, $0xF;
	(xrf0) =	vadd.scan.msk.s32 $0xffff, v20;
	v20, _, _ =	vpop (xrf0)  }
.LBB2_23:
0x259: {  	p3 =	slt.u32 s2, $0xF8;
	v21 =	vld [tilespmem:s1+$0xFFFFFFD0];
	v20 =	vbroadcast v20, $0xF;
	v19 =	vbroadcast v19, $0x0;
	v17 =	vand.u32 $0xFFFFFFFE, v17;
	v22, _, _ =	vpop (xrf0)  }
0x25a: {  	v10 =	vand.u32 $0xFFFFFFF8, v10;
	v23 =	vld [tilespmem:s1+$0xFFFFFFE0];
	v22 =	vbroadcast v22, $0xF;
	v17 =	vbroadcast v17, $0x0;
	[tilespmem:v16+s22+$0x0] =	vst.idx.msk $0x1, v18;
	v16, _, _ =	vpop (xrf0)  }
0x25b: {  	s3 =	sadd.s32 $0x1, s0;
	v24 =	vbroadcast v10, $0x0;
	v18 =	vld [tilespmem:s1+$0xFFFFFFF0];
	[tilespmem:v14+s22+$0x0] =	vst.idx.msk $0x1, v20;
	v27 =	vbroadcast v16, $0xF;
	v16, _, _ =	vpop (xrf0)  }
0x25c: {  	v10 =	vmov s0;
	v20 =	vmov s3;
	s3 =	sadd.s32 $0x2, s0;
	v25 =	vld [tilespmem:s1+$0x0];
	[tilespmem:v13+s22+$0x0] =	vst.idx.msk $0x1, v22;
	v28 =	vbroadcast v16, $0xF;
	v16, _, _ =	vpop (xrf0)  }
0x25d: {  	v22 =	vmov s3;
	s3 =	sadd.s32 $0x3, s0;
	v26 =	vld [tilespmem:s1+$0x10];
	(xrf0) =	vadd.scan.msk.s32 $0xffff, v15;
	[tilespmem:v11+s22+$0x0] =	vst.idx.msk $0x1, v27;
	v11 =	vbroadcast v16, $0xF;
	v14, _, _ =	vpop (xrf0)  }
0x25e: {  	v15 =	vmov s3;
	s3 =	sadd.s32 $0x4, s0;
	v27 =	vld [tilespmem:s1+$0x20];
	(xrf0) =	vadd.scan.msk.s32 $0xffff, v21;
	[tilespmem:v12+s22+$0x0] =	vst.idx.msk $0x1, v28;
	v12 =	vbroadcast v14, $0xF;
	v13, _, _ =	vpop (xrf0)  }
0x25f: {  	v28 =	vmov s3;
	v21 =	vld [tilespmem:s1+$0xFFFFFFC0];
	(xrf0) =	vadd.scan.msk.s32 $0xffff, v23;
	v13 =	vbroadcast v13, $0xF;
	[tilespmem:v19+s22+$0x0] =	vst.idx.msk $0x1, v11  }
.Ltmp10:
0x260: {  	s3 =	sadd.s32 $0x7, s0;
	v11 =	vand.u32 $0xFFFFFFF9, v20;
	v19 =	vand.u32 $0xFFFFFFFA, v22;
	(xrf0) =	vadd.scan.msk.s32 $0xffff, v18;
	[tilespmem:v17+s22+$0x0] =	vst.idx.msk $0x1, v12;
	(pc) =	sbr.rel @p3 .LBB2_23-.Ltmp10, $4  }
0x261: {  	s4 =	sadd.s32 $0x5, s0;
	v16 =	vmov s3;
	v14 =	vbroadcast v11, $0x0;
	(xrf0) =	vadd.scan.msk.s32 $0xffff, v25;
	[tilespmem:v24+s22+$0x0] =	vst.idx.msk $0x1, v13  }
0x262: {  	s3 =	sadd.s32 $0x6, s0;
	s0 =	smov.u32 s2;
	v11 =	vand.u32 $0xFFFFFFFB, v15;
	v18 =	vmov s4;
	v13 =	vbroadcast v19, $0x0;
	(xrf0) =	vadd.scan.msk.s32 $0xffff, v26  }
0x263: {  	s1 =	sadd.s32 $0x80, s1;
	v12 =	vand.u32 $0xFFFFFFFC, v28;
	v17 =	vmov s3;
	v11 =	vbroadcast v11, $0x0;
	(xrf0) =	vadd.scan.msk.s32 $0xffff, v27;
	v20, _, _ =	vpop (xrf0)  }
0x264: {  	s2 =	sadd.s32 $0x8, s2;
	v12 =	vbroadcast v12, $0x0;
	v19 =	vand.u32 $0xFFFFFFFD, v18;
	v15 =	vld [tilespmem:s1+$0x30];
	v18 =	vbroadcast v20, $0xF;
	(xrf0) =	vadd.scan.msk.s32 $0xffff, v21;
	v20, _, _ =	vpop (xrf0)  }
0x265: {  	_ =	sdelay $0x1  }
0x266: {  	v21 =	vld [tilespmem:s1+$0xFFFFFFD0]  }
0x267: {  	v20 =	vbroadcast v20, $0xF;
	v22, _, _ =	vpop (xrf0);
	v19 =	vbroadcast v19, $0x0;
	v17 =	vand.u32 $0xFFFFFFFE, v17;
	v23 =	vld [tilespmem:s1+$0xFFFFFFE0]  }
0x268: {  	v47 =	vld [tilespmem:s1+$0xFFFFFFF0];
	v22 =	vbroadcast v22, $0xF;
	[tilespmem:v16+s22+$0x0] =	vst.idx.msk $0x1, v18;
	v46, _, _ =	vpop (xrf0);
	v17 =	vbroadcast v17, $0x0  }
0x269: {  	v10 =	vand.u32 $0xFFFFFFF8, v10;
	v24 =	vld [tilespmem:s1+$0x0];
	v51 =	vmov s0;
	[tilespmem:v14+s22+$0x0] =	vst.idx.msk $0x1, v20;
	v14 =	vbroadcast v46, $0xF;
	v48, _, _ =	vpop (xrf0)  }
0x26a: {  	v26 =	vld [tilespmem:s1+$0x10];
	v9 =	vbroadcast v9, $0xF;
	[tilespmem:v13+s22+$0x0] =	vst.idx.msk $0x1, v22;
	v13 =	vbroadcast v48, $0xF;
	v50, _, _ =	vpop (xrf0);
	(xrf0) =	vadd.scan.msk.s32 $0xffff, v15  }
0x26b: {  	s2 =	sadd.s32 $0x1, s0;
	v52 =	vld [tilespmem:s1+$0x20];
	v10 =	vbroadcast v10, $0x0;
	[tilespmem:v11+s22+$0x0] =	vst.idx.msk $0x1, v14;
	v11, _, _ =	vpop (xrf0);
	v14 =	vbroadcast v50, $0xF;
	(xrf0) =	vadd.scan.msk.s32 $0xffff, v21  }
0x26c: {  	s12 =	sadd.s32 $0x3, s0;
	v49 =	vmov s2;
	[tilespmem:v12+s22+$0x0] =	vst.idx.msk $0x1, v13;
	v12, _, _ =	vpop (xrf0);
	v11 =	vbroadcast v11, $0xF;
	v13 =	vld [tilespmem:s1+$0xFFFFFFC0];
	(xrf0) =	vadd.scan.msk.s32 $0xffff, v23  }
0x26d: {  	s14 =	sadd.s32 $0x7, s0;
	v15 =	vmov s12;
	[tilespmem:v19+s22+$0x0] =	vst.idx.msk $0x1, v14;
	v14 =	vand.u32 $0xFFFFFFF9, v49;
	(xrf0) =	vadd.scan.msk.s32 $0xffff, v47  }
0x26e: {  	s11 =	sadd.s32 $0x2, s0;
	s13 =	sadd.s32 $0x4, s0;
	[tilespmem:v17+s22+$0x0] =	vst.idx.msk $0x1, v11;
	v11 =	vbroadcast v14, $0x0;
	v14 =	vmov s14;
	(xrf0) =	vadd.scan.msk.s32 $0xffff, v24  }
0x26f: {  	v25 =	vmov s11;
	v53 =	vmov s13;
	v15 =	vand.u32 $0xFFFFFFFB, v15;
	(xrf0) =	vadd.scan.msk.s32 $0xffff, v26  }
0x270: {  	s15 =	sadd.s32 $0x5, s0;
	v57 =	vand.u32 $0xFFFFFFFC, v53;
	v12 =	vbroadcast v12, $0xF;
	v15 =	vbroadcast v15, $0x0;
	(xrf0) =	vadd.scan.msk.s32 $0xffff, v52;
	v59, _, _ =	vpop (xrf0)  }
0x271: {  	s16 =	sadd.s32 $0x6, s0;
	v56 =	vmov s15;
	v19 =	vbroadcast v57, $0x0;
	v16 =	vbroadcast v59, $0xF;
	(xrf0) =	vadd.scan.msk.s32 $0xffff, v13;
	v13, _, _ =	vpop (xrf0)  }
0x272: {  	v58 =	vmov s16;
	v61 =	vand.u32 $0xFFFFFFF8, v51;
	[tilespmem:v10+s22+$0x0] =	vst.idx.msk $0x1, v12;
	v10 =	vbroadcast v13, $0xF;
	v60, _, _ =	vpop (xrf0)  }
0x273: {  	v54 =	vand.u32 $0xFFFFFFFA, v25;
	v18 =	vand.u32 $0xFFFFFFFD, v56;
	vm0 =	veq.s32 v9, v2;
	[tilespmem:v14+s22+$0x0] =	vst.idx.msk $0x1, v16;
	v14, _, _ =	vpop (xrf0)  }
0x274: {  	v55 =	vbroadcast v54, $0x0;
	v8 =	vnsel vm0, $0x0, v8;
	[tilespmem:v11+s22+$0x0] =	vst.idx.msk $0x1, v10;
	v10 =	vbroadcast v14, $0xF;
	v11, _, _ =	vpop (xrf0)  }
0x275: {  	v4 =	vnsel vm0, $0x0, v4;
	v12 =	vbroadcast v18, $0x0;
	v11 =	vbroadcast v11, $0xF;
	v14, _, _ =	vpop (xrf0)  }
0x276: {  	v13 =	vand.u32 $0xFFFFFFFE, v58;
	(xrf0) =	vadd.scan.msk.s32 $0xffff, v8;
	[tilespmem:v15+s22+$0x0] =	vst.idx.msk $0x1, v10;
	v10 =	vbroadcast v14, $0xF;
	v14, _, _ =	vpop (xrf0)  }
0x277: {  	v13 =	vbroadcast v13, $0x0;
	[tilespmem:v19+s22+$0x0] =	vst.idx.msk $0x1, v11;
	v11 =	vbroadcast v14, $0xF;
	v14, _, _ =	vpop (xrf0);
	(xrf0) =	vadd.scan.msk.s32 $0xffff, v4  }
0x278: {  	v62 =	vbroadcast v61, $0x0  }
0x279: {  	v18 =	vbroadcast v60, $0xF;
	_ =	sdelay $0x1  }
0x27a: {  	[tilespmem:v55+s22+$0x0] =	vst.idx.msk $0x1, v18  }
0x27b: {  	v14 =	vbroadcast v14, $0xF;
	[tilespmem:v12+s22+$0x0] =	vst.idx.msk $0x1, v10;
	v4, _, _ =	vpop (xrf0)  }
0x27c: {  	[tilespmem:v13+s22+$0x0] =	vst.idx.msk $0x1, v11;
	(v2sf) =	vpush v4, $0xF;
	v4, _, _ =	vpop (xrf0)  }
0x27d: {  	s20 =	simm.s32 $0x12070;
	[tilespmem:v62+s22+$0x0] =	vst.idx.msk $0x1, v14;
	(v2sf) =	vpush v4, $0xF  }
0x27e: {  	v8 =	vld [tilespmem:s20+$0x0];
	_ =	sdelay $0x4  }
0x27f: {  	(xrf0) =	vadd.scan.msk.s32 $0xffff, v8;
	_ =	sdelay $0x2  }
0x280: {  	v8 =	vperm.xlane v8, v3;
	_ =	sdelay $0x1  }
0x281: {  	(xrf0) =	vadd.scan.msk.s32 $0xffff, v8  }
0x282: {  	s21 =	simm.s32 $0x12060;
	v9, _, _ =	vpop (xrf0)  }
0x283: {  	v10 =	vld [tilespmem:s21+$0x0];
	(v2sf) =	vpush v9, $0xF  }
0x284: {  	s17 =	spop (v2sf)  }
0x285: {  	s0 =	ssub.s32 s28, s17;
	s19 =	spop (v2sf)  }
0x286: {  	s0 =	sadd.s32 s19, s0  }
0x287: {  	v9, _, _ =	vpop (xrf0);
	s28 =	simm.s32 $0x0;
	s0 =	simm.s32 @!p2 $0x0  }
0x288: {  	(xrf0) =	vadd.scan.msk.s32 $0xffff, v10;
	v11 =	vadd.s32 s28, v9;
	v4 =	vmov s0  }
0x289: {  	vm0 =	vlt.s32 v11, v4  }
0x28a: {  	v11 =	vsel vm0, $0x1, v0  }
0x28b: {  	v12 =	vperm.xlane v10, v3;
	(xrf0) =	vadd.scan.msk.s32 $0xffff, v11;
	_ =	sdelay $0x1  }
0x28c: {  	(xrf0) =	vadd.scan.msk.s32 $0xffff, v12  }
0x28d: {  	v10, _, _ =	vpop (xrf0)  }
0x28e: {  	s23 =	simm.s32 $0x12050;
	(v2sf) =	vpush v10, $0xF  }
0x28f: {  	v11 =	vld [tilespmem:s23+$0x0]  }
0x290: {  	v10, _, _ =	vpop (xrf0)  }
0x291: {  	s24 =	spop (v2sf);
	v13 =	vbroadcast v10, $0xF  }
0x292: {  	s1 =	sadd.s32 $0x0, s24;
	v14, _, _ =	vpop (xrf0);
	(v2sf) =	vpush v10, $0xF  }
0x293: {  	v15 =	vadd.s32 s1, v14;
	vm0 =	veq.s32 v13, v2  }
0x294: {  	(xrf0) =	vadd.scan.msk.s32 $0xffff, v11;
	vm1 =	vlt.s32 v15, v4;
	v9 =	vnsel vm0, $0x0, v9  }
0x295: {  	v10 =	vsel vm1, $0x1, v0;
	(xrf0) =	vadd.scan.msk.s32 $0xffff, v9  }
0x296: {  	v9 =	vnsel vm0, $0x0, v8;
	v8 =	vperm.xlane v11, v3;
	(xrf0) =	vadd.scan.msk.s32 $0xffff, v10  }
0x297: {  	(xrf0) =	vadd.scan.msk.s32 $0xffff, v9  }
0x298: {  	(xrf0) =	vadd.scan.msk.s32 $0xffff, v8;
	_ =	sdelay $0x1  }
0x299: {  	s25 =	simm.s32 $0x12040;
	v9, _, _ =	vpop (xrf0)  }
0x29a: {  	(v2sf) =	vpush v9, $0xF;
	v9 =	vld [tilespmem:s25+$0x0];
	v11, _, _ =	vpop (xrf0)  }
0x29b: {  	v13, _, _ =	vpop (xrf0)  }
0x29c: {  	s26 =	spop (v2sf);
	v15 =	vbroadcast v13, $0xF;
	v63, _, _ =	vpop (xrf0)  }
0x29d: {  	s15 =	sadd.s32 s1, s26;
	v10, _, _ =	vpop (xrf0)  }
0x29e: {  	(v2sf) =	vpush v11, $0xF;
	vm0 =	veq.s32 v15, v2;
	v15 =	vadd.s32 s15, v10  }
0x29f: {  	(v2sf) =	vpush v13, $0xF;
	(xrf0) =	vadd.scan.msk.s32 $0xffff, v9;
	vm1 =	vlt.s32 v15, v4;
	v14 =	vnsel vm0, $0x0, v14  }
0x2a0: {  	s30 =	spop (v2sf);
	(v2sf) =	vpush v63, $0xF;
	(xrf0) =	vadd.scan.msk.s32 $0xffff, v14;
	v14 =	vsel vm1, $0x1, v0  }
0x2a1: {  	v12 =	vnsel vm0, $0x0, v12;
	(xrf0) =	vadd.scan.msk.s32 $0xffff, v14  }
0x2a2: {  	(xrf0) =	vadd.scan.msk.s32 $0xffff, v12;
	_ =	sdelay $0x1  }
0x2a3: {  	v9 =	vperm.xlane v9, v3  }
0x2a4: {  	v11, _, _ =	vpop (xrf0)  }
0x2a5: {  	s5 =	simm.s32 $0x6F;
	s4 =	simm.s32 $0x5F;
	(xrf0) =	vadd.scan.msk.s32 $0xffff, v9;
	(v2sf) =	vpush v11, $0xF;
	v11, _, _ =	vpop (xrf0)  }
0x2a6: {  	p3 =	por $0x1, $0x1;
	s10 =	simm.s32 $0x0;
	s2 =	simm.s32 $0x12030;
	v12, _, _ =	vpop (xrf0);
	(v2sf) =	vpush v11, $0xF  }
0x2a7: {  	s7 =	simm.s32 $0x1F;
	s6 =	simm.s32 $0x0;
	p6 =	slt.s32 s30, $0x10;
	v11 =	vld [tilespmem:s2+$0x0];
	(v2sf) =	vpush v12, $0xF;
	v14, _, _ =	vpop (xrf0)  }
0x2a8: {  	s16 =	simm.s32 $0x3F;
	p2 =	por !p3, !p6;
	s31 =	spop (v2sf);
	(v2sf) =	vpush v14, $0xF  }
0x2a9: {  	s14 =	simm.s32 $0x0;
	s23 =	simm.s32 $0x4F;
	p2 =	por !p2, !p2  }
0x2aa: {  	s25 =	simm.s32 $0x2F;
	s3 =	ssub.s32 $0x7F, s30;
	s14 =	simm.s32 @p2 $0x1;
	v13 =	vbroadcast v12, $0xF  }
0x2ab: {  	s10 =	smov.u32 @p2 s3;
	p2 =	por p2, p2;
	s3 =	sadd.s32 s15, s31;
	v12, _, _ =	vpop (xrf0)  }
.LBB2_25:
0x2ac: {  	p3 =	sne.s32 s7, $0xF;
	(xrf0) =	vadd.scan.msk.s32 $0xffff, v11;
	v14 =	vadd.s32 s3, v12;
	vm0 =	veq.s32 v13, v2;
	s8 =	spop (v2sf)  }
0x2ad: {  	vm1 =	vlt.s32 v14, v4;
	v13 =	vnsel vm0, $0x0, v10;
	v14 =	vnsel vm0, $0x0, v8;
	s9 =	spop (v2sf);
	s8 =	sadd.s32 s8, s6;
	v8 =	vmovc v9;
	v10 =	vmovc v12;
	s6 =	smov.u32 s1  }
0x2ae: {  	p5 =	seq.s32 s14, $0x0;
	v12 =	vsel vm1, $0x1, v0;
	(xrf0) =	vadd.scan.msk.s32 $0xffff, v13;
	p4 =	slt.s32 s9, $0x10;
	s1 =	spop (v2sf)  }
0x2af: {  	v9 =	vperm.xlane v11, v3;
	s9 =	ssub.s32 s5, s9;
	s5 =	ssub.s32 s0, s8;
	(xrf0) =	vadd.scan.msk.s32 $0xffff, v12;
	p4 =	por !p5, !p4  }
0x2b0: {  	s1 =	sadd.s32 s1, s5;
	s5 =	smov.u32 s4;
	(xrf0) =	vadd.scan.msk.s32 $0xffff, v14;
	p4 =	por !p4, !p4  }
0x2b1: {  	s4 =	smov.u32 s23;
	s28 =	smov.u32 @p2 s1;
	(xrf0) =	vadd.scan.msk.s32 $0xffff, v9;
	s14 =	simm.s32 @p4 $0x1  }
0x2b2: {  	s2 =	sadd.s32 $0xFFFFFFF0, s2;
	s23 =	smov.u32 s16;
	s10 =	smov.u32 @p4 s9;
	v12, _, _ =	vpop (xrf0)  }
.Ltmp11:
0x2b3: {  	s16 =	smov.u32 s25;
	s25 =	smov.u32 s7;
	v11 =	vld [tilespmem:s2+$0x0];
	(v2sf) =	vpush v12, $0xF;
	(pc) =	sbr.rel @p3 .LBB2_25-.Ltmp11, $4  }
0x2b4: {  	s1 =	smov.u32 s15;
	s15 =	smov.u32 s3;
	p2 =	por p4, p4;
	v12, _, _ =	vpop (xrf0)  }
0x2b5: {  	v14, _, _ =	vpop (xrf0);
	(v2sf) =	vpush v12, $0xF  }
0x2b6: {  	v13 =	vbroadcast v14, $0xF;
	(v2sf) =	vpush v14, $0xF;
	s8 =	spop (v2sf);
	v14, _, _ =	vpop (xrf0)  }
0x2b7: {  	s7 =	sadd.s32 $0xFFFFFFF0, s7;
	v12, _, _ =	vpop (xrf0);
	s3 =	sadd.s32 s3, s8;
	(v2sf) =	vpush v14, $0xF  }
0x2b8: {  	(xrf0) =	vadd.scan.msk.s32 $0xffff, v11;
	v14 =	vadd.s32 s3, v12;
	vm0 =	veq.s32 v13, v2  }
0x2b9: {  	vm1 =	vlt.s32 v14, v4;
	v10 =	vnsel vm0, $0x0, v10  }
0x2ba: {  	v13 =	vsel vm1, $0x1, v0;
	(xrf0) =	vadd.scan.msk.s32 $0xffff, v10  }
0x2bb: {  	v8 =	vnsel vm0, $0x0, v8;
	v10 =	vperm.xlane v11, v3;
	(xrf0) =	vadd.scan.msk.s32 $0xffff, v13  }
0x2bc: {  	(xrf0) =	vadd.scan.msk.s32 $0xffff, v8  }
0x2bd: {  	(xrf0) =	vadd.scan.msk.s32 $0xffff, v10  }
0x2be: {  	v8, _, _ =	vpop (xrf0)  }
0x2bf: {  	s7 =	spop (v2sf);
	s2 =	sadd.s32 $0xFFFFFFF0, s2;
	(v2sf) =	vpush v8, $0xF  }
0x2c0: {  	s13 =	spop (v2sf);
	v8 =	vld [tilespmem:s2+$0x0];
	v11, _, _ =	vpop (xrf0)  }
0x2c1: {  	s31 =	spop (v2sf);
	v13, _, _ =	vpop (xrf0)  }
0x2c2: {  	[dreg:$0x11] =	wrdreg s7;
	v14 =	vbroadcast v13, $0xF;
	s7 =	spop (v2sf);
	v15, _, _ =	vpop (xrf0)  }
0x2c3: {  	v16, _, _ =	vpop (xrf0);
	s17 =	sadd.s32 s3, s7  }
0x2c4: {  	v17 =	vadd.s32 s17, v16;
	vm0 =	veq.s32 v14, v2  }
0x2c5: {  	(xrf0) =	vadd.scan.msk.s32 $0xffff, v8;
	vm1 =	vlt.s32 v17, v4;
	v12 =	vnsel vm0, $0x0, v12  }
0x2c6: {  	v14 =	vsel vm1, $0x1, v0;
	(xrf0) =	vadd.scan.msk.s32 $0xffff, v12  }
0x2c7: {  	v8 =	vperm.xlane v8, v3;
	v9 =	vnsel vm0, $0x0, v9;
	(xrf0) =	vadd.scan.msk.s32 $0xffff, v14  }
0x2c8: {  	(xrf0) =	vadd.scan.msk.s32 $0xffff, v9  }
0x2c9: {  	(xrf0) =	vadd.scan.msk.s32 $0xffff, v8;
	_ =	sdelay $0x1  }
0x2ca: {  	s8 =	spop (v2sf);
	v9, _, _ =	vpop (xrf0)  }
0x2cb: {  	s21 =	spop (v2sf);
	v12, _, _ =	vpop (xrf0)  }
0x2cc: {  	s9 =	spop (v2sf);
	v14, _, _ =	vpop (xrf0)  }
0x2cd: {  	v61 =	vbroadcast v14, $0xF;
	s11 =	spop (v2sf);
	v18, _, _ =	vpop (xrf0)  }
0x2ce: {  	v19, _, _ =	vpop (xrf0);
	s20 =	sadd.s32 s17, s11  }
0x2cf: {  	vm0 =	veq.s32 v61, v2;
	v62 =	vadd.s32 s20, v19  }
0x2d0: {  	vm1 =	vlt.s32 v62, v4;
	v4 =	vnsel vm0, $0x0, v16  }
0x2d1: {  	v63 =	vsel vm1, $0x1, v0;
	(xrf0) =	vadd.scan.msk.s32 $0xffff, v4  }
0x2d2: {  	(xrf0) =	vadd.scan.msk.s32 $0xffff, v63;
	_ =	sdelay $0x4  }
0x2d3: {  	v4, _, _ =	vpop (xrf0)  }
0x2d4: {  	v16, _, _ =	vpop (xrf0)  }
0x2d5: {  	(v2sf) =	vpush v11, $0xF;
	v11 =	vbroadcast v16, $0xF  }
0x2d6: {  	v7 =	vbroadcast v7, $0xF  }
0x2d7: {  	(v2sf) =	vpush v13, $0xF;
	v10 =	vnsel vm0, $0x0, v10;
	vm1 =	veq.s32 v11, v2  }
0x2d8: {  	(v2sf) =	vpush v15, $0xF;
	(xrf0) =	vadd.scan.msk.s32 $0xffff, v10;
	v10 =	vnsel vm1, $0x0, v19  }
0x2d9: {  	(v2sf) =	vpush v9, $0xF;
	vm0 =	veq.s32 v7, v2;
	v8 =	vnsel vm1, $0x0, v8;
	(xrf0) =	vadd.scan.msk.s32 $0xffff, v10  }
0x2da: {  	(v2sf) =	vpush v12, $0xF;
	v6 =	vnsel vm0, $0x0, v6;
	(xrf0) =	vadd.scan.msk.s32 $0xffff, v8  }
0x2db: {  	(v2sf) =	vpush v14, $0xF;
	v5 =	vnsel vm0, $0x0, v5;
	(xrf0) =	vadd.scan.msk.s32 $0xffff, v6  }
0x2dc: {  	s12 =	simm.s32 $0x12080;
	(v2sf) =	vpush v18, $0xF;
	(xrf0) =	vadd.scan.msk.s32 $0xffff, v5  }
0x2dd: {  	v9 =	vld [tilespmem:s12+$0x0];
	(v2sf) =	vpush v4, $0xF  }
0x2de: {  	(v2sf) =	vpush v16, $0xF;
	v4, _, _ =	vpop (xrf0)  }
0x2df: {  	(v2sf) =	vpush v4, $0xF;
	v4, _, _ =	vpop (xrf0)  }
0x2e0: {  	(v2sf) =	vpush v4, $0xF;
	v4, _, _ =	vpop (xrf0)  }
0x2e1: {  	(v2sf) =	vpush v4, $0xF;
	v4, _, _ =	vpop (xrf0)  }
0x2e2: {  	(v2sf) =	vpush v4, $0xF;
	v4, _, _ =	vpop (xrf0);
	(xrf0) =	vadd.scan.msk.s32 $0xffff, v9  }
0x2e3: {  	(v2sf) =	vpush v4, $0xF;
	_ =	sdelay $0x1  }
0x2e4: {  	s11 =	spop (v2sf)  }
0x2e5: {  	[dreg:$0x14] =	wrdreg s8;
	s8 =	spop (v2sf)  }
0x2e6: {  	s12 =	spop (v2sf)  }
0x2e7: {  	s2 =	simm.s32 $0x12090;
	s19 =	spop (v2sf);
	v10, _, _ =	vpop (xrf0)  }
0x2e8: {  	s19 =	spop (v2sf);
	v4 =	vld [tilespmem:s2+$0x0];
	(v2sf) =	vpush v10, $0xF  }
0x2e9: {  	[dreg:$0x13] =	wrdreg s9;
	s9 =	spop (v2sf)  }
0x2ea: {  	[dreg:$0x12] =	wrdreg s31;
	s31 =	spop (v2sf)  }
0x2eb: {  	s30 =	spop (v2sf)  }
0x2ec: {  	s26 =	spop (v2sf)  }
0x2ed: {  	s24 =	spop (v2sf);
	(xrf0) =	vadd.scan.msk.s32 $0xffff, v4  }
0x2ee: {  	[dreg:$0x15] =	wrdreg s24;
	s24 =	spop (v2sf)  }
0x2ef: {  	s7 =	spop (v2sf)  }
0x2f0: {  	[dreg:$0x10] =	wrdreg s7;
	s7 =	spop (v2sf)  }
0x2f1: {  	s2 =	ssub.s32 s29, s7;
	s29 =	spop (v2sf);
	s7 =	rddreg [dreg:$0x11]  }
0x2f2: {  	s2 =	sadd.s32 s29, s2;
	s29 =	simm.s32 $0x0;
	s6 =	sadd.s32 s7, s6  }
0x2f3: {  	v11, _, _ =	vpop (xrf0);
	s7 =	rddreg [dreg:$0x12];
	s2 =	simm.s32 @!p1 $0x0;
	s6 =	ssub.s32 s0, s6  }
0x2f4: {  	(v2sf) =	vpush v11, $0xF;
	v6 =	vadd.s32 s29, v10;
	v5 =	vmov s2;
	s6 =	sadd.s32 s7, s6;
	s7 =	simm.s32 $0x120A0  }
0x2f5: {  	p3 =	seq.s32 s14, $0x0;
	p4 =	slt.s32 s13, $0x10;
	vm0 =	vlt.s32 v6, v5;
	v6 =	vld [tilespmem:s7+$0x0]  }
0x2f6: {  	s5 =	ssub.s32 s5, s13;
	s13 =	rddreg [dreg:$0x14];
	p1 =	por !p3, !p4;
	v7 =	vsel vm0, $0x1, v0  }
0x2f7: {  	p1 =	por !p1, !p1;
	s7 =	sadd.s32 s11, s15;
	(xrf0) =	vadd.scan.msk.s32 $0xffff, v7;
	s11 =	spop (v2sf)  }
0x2f8: {  	s1 =	sadd.s32 s13, s1;
	s14 =	simm.s32 @p1 $0x1;
	s15 =	sadd.s32 $0x0, s11  }
0x2f9: {  	p5 =	slt.s32 s21, $0x10;
	s1 =	ssub.s32 s0, s1;
	p6 =	seq.s32 s14, $0x0;
	v8 =	vadd.s32 s15, v11  }
0x2fa: {  	s28 =	smov.u32 @p2 s6;
	s10 =	smov.u32 @p1 s5;
	p2 =	por !p6, !p5;
	(xrf0) =	vadd.scan.msk.s32 $0xffff, v6;
	vm0 =	vlt.s32 v8, v5  }
0x2fb: {  	s6 =	rddreg [dreg:$0x13];
	p3 =	por p1, p1;
	p1 =	por !p2, !p2;
	v8 =	vsel vm0, $0x1, v0  }
0x2fc: {  	s1 =	sadd.s32 s6, s1;
	s14 =	simm.s32 @p1 $0x1;
	(xrf0) =	vadd.scan.msk.s32 $0xffff, v8  }
0x2fd: {  	s28 =	smov.u32 @p3 s1;
	p3 =	slt.s32 s8, $0x10;
	p4 =	seq.s32 s14, $0x0;
	v7, _, _ =	vpop (xrf0)  }
0x2fe: {  	s4 =	ssub.s32 s4, s21;
	p2 =	por !p4, !p3;
	v12 =	vbroadcast v7, $0xF  }
0x2ff: {  	s10 =	smov.u32 @p1 s4;
	p3 =	por p1, p1;
	p1 =	por !p2, !p2  }
0x300: {  	s13 =	sadd.s32 s19, s3;
	s3 =	ssub.s32 s16, s9;
	s14 =	simm.s32 @p1 $0x1;
	(v2sf) =	vpush v7, $0xF;
	v8, _, _ =	vpop (xrf0)  }
0x301: {  	s16 =	simm.s32 $0x120B0;
	p5 =	slt.s32 s9, $0x10;
	p6 =	seq.s32 s14, $0x0;
	vm0 =	veq.s32 v12, v2;
	(v2sf) =	vpush v8, $0xF  }
0x302: {  	s4 =	ssub.s32 s23, s8;
	v7 =	vld [tilespmem:s16+$0x0];
	p2 =	por !p6, !p5;
	v10 =	vnsel vm0, $0x0, v10;
	v12, _, _ =	vpop (xrf0)  }
0x303: {  	s10 =	smov.u32 @p1 s4;
	s21 =	spop (v2sf);
	p2 =	por !p2, !p2;
	v9 =	vnsel vm0, $0x0, v9;
	(xrf0) =	vadd.scan.msk.s32 $0xffff, v10;
	v10 =	vbroadcast v12, $0xF  }
0x304: {  	s10 =	smov.u32 @p2 s3;
	s3 =	sadd.s32 s15, s21;
	(xrf0) =	vadd.scan.msk.s32 $0xffff, v9  }
0x305: {  	s19 =	sadd.s32 s30, s17;
	s24 =	sadd.s32 s24, s20;
	v13 =	vadd.s32 s3, v8;
	vm1 =	veq.s32 v10, v2  }
0x306: {  	s5 =	simm.s32 $0x0;
	s6 =	simm.s32 $0x20;
	s1 =	ssub.s32 s0, s7;
	vm0 =	vlt.s32 v13, v5;
	v10 =	vnsel vm1, $0x0, v11  }
0x307: {  	s9 =	simm.s32 $0x60;
	s7 =	simm.s32 $0x0;
	s1 =	sadd.s32 s12, s1;
	(xrf0) =	vadd.scan.msk.s32 $0xffff, v7;
	v9 =	vsel vm0, $0x1, v0  }
0x308: {  	s23 =	rddreg [dreg:$0x15];
	s8 =	simm.s32 $0x120C0;
	s28 =	smov.u32 @p3 s1;
	(xrf0) =	vadd.scan.msk.s32 $0xffff, v9  }
0x309: {  	s1 =	ssub.s32 s0, s13;
	p3 =	slt.s32 s26, $0x10;
	s14 =	simm.s32 @p2 $0x1;
	(v2sf) =	vpush v12, $0xF;
	(xrf0) =	vadd.scan.msk.s32 $0xffff, v10;
	v10, _, _ =	vpop (xrf0)  }
0x30a: {  	s1 =	sadd.s32 s31, s1;
	p1 =	por p1, p1;
	p4 =	seq.s32 s14, $0x0;
	(v2sf) =	vpush v10, $0xF;
	v10, _, _ =	vpop (xrf0)  }
0x30b: {  	s28 =	smov.u32 @p1 s1;
	p1 =	por p2, p2;
	p2 =	por !p4, !p3;
	(v2sf) =	vpush v10, $0xF  }
0x30c: {  	s4 =	ssub.s32 s25, s26;
	s25 =	ssub.s32 s0, s24;
	p2 =	por !p2, !p2  }
0x30d: {  	s26 =	rddreg [dreg:$0x10];
	s1 =	ssub.s32 s0, s19;
	s10 =	smov.u32 @p2 s4  }
0x30e: {  	s1 =	sadd.s32 s23, s1;
	p6 =	por $0x1, $0x1;
	v9 =	vld [tilespmem:s8+$0x0];
	s0 =	sshll.u32 s10, $0x4;
	v4 =	vnsel vm1, $0x0, v4;
	v10, _, _ =	vpop (xrf0)  }
0x30f: {  	s28 =	smov.u32 @p1 s1;
	s1 =	sadd.s32 s26, s25;
	v11 =	vld [tilespmem:s0+$0x10000];
	(xrf0) =	vadd.scan.msk.s32 $0xffff, v4;
	v12, _, _ =	vpop (xrf0);
	s30 =	spop (v2sf);
	(v2sf) =	vpush v10, $0xF  }
0x310: {  	p1 =	por p2, p2;
	p5 =	slt.s32 s30, $0x10;
	s31 =	spop (v2sf);
	(v2sf) =	vpush v12, $0xF  }
0x311: {  	s23 =	simm.s32 $0x10;
	s28 =	smov.u32 @p1 s1;
	p1 =	por !p6, !p5  }
0x312: {  	s1 =	simm.s32 $0x0;
	s4 =	sadd.s32 $0x0, s30;
	p1 =	por !p1, !p1  }
0x313: {  	s14 =	simm.s32 $0x30;
	s10 =	simm.s32 $0x40;
	(xrf0) =	vadd.scan.msk.s32 $0xffff, v9;
	s1 =	smov.u32 @p1 s4  }
0x314: {  	v4 =	vperm.xlane v11, v3;
	v11 =	vbroadcast v12, $0xF;
	v12, _, _ =	vpop (xrf0);
	s4 =	simm.s32 $0x50;
	s5 =	simm.s32 @p1 $0x1;
	s16 =	sadd.s32 s3, s31  }
.LBB2_27:
0x315: {  	p2 =	sne.s32 s9, $0x70;
	v13 =	vadd.s32 s16, v10;
	(v2sf) =	vpush v12, $0xF;
	v12, _, _ =	vpop (xrf0);
	s11 =	smov.u32 s7;
	s7 =	smov.u32 s15  }
0x316: {  	s15 =	smov.u32 s3;
	s3 =	smov.u32 s16;
	p3 =	por p1, p1;
	vm0 =	vlt.s32 v13, v5;
	vm1 =	veq.s32 v11, v2;
	(v2sf) =	vpush v12, $0xF  }
0x317: {  	v11 =	vsel vm0, $0x1, v0;
	v12 =	vnsel vm1, $0x0, v8;
	v13 =	vnsel vm1, $0x0, v6;
	v6 =	vmovc v7;
	v7 =	vmovc v9  }
0x318: {  	s8 =	sadd.s32 $0x10, s8;
	p4 =	seq.s32 s5, $0x0;
	v8 =	vmov v10;
	(xrf0) =	vadd.scan.msk.s32 $0xffff, v11;
	s12 =	spop (v2sf)  }
0x319: {  	v9 =	vld [tilespmem:s8+$0x0];
	v10, _, _ =	vpop (xrf0);
	(xrf0) =	vadd.scan.msk.s32 $0xffff, v12;
	p1 =	slt.s32 s12, $0x10;
	s13 =	spop (v2sf);
	s12 =	sadd.s32 s23, s12  }
0x31a: {  	(v2sf) =	vpush v10, $0xF;
	(xrf0) =	vadd.scan.msk.s32 $0xffff, v13;
	p1 =	por !p4, !p1;
	s11 =	sadd.s32 s13, s11;
	s13 =	spop (v2sf)  }
.Ltmp12:
0x31b: {  	p1 =	por !p1, !p1;
	s11 =	ssub.s32 s2, s11;
	(pc) =	sbr.rel @p2 .LBB2_27-.Ltmp12, $4  }
0x31c: {  	s1 =	smov.u32 @p1 s12;
	s5 =	simm.s32 @p1 $0x1;
	s11 =	sadd.s32 s13, s11  }
0x31d: {  	s23 =	smov.u32 s6;
	s6 =	smov.u32 s14;
	s29 =	smov.u32 @p3 s11  }
0x31e: {  	s14 =	smov.u32 s10;
	s10 =	smov.u32 s4;
	(xrf0) =	vadd.scan.msk.s32 $0xffff, v9;
	v12, _, _ =	vpop (xrf0);
	s11 =	spop (v2sf)  }
0x31f: {  	s4 =	smov.u32 s9;
	s9 =	sadd.s32 $0x10, s9;
	v11 =	vbroadcast v12, $0xF;
	s16 =	sadd.s32 s16, s11;
	(v2sf) =	vpush v12, $0xF;
	v12, _, _ =	vpop (xrf0)  }
0x320: {  	_ =	sdelay $0x2  }
0x321: {  	(v2sf) =	vpush v12, $0xF;
	v52, _, _ =	vpop (xrf0)  }
0x322: {  	(v2sf) =	vpush v52, $0xF;
	v53, _, _ =	vpop (xrf0)  }
0x323: {  	(v2sf) =	vpush v53, $0xF;
	_ =	sdelay $0x3  }
0x324: {  	v13 =	vadd.s32 s16, v10;
	s8 =	sadd.s32 $0x10, s8  }
0x325: {  	vm0 =	vlt.s32 v13, v5;
	v54 =	vld [tilespmem:s8+$0x0]  }
0x326: {  	vm1 =	veq.s32 v11, v2;
	v55 =	vsel vm0, $0x1, v0  }
0x327: {  	v8 =	vnsel vm1, $0x0, v8;
	(xrf0) =	vadd.scan.msk.s32 $0xffff, v55  }
0x328: {  	s13 =	spop (v2sf);
	v6 =	vnsel vm1, $0x0, v6;
	(xrf0) =	vadd.scan.msk.s32 $0xffff, v8  }
0x329: {  	s17 =	spop (v2sf);
	(xrf0) =	vadd.scan.msk.s32 $0xffff, v6  }
0x32a: {  	s19 =	spop (v2sf);
	(xrf0) =	vadd.scan.msk.s32 $0xffff, v54  }
0x32b: {  	s26 =	spop (v2sf)  }
0x32c: {  	s11 =	spop (v2sf)  }
0x32d: {  	v6, _, _ =	vpop (xrf0);
	s8 =	sadd.s32 s16, s26;
	s20 =	spop (v2sf)  }
0x32e: {  	v56 =	vbroadcast v6, $0xF;
	v57, _, _ =	vpop (xrf0);
	v14 =	vadd.s32 s8, v53;
	s12 =	spop (v2sf)  }
0x32f: {  	v15, _, _ =	vpop (xrf0);
	vm0 =	vlt.s32 v14, v5;
	s9 =	spop (v2sf)  }
0x330: {  	vm1 =	veq.s32 v56, v2;
	v58 =	vsel vm0, $0x1, v0;
	v59, _, _ =	vpop (xrf0);
	s9 =	sadd.s32 s8, s9  }
0x331: {  	v60 =	vnsel vm1, $0x0, v10;
	(xrf0) =	vadd.scan.msk.s32 $0xffff, v58;
	v61 =	vadd.s32 s9, v59  }
0x332: {  	(xrf0) =	vadd.scan.msk.s32 $0xffff, v60;
	vm0 =	vlt.s32 v61, v5;
	v5 =	vnsel vm1, $0x0, v7  }
0x333: {  	(xrf0) =	vadd.scan.msk.s32 $0xffff, v5;
	v5 =	vsel vm0, $0x1, v0  }
0x334: {  	(xrf0) =	vadd.scan.msk.s32 $0xffff, v5;
	_ =	sdelay $0x1  }
0x335: {  	(v2sf) =	vpush v6, $0xF  }
0x336: {  	(v2sf) =	vpush v57, $0xF;
	v5, _, _ =	vpop (xrf0)  }
0x337: {  	(v2sf) =	vpush v15, $0xF;
	v6, _, _ =	vpop (xrf0)  }
0x338: {  	(v2sf) =	vpush v59, $0xF;
	v7 =	vbroadcast v5, $0xF;
	v62, _, _ =	vpop (xrf0)  }
0x339: {  	(v2sf) =	vpush v5, $0xF;
	v5, _, _ =	vpop (xrf0)  }
0x33a: {  	vm0 =	veq.s32 v7, v2;
	v7 =	vbroadcast v5, $0xF  }
0x33b: {  	v63 =	vnsel vm0, $0x0, v53  }
0x33c: {  	v9 =	vnsel vm0, $0x0, v9;
	(xrf0) =	vadd.scan.msk.s32 $0xffff, v63;
	vm0 =	veq.s32 v7, v2  }
0x33d: {  	(xrf0) =	vadd.scan.msk.s32 $0xffff, v9;
	v7 =	vnsel vm0, $0x0, v59  }
0x33e: {  	p3 =	seq.s32 s5, $0x0;
	p2 =	slt.s32 s13, $0x10;
	(v2sf) =	vpush v6, $0xF;
	(xrf0) =	vadd.scan.msk.s32 $0xffff, v7  }
0x33f: {  	p2 =	por !p3, !p2;
	v6 =	vnsel vm0, $0x0, v54  }
0x340: {  	p1 =	por p1, p1;
	p2 =	por !p2, !p2;
	s7 =	sadd.s32 s17, s7;
	(v2sf) =	vpush v62, $0xF;
	(xrf0) =	vadd.scan.msk.s32 $0xffff, v6  }
0x341: {  	s13 =	sadd.s32 s23, s13;
	s5 =	simm.s32 @p2 $0x1;
	s7 =	ssub.s32 s2, s7  }
0x342: {  	s1 =	smov.u32 @p2 s13;
	p4 =	seq.s32 s5, $0x0;
	s7 =	sadd.s32 s19, s7;
	(v2sf) =	vpush v5, $0xF;
	v5, _, _ =	vpop (xrf0)  }
0x343: {  	s29 =	smov.u32 @p1 s7;
	p6 =	slt.s32 s11, $0x10;
	s6 =	sadd.s32 s6, s11;
	(v2sf) =	vpush v5, $0xF;
	v5, _, _ =	vpop (xrf0)  }
0x344: {  	p3 =	por !p4, !p6;
	s30 =	sadd.s32 s20, s15;
	s31 =	spop (v2sf);
	(v2sf) =	vpush v5, $0xF;
	v5, _, _ =	vpop (xrf0)  }
0x345: {  	p1 =	por !p3, !p3;
	s7 =	ssub.s32 s2, s30;
	s13 =	spop (v2sf);
	(v2sf) =	vpush v5, $0xF  }
0x346: {  	p2 =	por p2, p2;
	s1 =	smov.u32 @p1 s6;
	s6 =	sadd.s32 s12, s7;
	v5, _, _ =	vpop (xrf0)  }
0x347: {  	s5 =	simm.s32 @p1 $0x1;
	p1 =	por p1, p1;
	s15 =	spop (v2sf);
	(v2sf) =	vpush v5, $0xF  }
0x348: {  	s29 =	smov.u32 @p2 s6;
	p6 =	seq.s32 s5, $0x0;
	p5 =	slt.s32 s31, $0x10  }
0x349: {  	s7 =	sadd.s32 s14, s31;
	p2 =	por !p6, !p5;
	s3 =	sadd.s32 s13, s3  }
0x34a: {  	s17 =	spop (v2sf);
	p2 =	por !p2, !p2;
	s3 =	ssub.s32 s2, s3  }
0x34b: {  	s1 =	smov.u32 @p2 s7;
	s5 =	simm.s32 @p2 $0x1;
	s3 =	sadd.s32 s15, s3  }
0x34c: {  	p2 =	por p2, p2;
	s29 =	smov.u32 @p1 s3;
	s6 =	spop (v2sf)  }
0x34d: {  	p4 =	seq.s32 s5, $0x0;
	p3 =	slt.s32 s6, $0x10;
	s19 =	spop (v2sf)  }
0x34e: {  	s6 =	sadd.s32 s10, s6;
	p1 =	por !p4, !p3;
	s3 =	sadd.s32 s19, s16  }
0x34f: {  	p1 =	por !p1, !p1;
	s20 =	spop (v2sf);
	s3 =	ssub.s32 s2, s3  }
0x350: {  	s1 =	smov.u32 @p1 s6;
	s5 =	simm.s32 @p1 $0x1;
	s3 =	sadd.s32 s20, s3  }
0x351: {  	s21 =	spop (v2sf);
	p1 =	por p1, p1;
	s29 =	smov.u32 @p2 s3  }
0x352: {  	p5 =	slt.s32 s21, $0x10;
	p6 =	seq.s32 s5, $0x0;
	s23 =	spop (v2sf)  }
0x353: {  	s4 =	sadd.s32 s4, s21;
	p2 =	por !p6, !p5;
	s24 =	spop (v2sf)  }
0x354: {  	p2 =	por !p2, !p2;
	s3 =	sadd.s32 s23, s8;
	s25 =	spop (v2sf)  }
0x355: {  	s1 =	smov.u32 @p2 s4;
	s3 =	ssub.s32 s2, s3;
	s26 =	sadd.s32 s25, s9  }
0x356: {  	s3 =	sadd.s32 s24, s3;
	s30 =	spop (v2sf);
	s31 =	ssub.s32 s2, s26  }
0x357: {  	s29 =	smov.u32 @p1 s3;
	p1 =	por p2, p2;
	s2 =	sadd.s32 s30, s31  }
0x358: {  	s1 =	sshll.u32 s1, $0x4;
	s29 =	smov.u32 @p1 s2;
	s2 =	simm.s32 $0x10040  }
0x359: {  	v5 =	vld [tilespmem:s1+$0x10800];
	[tilespmem:s2+$0xFFFFFFC0] =	vst v0  }
0x35a: {  	[tilespmem:s2+$0x30] =	vst v0  }
0x35b: {  	[tilespmem:s2+$0x20] =	vst v0  }
0x35c: {  	[tilespmem:s2+$0x10] =	vst v0  }
0x35d: {  	[tilespmem:s2+$0x0] =	vst v0  }
0x35e: {  	[tilespmem:s2+$0xFFFFFFF0] =	vst v0  }
0x35f: {  	s3 =	simm.s32 $0x0;
	[tilespmem:s2+$0xFFFFFFE0] =	vst v0  }
.LBB2_29:
0x360: {  	s3 =	sadd.s32 $0x8, s3;
	[tilespmem:s2+$0xFFFFFFD0] =	vst v0;
	s2 =	sadd.s32 $0x80, s2  }
0x361: {  	[tilespmem:s2+$0xFFFFFFC0] =	vst v0;
	p1 =	slt.u32 s3, $0x18  }
0x362: {  	[tilespmem:s2+$0x30] =	vst v0  }
.Ltmp13:
0x363: {  	[tilespmem:s2+$0x20] =	vst v0;
	(pc) =	sbr.rel @p1 .LBB2_29-.Ltmp13, $4  }
0x364: {  	[tilespmem:s2+$0x10] =	vst v0  }
0x365: {  	[tilespmem:s2+$0x0] =	vst v0  }
0x366: {  	[tilespmem:s2+$0xFFFFFFF0] =	vst v0  }
0x367: {  	[tilespmem:s2+$0xFFFFFFE0] =	vst v0  }
0x368: {  	(xrf0) =	vadd.scan.msk.s32 $0xffff, v4;
	_ =	sdelay $0x5  }
0x369: {  	v8, _, _ =	vpop (xrf0)  }
0x36a: {  	vm0 =	vlt.s32 v8, s28  }
0x36b: {  	v6 =	vsel vm0, $0x1, v0  }
0x36c: {  	(xrf0) =	vadd.scan.msk.s32 $0xffff, v6  }
0x36d: {  	(xrf0) =	vadd.scan.msk.s32 $0xffff, v5;
	_ =	sdelay $0x4  }
0x36e: {  	v9, _, _ =	vpop (xrf0)  }
0x36f: {  	v6, _, _ =	vpop (xrf0)  }
0x370: {  	vm0 =	vlt.s32 v6, s29  }
0x371: {  	v7 =	vsel vm0, $0x1, v0  }
0x372: {  	(xrf0) =	vadd.scan.msk.s32 $0xffff, v7;
	_ =	sdelay $0x4  }
0x373: {  	(v2sf) =	vpush v9, $0xF  }
0x374: {  	v7, _, _ =	vpop (xrf0)  }
0x375: {  	(v2sf) =	vpush v7, $0xF;
	_ =	sdelay $0xa  }
0x376: {  	[tilespmem:s2+$0xFFFFFFD0] =	vst v0;
	s26 =	simm.s32 $0x40  }
0x377: {  	s4 =	rddreg [dreg:$0xd];
	v12 =	vld [tilespmem:s26+$0x30]  }
0x378: {  	s5 =	rddreg [dreg:$0xe];
	v13 =	vld [tilespmem:s26+$0xFFFFFFC0];
	s25 =	spop (v2sf)  }
0x379: {  	s4 =	sshll.u32 s4, $0xB;
	p2 =	slt.s32 s25, $0x10;
	s2 =	ssub.s32 $0xF, s25  }
0x37a: {  	s0 =	sadd.s32 s4, s0;
	s2 =	simm.s32 @!p2 $0x0;
	s3 =	spop (v2sf)  }
0x37b: {  	s5 =	sshll.u32 s5, $0xB;
	s31 =	sadd.s32 s2, s0;
	p1 =	slt.s32 s3, $0x10  }
0x37c: {  	s1 =	sadd.s32 s5, s1;
	v14 =	vshrl.u32 v12, $0x8;
	v11 =	vmov s31;
	s3 =	simm.s32 @!p1 $0x0  }
0x37d: {  	v16 =	vld [tilespmem:s26+$0xFFFFFFF0];
	v15 =	vshrl.u32 v13, $0x8;
	vm0 =	veq.s32 v14, v11;
	s30 =	sadd.s32 s3, s1  }
0x37e: {  	v17 =	vld [tilespmem:s26+$0xFFFFFFE0];
	v12 =	vand.u32 $0xFF, v12;
	vm1 =	veq.s32 v15, v11;
	v10 =	vmov s30  }
0x37f: {  	v18 =	vld [tilespmem:s26+$0xFFFFFFD0];
	v13 =	vand.u32 $0xFF, v13;
	vm4 =	veq.s32 v14, v10  }
0x380: {  	v20 =	vld [tilespmem:s26+$0x20];
	v19 =	vor.u32 $0x100, v12;
	_ =	sdelay $0x1  }
0x381: {  	vm7 =	veq.s32 v15, v10;
	v14 =	vshrl.u32 v16, $0x8  }
0x382: {  	[tilespmem:v12+s18+$0x0] =	vst.idx.add.s32.msk vm0, v1;
	v15 =	vor.u32 $0x100, v13;
	vm10 =	veq.s32 v14, v11  }
0x383: {  	v22 =	vand.u32 $0xFF, v16;
	v21 =	vshrl.u32 v18, $0x8;
	[tilespmem:v13+s18+$0x0] =	vst.idx.add.s32.msk vm1, v1  }
0x384: {  	v23 =	vshrl.u32 v17, $0x8;
	v24 =	vshrl.u32 v20, $0x8;
	v20 =	vand.u32 $0xFF, v20;
	[tilespmem:v19+s18+$0x0] =	vst.idx.add.s32.msk vm4, v1  }
0x385: {  	vm6 =	veq.s32 v21, v11;
	vm9 =	veq.s32 v24, v11;
	v12 =	vor.u32 $0x100, v22;
	v19 =	vld [tilespmem:s26+$0x0]  }
0x386: {  	v16 =	vand.u32 $0xFF, v17;
	v17 =	vand.u32 $0xFF, v18;
	v18 =	vld [tilespmem:s26+$0x10];
	vm8 =	veq.s32 v24, v10  }
0x387: {  	vm5 =	veq.s32 v23, v10;
	vm4 =	veq.s32 v21, v10;
	[tilespmem:v15+s18+$0x0] =	vst.idx.add.s32.msk vm7, v1;
	v21 =	vor.u32 $0x100, v20  }
0x388: {  	s0 =	simm.s32 $0x0;
	s1 =	simm.s32 $0xC0;
	v13 =	vor.u32 $0x100, v16;
	v15 =	vor.u32 $0x100, v17;
	vm7 =	veq.s32 v23, v11;
	[tilespmem:v22+s18+$0x0] =	vst.idx.add.s32.msk vm10, v1  }
.LBB2_31:
0x389: {  	v22 =	vld [tilespmem:s1+$0x30];
	s0 =	sadd.s32 $0x8, s0  }
0x38a: {  	v23 =	vld [tilespmem:s1+$0xFFFFFFC0];
	p3 =	slt.u32 s0, $0xFF8;
	v24 =	vshrl.u32 v19, $0x8  }
0x38b: {  	vm0 =	veq.s32 v24, v11;
	[tilespmem:v20+s18+$0x0] =	vst.idx.add.s32.msk vm9, v1  }
0x38c: {  	v19 =	vand.u32 $0xFF, v19;
	vm1 =	veq.s32 v24, v10;
	v20 =	vshrl.u32 v18, $0x8;
	[tilespmem:v21+s18+$0x0] =	vst.idx.add.s32.msk vm8, v1  }
0x38d: {  	v24 =	vor.u32 $0x100, v19;
	v21 =	vld [tilespmem:s1+$0xFFFFFFE0];
	vm9 =	veq.s32 v20, v11  }
0x38e: {  	v18 =	vand.u32 $0xFF, v18;
	vm10 =	veq.s32 v20, v10;
	v25 =	vld [tilespmem:s1+$0xFFFFFFD0]  }
0x38f: {  	v28 =	vor.u32 $0x100, v18;
	v27 =	vshrl.u32 v22, $0x8;
	v20 =	vshrl.u32 v23, $0x8;
	v26 =	vld [tilespmem:s1+$0xFFFFFFF0]  }
0x390: {  	vm8 =	veq.s32 v27, v11;
	[tilespmem:v17+s18+$0x0] =	vst.idx.add.s32.msk vm6, v1  }
0x391: {  	v17 =	vand.u32 $0xFF, v22;
	vm6 =	veq.s32 v14, v10;
	[tilespmem:v19+s18+$0x0] =	vst.idx.add.s32.msk vm0, v1  }
0x392: {  	[tilespmem:v16+s18+$0x0] =	vst.idx.add.s32.msk vm7, v1  }
0x393: {  	vm7 =	veq.s32 v27, v10;
	[tilespmem:v24+s18+$0x0] =	vst.idx.add.s32.msk vm1, v1  }
0x394: {  	v19 =	vor.u32 $0x100, v17;
	[tilespmem:v18+s18+$0x0] =	vst.idx.add.s32.msk vm9, v1  }
0x395: {  	vm0 =	veq.s32 v20, v11;
	[tilespmem:v28+s18+$0x0] =	vst.idx.add.s32.msk vm10, v1  }
0x396: {  	v18 =	vand.u32 $0xFF, v23;
	v22 =	vld [tilespmem:s1+$0x20]  }
0x397: {  	v23 =	vand.u32 $0xFF, v26;
	[tilespmem:v12+s18+$0x0] =	vst.idx.add.s32.msk vm6, v1  }
0x398: {  	vm1 =	veq.s32 v20, v10;
	v14 =	vshrl.u32 v26, $0x8;
	v12 =	vor.u32 $0x100, v23;
	[tilespmem:v13+s18+$0x0] =	vst.idx.add.s32.msk vm5, v1  }
0x399: {  	v24 =	vshrl.u32 v25, $0x8;
	v26 =	vshrl.u32 v21, $0x8;
	v20 =	vor.u32 $0x100, v18;
	[tilespmem:v15+s18+$0x0] =	vst.idx.add.s32.msk vm4, v1  }
0x39a: {  	v16 =	vand.u32 $0xFF, v21;
	vm10 =	veq.s32 v14, v11;
	vm6 =	veq.s32 v24, v11;
	[tilespmem:v17+s18+$0x0] =	vst.idx.add.s32.msk vm8, v1  }
0x39b: {  	v13 =	vor.u32 $0x100, v16;
	v17 =	vand.u32 $0xFF, v25;
	[tilespmem:v18+s18+$0x0] =	vst.idx.add.s32.msk vm0, v1;
	v18 =	vshrl.u32 v22, $0x8  }
.Ltmp14:
0x39c: {  	vm5 =	veq.s32 v26, v10;
	vm4 =	veq.s32 v24, v10;
	[tilespmem:v19+s18+$0x0] =	vst.idx.add.s32.msk vm7, v1;
	(pc) =	sbr.rel @p3 .LBB2_31-.Ltmp14, $4  }
0x39d: {  	v15 =	vor.u32 $0x100, v17;
	vm7 =	veq.s32 v26, v11;
	vm9 =	veq.s32 v18, v11;
	v19 =	vld [tilespmem:s1+$0x0]  }
0x39e: {  	vm8 =	veq.s32 v18, v10;
	[tilespmem:v20+s18+$0x0] =	vst.idx.add.s32.msk vm1, v1;
	v20 =	vand.u32 $0xFF, v22  }
0x39f: {  	v18 =	vld [tilespmem:s1+$0x10];
	v21 =	vor.u32 $0x100, v20  }
0x3a0: {  	s1 =	sadd.s32 $0x80, s1;
	[tilespmem:v23+s18+$0x0] =	vst.idx.add.s32.msk vm10, v1  }
0x3a1: {  	_ =	sdelay $0x4  }
0x3a2: {  	[tilespmem:v20+s18+$0x0] =	vst.idx.add.s32.msk vm9, v1;
	vm15 =	veq.s32 v14, v10;
	v22 =	vshrl.u32 v19, $0x8  }
0x3a3: {  	[tilespmem:v17+s18+$0x0] =	vst.idx.add.s32.msk vm6, v1;
	vm0 =	veq.s32 v22, v11  }
0x3a4: {  	[tilespmem:v16+s18+$0x0] =	vst.idx.add.s32.msk vm7, v1;
	v19 =	vand.u32 $0xFF, v19;
	vm1 =	veq.s32 v22, v10;
	v22 =	vshrl.u32 v18, $0x8  }
0x3a5: {  	[tilespmem:v21+s18+$0x0] =	vst.idx.add.s32.msk vm8, v1;
	v20 =	vor.u32 $0x100, v19;
	vm13 =	veq.s32 v22, v11  }
0x3a6: {  	[tilespmem:v13+s18+$0x0] =	vst.idx.add.s32.msk vm5, v1;
	v11 =	vand.u32 $0xFF, v18;
	vm14 =	veq.s32 v22, v10  }
0x3a7: {  	[tilespmem:v15+s18+$0x0] =	vst.idx.add.s32.msk vm4, v1;
	v18 =	vor.u32 $0x100, v11  }
0x3a8: {  	[tilespmem:v12+s18+$0x0] =	vst.idx.add.s32.msk vm15, v1  }
0x3a9: {  	[tilespmem:v19+s18+$0x0] =	vst.idx.add.s32.msk vm0, v1  }
0x3aa: {  	[tilespmem:v20+s18+$0x0] =	vst.idx.add.s32.msk vm1, v1  }
0x3ab: {  	[tilespmem:v11+s18+$0x0] =	vst.idx.add.s32.msk vm13, v1  }
0x3ac: {  	s0 =	simm.s32 $0x10040;
	[tilespmem:v18+s18+$0x0] =	vst.idx.add.s32.msk vm14, v1  }
0x3ad: {  	v10 =	vld [tilespmem:s0+$0x30]  }
0x3ae: {  	v11 =	vld [tilespmem:s0+$0xFFFFFFD0]  }
0x3af: {  	v12 =	vld [tilespmem:s0+$0xFFFFFFE0]  }
0x3b0: {  	v13 =	vld [tilespmem:s0+$0xFFFFFFF0]  }
0x3b1: {  	v16 =	vld [tilespmem:s0+$0x0]  }
0x3b2: {  	v17 =	vld [tilespmem:s0+$0x10];
	(xrf0) =	vadd.scan.msk.s32 $0xffff, v10  }
0x3b3: {  	s2 =	simm.s32 $0x1;
	s3 =	simm.s32 $0x2;
	s24 =	simm.s32 $0x7;
	v18 =	vld [tilespmem:s0+$0x20];
	(xrf0) =	vadd.scan.msk.s32 $0xffff, v11  }
0x3b4: {  	s23 =	simm.s32 $0x4;
	s25 =	simm.s32 $0x5;
	v14 =	vmov s3;
	v15 =	vmov s24;
	v20 =	vld [tilespmem:s0+$0xFFFFFFC0];
	v11 =	vmov s2;
	(xrf0) =	vadd.scan.msk.s32 $0xffff, v12  }
0x3b5: {  	s21 =	simm.s32 $0x3;
	v21 =	vmov s25;
	v19 =	vmov s23;
	v11 =	vand.u32 $0xFFFFFFF9, v11;
	(xrf0) =	vadd.scan.msk.s32 $0xffff, v13  }
0x3b6: {  	s1 =	simm.s32 $0x0;
	v12 =	vmov s21;
	v13 =	vand.u32 $0xFFFFFFFA, v14;
	v14 =	vbroadcast v11, $0x0;
	(xrf0) =	vadd.scan.msk.s32 $0xffff, v16  }
0x3b7: {  	v10 =	vmov s1;
	v11 =	vand.u32 $0xFFFFFFFB, v12;
	v13 =	vbroadcast v13, $0x0;
	(xrf0) =	vadd.scan.msk.s32 $0xffff, v17  }
0x3b8: {  	s26 =	simm.s32 $0x6;
	s1 =	simm.s32 $0x100C0;
	v12 =	vand.u32 $0xFFFFFFFC, v19;
	v19 =	vand.u32 $0xFFFFFFFD, v21;
	v11 =	vbroadcast v11, $0x0;
	(xrf0) =	vadd.scan.msk.s32 $0xffff, v18;
	v18, _, _ =	vpop (xrf0)  }
0x3b9: {  	s0 =	simm.s32 $0x8;
	s2 =	simm.s32 $0x10;
	v16 =	vld [tilespmem:s1+$0x30];
	v12 =	vbroadcast v12, $0x0;
	v17 =	vmov s26;
	v18 =	vbroadcast v18, $0xF;
	(xrf0) =	vadd.scan.msk.s32 $0xffff, v20;
	v20, _, _ =	vpop (xrf0)  }
.LBB2_33:
0x3ba: {  	p3 =	slt.u32 s2, $0x18;
	v21 =	vld [tilespmem:s1+$0xFFFFFFD0];
	v20 =	vbroadcast v20, $0xF;
	v19 =	vbroadcast v19, $0x0;
	v17 =	vand.u32 $0xFFFFFFFE, v17;
	v22, _, _ =	vpop (xrf0)  }
0x3bb: {  	v10 =	vand.u32 $0xFFFFFFF8, v10;
	v23 =	vld [tilespmem:s1+$0xFFFFFFE0];
	v22 =	vbroadcast v22, $0xF;
	v17 =	vbroadcast v17, $0x0;
	[tilespmem:v15+s22+$0x0] =	vst.idx.msk $0x1, v18;
	v15, _, _ =	vpop (xrf0)  }
0x3bc: {  	s3 =	sadd.s32 $0x1, s0;
	v24 =	vbroadcast v10, $0x0;
	v18 =	vld [tilespmem:s1+$0xFFFFFFF0];
	[tilespmem:v14+s22+$0x0] =	vst.idx.msk $0x1, v20;
	v27 =	vbroadcast v15, $0xF;
	v15, _, _ =	vpop (xrf0)  }
0x3bd: {  	v10 =	vmov s0;
	v20 =	vmov s3;
	s3 =	sadd.s32 $0x2, s0;
	v25 =	vld [tilespmem:s1+$0x0];
	[tilespmem:v13+s22+$0x0] =	vst.idx.msk $0x1, v22;
	v28 =	vbroadcast v15, $0xF;
	v15, _, _ =	vpop (xrf0)  }
0x3be: {  	v22 =	vmov s3;
	s3 =	sadd.s32 $0x3, s0;
	v26 =	vld [tilespmem:s1+$0x10];
	(xrf0) =	vadd.scan.msk.s32 $0xffff, v16;
	[tilespmem:v11+s22+$0x0] =	vst.idx.msk $0x1, v27;
	v11 =	vbroadcast v15, $0xF;
	v14, _, _ =	vpop (xrf0)  }
0x3bf: {  	v16 =	vmov s3;
	s3 =	sadd.s32 $0x4, s0;
	v27 =	vld [tilespmem:s1+$0x20];
	(xrf0) =	vadd.scan.msk.s32 $0xffff, v21;
	[tilespmem:v12+s22+$0x0] =	vst.idx.msk $0x1, v28;
	v12 =	vbroadcast v14, $0xF;
	v13, _, _ =	vpop (xrf0)  }
0x3c0: {  	v28 =	vmov s3;
	v21 =	vld [tilespmem:s1+$0xFFFFFFC0];
	(xrf0) =	vadd.scan.msk.s32 $0xffff, v23;
	v13 =	vbroadcast v13, $0xF;
	[tilespmem:v19+s22+$0x0] =	vst.idx.msk $0x1, v11  }
.Ltmp15:
0x3c1: {  	s3 =	sadd.s32 $0x7, s0;
	v11 =	vand.u32 $0xFFFFFFF9, v20;
	v19 =	vand.u32 $0xFFFFFFFA, v22;
	(xrf0) =	vadd.scan.msk.s32 $0xffff, v18;
	[tilespmem:v17+s22+$0x0] =	vst.idx.msk $0x1, v12;
	(pc) =	sbr.rel @p3 .LBB2_33-.Ltmp15, $4  }
0x3c2: {  	s4 =	sadd.s32 $0x5, s0;
	v15 =	vmov s3;
	v14 =	vbroadcast v11, $0x0;
	(xrf0) =	vadd.scan.msk.s32 $0xffff, v25;
	[tilespmem:v24+s22+$0x0] =	vst.idx.msk $0x1, v13  }
0x3c3: {  	s3 =	sadd.s32 $0x6, s0;
	s0 =	smov.u32 s2;
	v11 =	vand.u32 $0xFFFFFFFB, v16;
	v18 =	vmov s4;
	v13 =	vbroadcast v19, $0x0;
	(xrf0) =	vadd.scan.msk.s32 $0xffff, v26  }
0x3c4: {  	s1 =	sadd.s32 $0x80, s1;
	v12 =	vand.u32 $0xFFFFFFFC, v28;
	v17 =	vmov s3;
	v11 =	vbroadcast v11, $0x0;
	(xrf0) =	vadd.scan.msk.s32 $0xffff, v27;
	v20, _, _ =	vpop (xrf0)  }
0x3c5: {  	s2 =	sadd.s32 $0x8, s2;
	v12 =	vbroadcast v12, $0x0;
	v19 =	vand.u32 $0xFFFFFFFD, v18;
	v16 =	vld [tilespmem:s1+$0x30];
	v18 =	vbroadcast v20, $0xF;
	(xrf0) =	vadd.scan.msk.s32 $0xffff, v21;
	v20, _, _ =	vpop (xrf0)  }
0x3c6: {  	v21 =	vld [tilespmem:s1+$0xFFFFFFD0]  }
0x3c7: {  	v22 =	vld [tilespmem:s1+$0xFFFFFFE0];
	v20 =	vbroadcast v20, $0xF  }
0x3c8: {  	v19 =	vbroadcast v19, $0x0;
	v17 =	vand.u32 $0xFFFFFFFE, v17;
	v23, _, _ =	vpop (xrf0);
	v24 =	vld [tilespmem:s1+$0xFFFFFFF0];
	v10 =	vand.u32 $0xFFFFFFF8, v10  }
0x3c9: {  	v35 =	vld [tilespmem:s1+$0x0];
	v39 =	vmov s0;
	v9 =	vbroadcast v9, $0xF;
	v23 =	vbroadcast v23, $0xF;
	v34, _, _ =	vpop (xrf0)  }
0x3ca: {  	v38 =	vld [tilespmem:s1+$0x10];
	s2 =	sadd.s32 $0x1, s0;
	s3 =	sadd.s32 $0x2, s0;
	s5 =	sadd.s32 $0x3, s0;
	v17 =	vbroadcast v17, $0x0;
	[tilespmem:v15+s22+$0x0] =	vst.idx.msk $0x1, v18;
	v10 =	vbroadcast v10, $0x0;
	v37, _, _ =	vpop (xrf0);
	(xrf0) =	vadd.scan.msk.s32 $0xffff, v16  }
0x3cb: {  	v41 =	vld [tilespmem:s1+$0x20];
	s6 =	sadd.s32 $0x4, s0;
	s7 =	sadd.s32 $0x7, s0;
	s8 =	sadd.s32 $0x5, s0;
	v42 =	vmov s2;
	v25 =	vmov s3;
	v47 =	vmov s5;
	(xrf0) =	vadd.scan.msk.s32 $0xffff, v21  }
0x3cc: {  	v44 =	vld [tilespmem:s1+$0xFFFFFFC0];
	s9 =	sadd.s32 $0x6, s0;
	v50 =	vmov s6;
	v54 =	vmov s7;
	v57 =	vmov s8;
	v43, _, _ =	vpop (xrf0);
	(xrf0) =	vadd.scan.msk.s32 $0xffff, v22  }
0x3cd: {  	v61 =	vmov s9;
	[tilespmem:v14+s22+$0x0] =	vst.idx.msk $0x1, v20;
	v36 =	vbroadcast v34, $0xF;
	v46, _, _ =	vpop (xrf0);
	(xrf0) =	vadd.scan.msk.s32 $0xffff, v24  }
0x3ce: {  	v51 =	vand.u32 $0xFFFFFFF9, v42;
	v52 =	vand.u32 $0xFFFFFFFA, v25;
	vm0 =	veq.s32 v9, v2;
	v49, _, _ =	vpop (xrf0);
	(xrf0) =	vadd.scan.msk.s32 $0xffff, v35  }
0x3cf: {  	v56 =	vand.u32 $0xFFFFFFFB, v47;
	v60 =	vand.u32 $0xFFFFFFFC, v50;
	v40 =	vbroadcast v37, $0xF;
	(xrf0) =	vadd.scan.msk.s32 $0xffff, v38  }
0x3d0: {  	[tilespmem:v13+s22+$0x0] =	vst.idx.msk $0x1, v23;
	v14 =	vbroadcast v51, $0x0;
	v18 =	vbroadcast v52, $0x0;
	(xrf0) =	vadd.scan.msk.s32 $0xffff, v41;
	v53, _, _ =	vpop (xrf0)  }
0x3d1: {  	v8 =	vnsel vm0, $0x0, v8;
	[tilespmem:v11+s22+$0x0] =	vst.idx.msk $0x1, v36;
	v45 =	vbroadcast v43, $0xF;
	(xrf0) =	vadd.scan.msk.s32 $0xffff, v44;
	v55, _, _ =	vpop (xrf0)  }
0x3d2: {  	v4 =	vnsel vm0, $0x0, v4;
	[tilespmem:v12+s22+$0x0] =	vst.idx.msk $0x1, v40;
	v48 =	vbroadcast v46, $0xF;
	v58, _, _ =	vpop (xrf0);
	(xrf0) =	vadd.scan.msk.s32 $0xffff, v8  }
0x3d3: {  	v59 =	vbroadcast v56, $0x0;
	v13 =	vbroadcast v49, $0xF;
	[tilespmem:v19+s22+$0x0] =	vst.idx.msk $0x1, v45;
	v62, _, _ =	vpop (xrf0);
	(xrf0) =	vadd.scan.msk.s32 $0xffff, v4  }
0x3d4: {  	v20 =	vand.u32 $0xFFFFFFFD, v57;
	v63 =	vbroadcast v60, $0x0;
	[tilespmem:v17+s22+$0x0] =	vst.idx.msk $0x1, v48;
	v15 =	vbroadcast v53, $0xF;
	v24, _, _ =	vpop (xrf0)  }
0x3d5: {  	v27 =	vand.u32 $0xFFFFFFFE, v61;
	v26 =	vbroadcast v20, $0x0;
	[tilespmem:v10+s22+$0x0] =	vst.idx.msk $0x1, v13;
	v25 =	vbroadcast v55, $0xF;
	v28, _, _ =	vpop (xrf0)  }
0x3d6: {  	v16 =	vand.u32 $0xFFFFFFF8, v39;
	v12 =	vbroadcast v27, $0x0;
	v29 =	vbroadcast v58, $0xF;
	[tilespmem:v54+s22+$0x0] =	vst.idx.msk $0x1, v15;
	v30, _, _ =	vpop (xrf0)  }
0x3d7: {  	v31 =	vbroadcast v16, $0x0;
	[tilespmem:v14+s22+$0x0] =	vst.idx.msk $0x1, v25;
	v32 =	vbroadcast v62, $0xF;
	v33, _, _ =	vpop (xrf0)  }
0x3d8: {  	[tilespmem:v18+s22+$0x0] =	vst.idx.msk $0x1, v29;
	v34 =	vbroadcast v24, $0xF;
	v35, _, _ =	vpop (xrf0)  }
0x3d9: {  	[tilespmem:v59+s22+$0x0] =	vst.idx.msk $0x1, v32;
	v36 =	vbroadcast v28, $0xF;
	(v2sf) =	vpush v35, $0xF;
	v37, _, _ =	vpop (xrf0)  }
0x3da: {  	[tilespmem:v63+s22+$0x0] =	vst.idx.msk $0x1, v34;
	v38 =	vbroadcast v30, $0xF;
	(v2sf) =	vpush v37, $0xF  }
0x3db: {  	v39 =	vbroadcast v33, $0xF;
	[tilespmem:v26+s22+$0x0] =	vst.idx.msk $0x1, v36  }
0x3dc: {  	[tilespmem:v12+s22+$0x0] =	vst.idx.msk $0x1, v38  }
0x3dd: {  	[tilespmem:v31+s22+$0x0] =	vst.idx.msk $0x1, v39  }
0x3de: {  	v4 =	vld [tilespmem:$0x12000]  }
0x3df: {  	v7 =	vbroadcast v7, $0xF;
	_ =	sdelay $0x1  }
0x3e0: {  	vm0 =	veq.s32 v7, v2  }
0x3e1: {  	v6 =	vnsel vm0, $0x0, v6  }
0x3e2: {  	v5 =	vnsel vm0, $0x0, v5;
	(xrf0) =	vadd.scan.msk.s32 $0xffff, v6;
	v4 =	vperm.xlane v4, v3  }
0x3e3: {  	(xrf0) =	vadd.scan.msk.s32 $0xffff, v5  }
0x3e4: {  	(xrf0) =	vadd.scan.msk.s32 $0xffff, v4;
	_ =	sdelay $0x2  }
0x3e5: {  	s10 =	spop (v2sf)  }
0x3e6: {  	v40, _, _ =	vpop (xrf0);
	s11 =	spop (v2sf);
	s0 =	ssub.s32 s28, s10  }
0x3e7: {  	v41, _, _ =	vpop (xrf0);
	s1 =	sadd.s32 s11, s0  }
0x3e8: {  	v42, _, _ =	vpop (xrf0);
	s1 =	simm.s32 @!p2 $0x0  }
0x3e9: {  	vm0 =	vlt.s32 v42, s1  }
0x3ea: {  	v43 =	vsel vm0, $0x1, v0  }
0x3eb: {  	(xrf0) =	vadd.scan.msk.s32 $0xffff, v43;
	_ =	sdelay $0x4  }
0x3ec: {  	(v2sf) =	vpush v40, $0xF  }
0x3ed: {  	(v2sf) =	vpush v41, $0xF;
	v44, _, _ =	vpop (xrf0)  }
0x3ee: {  	(v2sf) =	vpush v44, $0xF;
	_ =	sdelay $0x2  }
0x3ef: {  	v5 =	vbroadcast v44, $0xF;
	_ =	sdelay $0x1  }
0x3f0: {  	vm0 =	veq.s32 v5, v2  }
0x3f1: {  	v5 =	vnsel vm0, $0x0, v42  }
0x3f2: {  	v4 =	vnsel vm0, $0x0, v4;
	(xrf0) =	vadd.scan.msk.s32 $0xffff, v5  }
0x3f3: {  	(xrf0) =	vadd.scan.msk.s32 $0xffff, v4;
	_ =	sdelay $0x4  }
0x3f4: {  	s12 =	spop (v2sf);
	v45, _, _ =	vpop (xrf0)  }
0x3f5: {  	s13 =	spop (v2sf);
	(v2sf) =	vpush v45, $0xF;
	v46, _, _ =	vpop (xrf0)  }
0x3f6: {  	(v2sf) =	vpush v46, $0xF;
	s14 =	spop (v2sf)  }
0x3f7: {  	s4 =	sshll.u32 s14, $0x4  }
0x3f8: {  	p2 =	slt.s32 s14, $0x10;
	s0 =	ssub.s32 $0xF0, s4  }
0x3f9: {  	s0 =	simm.s32 @!p2 $0x0  }
0x3fa: {  	v47 =	vld [tilespmem:s0+$0x10000];
	_ =	sdelay $0x4  }
0x3fb: {  	v3 =	vperm.xlane v47, v3;
	_ =	sdelay $0x1  }
0x3fc: {  	(xrf0) =	vadd.scan.msk.s32 $0xffff, v3;
	_ =	sdelay $0x2  }
0x3fd: {  	s15 =	spop (v2sf)  }
0x3fe: {  	s5 =	spop (v2sf);
	s1 =	ssub.s32 s1, s15  }
0x3ff: {  	s1 =	sadd.s32 s5, s1  }
0x400: {  	s1 =	simm.s32 @!p2 $0x0;
	v48, _, _ =	vpop (xrf0)  }
0x401: {  	vm0 =	vlt.s32 v48, s1  }
0x402: {  	v49 =	vsel vm0, $0x1, v0  }
0x403: {  	(xrf0) =	vadd.scan.msk.s32 $0xffff, v49;
	_ =	sdelay $0x5  }
0x404: {  	v5, _, _ =	vpop (xrf0)  }
0x405: {  	v50 =	vbroadcast v5, $0xF  }
0x406: {  	v51 =	vld [tilespmem:$0x12010]  }
0x407: {  	vm0 =	veq.s32 v50, v2  }
0x408: {  	v4 =	vnsel vm0, $0x0, v48  }
0x409: {  	v3 =	vnsel vm0, $0x0, v3;
	(xrf0) =	vadd.scan.msk.s32 $0xffff, v4  }
0x40a: {  	(xrf0) =	vadd.scan.msk.s32 $0xffff, v3  }
0x40b: {  	(xrf0) =	vadd.scan.msk.s32 $0xffff, v51;
	_ =	sdelay $0x3  }
0x40c: {  	s2 =	ssub.s32 s29, s12;
	v3, _, _ =	vpop (xrf0)  }
0x40d: {  	s2 =	sadd.s32 s13, s2;
	v52, _, _ =	vpop (xrf0)  }
0x40e: {  	s2 =	simm.s32 @!p1 $0x0;
	v53, _, _ =	vpop (xrf0)  }
0x40f: {  	vm0 =	vlt.s32 v53, s2  }
0x410: {  	v54 =	vsel vm0, $0x1, v0  }
0x411: {  	(xrf0) =	vadd.scan.msk.s32 $0xffff, v54;
	_ =	sdelay $0x3  }
0x412: {  	(v2sf) =	vpush v5, $0xF  }
0x413: {  	(v2sf) =	vpush v3, $0xF  }
0x414: {  	(v2sf) =	vpush v52, $0xF;
	v3, _, _ =	vpop (xrf0)  }
0x415: {  	(v2sf) =	vpush v3, $0xF;
	v3 =	vbroadcast v3, $0xF;
	_ =	sdelay $0x1  }
0x416: {  	vm0 =	veq.s32 v3, v2  }
0x417: {  	v3 =	vnsel vm0, $0x0, v53  }
0x418: {  	(xrf0) =	vadd.scan.msk.s32 $0xffff, v3;
	v3 =	vnsel vm0, $0x0, v51  }
0x419: {  	(xrf0) =	vadd.scan.msk.s32 $0xffff, v3;
	_ =	sdelay $0x4  }
0x41a: {  	v3, _, _ =	vpop (xrf0)  }
0x41b: {  	(v2sf) =	vpush v3, $0xF;
	v3, _, _ =	vpop (xrf0)  }
0x41c: {  	s16 =	spop (v2sf);
	(v2sf) =	vpush v3, $0xF  }
0x41d: {  	s17 =	spop (v2sf)  }
0x41e: {  	s5 =	spop (v2sf)  }
0x41f: {  	s6 =	spop (v2sf)  }
0x420: {  	p1 =	slt.s32 s6, $0x10;
	s6 =	sshll.u32 s6, $0x4  }
0x421: {  	s6 =	simm.s32 @!p1 $0x0  }
0x422: {  	v3 =	vld [tilespmem:s6+$0x10100];
	_ =	sdelay $0x4  }
0x423: {  	(xrf0) =	vadd.scan.msk.s32 $0xffff, v3;
	_ =	sdelay $0x2  }
0x424: {  	s7 =	spop (v2sf)  }
0x425: {  	s2 =	ssub.s32 s2, s7;
	s19 =	spop (v2sf)  }
0x426: {  	s2 =	sadd.s32 s19, s2  }
0x427: {  	s2 =	simm.s32 @!p1 $0x0;
	v55, _, _ =	vpop (xrf0)  }
0x428: {  	vm0 =	vlt.s32 v55, s2  }
0x429: {  	v56 =	vsel vm0, $0x1, v0  }
0x42a: {  	(xrf0) =	vadd.scan.msk.s32 $0xffff, v56;
	_ =	sdelay $0x5  }
0x42b: {  	v5, _, _ =	vpop (xrf0)  }
0x42c: {  	v57 =	vbroadcast v5, $0xF;
	_ =	sdelay $0x1  }
0x42d: {  	vm0 =	veq.s32 v57, v2  }
0x42e: {  	v4 =	vnsel vm0, $0x0, v55  }
0x42f: {  	v3 =	vnsel vm0, $0x0, v3;
	(xrf0) =	vadd.scan.msk.s32 $0xffff, v4  }
0x430: {  	(xrf0) =	vadd.scan.msk.s32 $0xffff, v3;
	_ =	sdelay $0x4  }
0x431: {  	(v2sf) =	vpush v5, $0xF;
	v3, _, _ =	vpop (xrf0)  }
0x432: {  	(v2sf) =	vpush v3, $0xF;
	v3, _, _ =	vpop (xrf0)  }
0x433: {  	(v2sf) =	vpush v3, $0xF;
	_ =	sdelay $0xc  }
0x434: {  	s1 =	ssub.s32 s1, s17;
	p1 =	slt.s32 s16, $0x10;
	s7 =	spop (v2sf)  }
0x435: {  	s1 =	sadd.s32 s5, s1;
	s5 =	simm.s32 @!p1 $0x0;
	s20 =	spop (v2sf)  }
0x436: {  	p2 =	slt.s32 s7, $0x10;
	s2 =	ssub.s32 s2, s20;
	s4 =	spop (v2sf)  }
0x437: {  	v3 =	vmov s5;
	s2 =	sadd.s32 s4, s2;
	s4 =	simm.s32 @!p2 $0x0  }
0x438: {  	v3 =	vcvt.s32.f32 v3;
	v58 =	vmov s4  }
0x439: {  	v4 =	vcvt.s32.f32 v58  }
0x43a: {  	v3 =	vbroadcast v3, $0x0  }
0x43b: {  	v4 =	vbroadcast v4, $0x0  }
0x43c: {  	(erf) = vrcp.f32 v3  }
0x43d: {  	(erf) = vrcp.f32 v4;
	_ =	sdelay $0x2  }
0x43e: {  	s3 =	ssub.s32 $0xF, s16  }
0x43f: {  	s3 =	simm.s32 @!p1 $0x0  }
0x440: {  	s21 =	sshll.u32 s31, $0x8;
	s1 =	simm.s32 @!p1 $0x0;
	s0 =	sadd.s32 s0, s3  }
0x441: {  	s0 =	sor.u32 s21, s0;
	s7 =	simm.s32 @!p2 $0x0;
	v3 =	vmov s1;
	s2 =	simm.s32 @!p2 $0x0  }
0x442: {  	s24 =	sshll.u32 s30, $0x8;
	s0 =	sxor.u32 $0x80000000, s0;
	s23 =	sadd.s32 s6, s7;
	v3 =	vcvt.s32.f32 v3;
	v59 =	vmov s2  }
0x443: {  	v61 =	vmov s0;
	vm0 =	vcmask $0x300;
	s1 =	sor.u32 s24, s23;
	v60 =	vpop (erf);
	v4 =	vcvt.s32.f32 v59  }
0x444: {  	s26 =	rddreg [dreg:$0x8];
	v6 =	vnsel vm0, $0x0, v61;
	vm0 =	vcmask $0x704;
	s25 =	sxor.u32 $0x80000000, s1;
	v3 =	vmul.f32 v3, v60;
	v62 =	vpop (erf)  }
0x445: {  	s28 =	rddreg [dreg:$0xc];
	v63 =	vsel vm0, s25, v6;
	v4 =	vmul.f32 v4, v62  }
0x446: {  	s30 =	simm.s32 $0x12200;
	s0 =	sor.u32 s26, s28;
	v3 =	vsel vm2, v63, v3  }
0x447: {  	s31 =	simm.s32 $0x5;
	s29 =	rddreg [dreg:$0x3];
	s0 =	sshrl.u32 s0, $0x3;
	v3 =	vsel vm3, v3, v4  }
.Ltmp16:
0x448: {  	s0 =	sadd.s32 s29, s0;
	s5 =	simm.s32 $0x0;
	[tilespmem:$0x12200] =	vst v3;
	(pc) =	sbr.rel @p0 .LBB2_2-.Ltmp16, $4  }
0x449: {  	[hbm4b:s0+s5] =	stream.linear.scatter [tilespmem:s30], [sflag:$0x5], $0x80, $0x38;
	[tilespmem:$0x12280] =	vst v63  }
0x44a: {  	_ =	swait.ge [sflag:s31], $0x80  }
0x44b: {  	[sflag:s31] =	ssyncset.done $0x0  }
0x44c: {  	p1 =	por $0x0, $0x0;
	s0 =	simm.s32 $0x80;
	[sflag:s31] =	ssyncadd.s32 $0xFFFFFF80  }
0x44d: {  	s1 =	rddreg [dreg:$0xb]  }
0x44e: {  	s0 =	rddreg [dreg:$0x9];
	s1 =	sadd.s32 $0x1, s1  }
0x44f: {  	p0 =	sne.s32 s1, s0  }
.Ltmp17:
0x450: {  	_ = 	snop;
	(pc) =	sbr.rel @p0 .LBB2_1-.Ltmp17, $1  }
0x451: {  	_ =	sdelay $0x3  }
0x452: {  	_ =	sfence.sel $0x180000  }
0x453: {  	[bflag:$0x0] =	sbarrier.arrive $0xFFFF  }
0x454: {  	_ =	strace $0x90000047  }
0x455: {  	s0 =	stileid.u32;
	[bflag:$0x2] =	sbarrier.arrive $0xFFFF  }
0x456: {  	p0 =	sne.s32 s0, $0x0;
	s0 =	rddreg [dreg:$0x1]  }
0x457: {  	s0 =	sadd.s32 @!p0 $0x100000, s0  }
0x458: {  	[sflag:s0] =	ssyncadd.tile.s32 @!p0 $0x1;
	_ =	shalt  }
.Lfunc_end2:
_tile_overlayer_lowered:
.L_overlay_start_2:
0x459: {  	(tag) =	ssettag $0x2  }
0x45a: {  	s0 =	rddreg [dreg:$0x0];
	s2 =	stileid.u32  }
0x45b: {  	s1 =	rddreg [dreg:$0x1];
	p0 =	sne.s32 s2, $0x0  }
0x45c: {  	s3 =	rddreg [dreg:$0x2];
	[bflag:$0x3] =	sbarrier.arrive $0xFFFF;
	s2 =	simm.s32 @!p0 $0x1C05  }
0x45d: {  	[timem:s3], [sflag:s2] =	dma.local @!p0 [hbm:s0], s1  }
0x45e: {  	s0 =	simm.s32 @!p0 $0x5  }
0x45f: {  	_ =	swait.ge @!p0 [sflag:s0], s1  }
0x460: {  	s1 =	ssub.s32 @!p0 $0x0, s1;
	[sflag:s0] =	ssyncset.done @!p0 $0x0  }
0x461: {  	[sflag:s0] =	ssyncadd.s32 @!p0 s1  }
0x462: {  	[bflag:$0x3] =	sbarrier.arrive $0xFFFF  }
0x463: {  	_ =	shalt  }

</sc_bundles>
